<compile_context>
chip_gen: v7x
topology: tpu7x:2x2x1
jax: 0.10.2.dev20260603
libtpu: 0.0.44.dev20260713+nightly
codegen_flags: <defaults>
</compile_context>

<pallas_src>
import functools

import jax
import jax.numpy as jnp
from jax import lax
from jax.experimental import pallas as pl
from jax.experimental.pallas import tpu as pltpu
from jax.experimental.pallas import tpu_sc as plsc

BATCH = 16384
D = 64
H1 = 128
V = 100000
FPS = 4
OCHUNK = 8192
BSEG = 6400


def _do_table(tbl_h, tail_h, bias_h, ids_h, emb_h, bias_out_h, s,
              ids_v, slice_v, out_v):
    pltpu.sync_copy(ids_h, ids_v)
    for k in range(FPS):
        f = s * FPS + k
        pltpu.sync_copy(tbl_h.at[f], slice_v)
        for half in range(BATCH // OCHUNK):
            col0 = half * OCHUNK

            @plsc.parallel_loop(0, OCHUNK // 16, step=1, unroll=8)
            def body(i):
                iv = ids_v[pl.ds(col0 + i * 16, 16)]
                out_v[pl.ds(i * 16, 16)] = plsc.load_gather(slice_v, [iv])

            pltpu.sync_copy(out_v, emb_h.at[f, pl.ds(col0, OCHUNK)])

    bbase = s * BSEG

    @pl.when(s < 15)
    def _bd0():
        pltpu.sync_copy(
            bias_h.at[0, pl.ds(pl.multiple_of(bbase, 128), BSEG)],
            slice_v.at[pl.ds(0, BSEG)])

    @pl.when(s == 15)
    def _bd1():
        pltpu.sync_copy(bias_h.at[0, pl.ds(15 * BSEG, V - 32 - 15 * BSEG)],
                        slice_v.at[pl.ds(0, V - 32 - 15 * BSEG)])
        pltpu.sync_copy(tail_h.at[pl.ds(D * 128, 128)],
                        slice_v.at[pl.ds(V - 32 - 15 * BSEG, 128)])

    for half in range(BATCH // OCHUNK):
        col0 = half * OCHUNK

        @plsc.parallel_loop(0, OCHUNK // 16, step=1, unroll=8)
        def bias_body(i):
            iv = ids_v[pl.ds(col0 + i * 16, 16)]
            m = (iv >= bbase) & (iv < bbase + BSEG)
            g = plsc.load_gather(slice_v, [iv - bbase], mask=m)
            out_v[pl.ds(i * 16, 16)] = jnp.where(m, g, 0.0)

        pltpu.sync_copy(out_v, bias_out_h.at[s, pl.ds(col0, OCHUNK)])


def _sc_gather(uid, iid, U1t, Q1t, A1t, B1t, Ut_tail, Qt_tail):
    mesh = plsc.VectorSubcoreMesh(core_axis_name="c", subcore_axis_name="s")

    @functools.partial(
        pl.kernel,
        out_type=[
            jax.ShapeDtypeStruct((D, BATCH), jnp.float32),
            jax.ShapeDtypeStruct((D, BATCH), jnp.float32),
            jax.ShapeDtypeStruct((16, BATCH), jnp.float32),
            jax.ShapeDtypeStruct((16, BATCH), jnp.float32),
        ],
        mesh=mesh,
        scratch_types=[
            pltpu.VMEM((BATCH,), jnp.int32),
            pltpu.VMEM((V,), jnp.float32),
            pltpu.VMEM((OCHUNK,), jnp.float32),
        ],
        compiler_params=pltpu.CompilerParams(needs_layout_passes=False),
    )
    def k(uid_h, iid_h, u_h, q_h, a_h, b_h, ut_h, qt_h,
          ueT_h, ieT_h, ubp_h, ibp_h, ids_v, slice_v, out_v):
        s = lax.axis_index("s")
        c = lax.axis_index("c")

        @pl.when(c == 0)
        def _user():
            _do_table(u_h, ut_h, a_h, uid_h, ueT_h, ubp_h, s,
                      ids_v, slice_v, out_v)

        @pl.when(c == 1)
        def _item():
            _do_table(q_h, qt_h, b_h, iid_h, ieT_h, ibp_h, s,
                      ids_v, slice_v, out_v)

    return k(uid, iid, U1t, Q1t, A1t, B1t, Ut_tail, Qt_tail)


def _tc_body(uT_ref, qT_ref, ubp_ref, ibp_ref, w1_ref, b1_ref, w2_ref,
             b2_ref, pred_ref, score_ref):
    uT = uT_ref[...]
    qT = qT_ref[...]
    pT = uT * qT
    pred_ref[...] = (jnp.sum(pT, axis=0) + jnp.sum(ubp_ref[...], axis=0)
                     + jnp.sum(ibp_ref[...], axis=0))
    xT = jnp.concatenate([uT, qT, pT], axis=0)
    h = lax.dot_general(w1_ref[...], xT, (((1,), (0,)), ((), ())),
                        preferred_element_type=jnp.float32)
    h = jnp.maximum(h + b1_ref[...][:, None], 0.0)
    score_ref[...] = jnp.sum(h * w2_ref[...][:, None], axis=0) + b2_ref[0]


def _tc_dense(ueT, ieT, ubp, ibp, W1, b1, W2r, b2):
    bb = 2048
    grid = (BATCH // bb,)
    return pl.pallas_call(
        _tc_body,
        grid=grid,
        in_specs=[
            pl.BlockSpec((D, bb), lambda i: (0, i)),
            pl.BlockSpec((D, bb), lambda i: (0, i)),
            pl.BlockSpec((16, bb), lambda i: (0, i)),
            pl.BlockSpec((16, bb), lambda i: (0, i)),
            pl.BlockSpec((H1, 3 * D), lambda i: (0, 0)),
            pl.BlockSpec((H1,), lambda i: (0,)),
            pl.BlockSpec((H1,), lambda i: (0,)),
            pl.BlockSpec(memory_space=pltpu.SMEM),
        ],
        out_specs=[
            pl.BlockSpec((bb,), lambda i: (i,)),
            pl.BlockSpec((bb,), lambda i: (i,)),
        ],
        out_shape=[
            jax.ShapeDtypeStruct((BATCH,), jnp.float32),
            jax.ShapeDtypeStruct((BATCH,), jnp.float32),
        ],
    )(ueT, ieT, ubp, ibp, W1, b1, W2r, b2)


def kernel(user_ids, item_ids, U1, Q1, A1, B1, W1, b1, W2, b2):
    uid = user_ids.astype(jnp.int32)
    iid = item_ids.astype(jnp.int32)
    ut_tail = jnp.pad(
        jnp.concatenate([U1[V - 32:].T, A1[V - 32:].reshape(1, 32)], 0),
        ((0, 0), (0, 96))).reshape(-1)
    qt_tail = jnp.pad(
        jnp.concatenate([Q1[V - 32:].T, B1[V - 32:].reshape(1, 32)], 0),
        ((0, 0), (0, 96))).reshape(-1)
    ueT, ieT, ubp, ibp = _sc_gather(uid, iid, U1.T, Q1.T, A1.T, B1.T,
                                    ut_tail, qt_tail)
    pred, score = _tc_dense(ueT, ieT, ubp, ibp, W1, b1, W2.reshape(-1), b2)
    return (pred, score)

# --- scband reference (transcript-rebuilt; emitter-appended) ---
"""Pipeline reference for scband-multi-task-net-12197707120891 (READ-ONLY COPY).

The authoritative reference and input builder live on the scoring server;
editing this copy changes nothing except your own understanding.
"""

import jax, jax.numpy as jnp
import numpy as np

NUM_USERS = 100000
NUM_ITEMS = 100000
D = 64
BATCH = 16384
H1_IN = 3 * D  # 192
H1_OUT = 128


def setup_inputs(seed: int = 0) -> dict:
    key = jax.random.key(seed)
    ks = jax.random.split(key, 10)
    user_ids = jax.random.randint(ks[0], (BATCH,), 0, NUM_USERS, dtype=jnp.int64 if jax.config.jax_enable_x64 else jnp.int32)
    item_ids = jax.random.randint(ks[1], (BATCH,), 0, NUM_ITEMS, dtype=jnp.int64 if jax.config.jax_enable_x64 else jnp.int32)
    # ScaledEmbedding init: normal(0, 1/embedding_dim)
    U1 = jax.random.normal(ks[2], (NUM_USERS, D), dtype=jnp.float32) / D
    Q1 = jax.random.normal(ks[3], (NUM_ITEMS, D), dtype=jnp.float32) / D
    # ZeroEmbedding biases (use tiny random so outputs are nontrivial)
    A1 = jax.random.normal(ks[4], (NUM_USERS, 1), dtype=jnp.float32) * 0.01
    B1 = jax.random.normal(ks[5], (NUM_ITEMS, 1), dtype=jnp.float32) * 0.01
    # MLP: Linear(192, 128) -> ReLU -> Linear(128, 1)
    W1 = jax.random.normal(ks[6], (H1_OUT, H1_IN), dtype=jnp.float32) * (1.0 / np.sqrt(H1_IN))
    b1 = jnp.zeros((H1_OUT,), dtype=jnp.float32)
    W2 = jax.random.normal(ks[7], (1, H1_OUT), dtype=jnp.float32) * (1.0 / np.sqrt(H1_OUT))
    b2 = jnp.zeros((1,), dtype=jnp.float32)
    return {
        "user_ids": user_ids,
        "item_ids": item_ids,
        "U1": U1,
        "Q1": Q1,
        "A1": A1,
        "B1": B1,
        "W1": W1,
        "b1": b1,
        "W2": W2,
        "b2": b2,
    }


def reference(user_ids, item_ids, U1, Q1, A1, B1, W1, b1, W2, b2):
    # embedding_sharing=True: U2=U1, Q2=Q1
    user_embd1 = jnp.take(U1, user_ids, axis=0)
    item_embd1 = jnp.take(Q1, item_ids, axis=0)
    user_bias1 = jnp.take(A1, user_ids, axis=0).reshape(-1)
    item_bias1 = jnp.take(B1, item_ids, axis=0).reshape(-1)
    inner_products = (user_embd1 * item_embd1).sum(axis=1)
    predictions = inner_products + user_bias1 + item_bias1
    user_embd2 = user_embd1
    item_embd2 = item_embd1
    mlp_input = jnp.concatenate([user_embd2, item_embd2, user_embd2 * item_embd2], axis=-1)
    h = jax.nn.relu(mlp_input @ W1.T + b1)
    score = (h @ W2.T + b2).reshape(-1)
    return (predictions, score)

if __name__ == "__main__":
    import jax
    _d = setup_inputs()
    print(jax.jit(kernel)(*tuple(_d.values())))

</pallas_src>

<mosaic_0001>
#map = affine_map<(d0, d1) -> (0)>
#map1 = affine_map<(d0, d1) -> (0, 0)>
module attributes {stable_mosaic.version = 14 : i64} {
  func.func @k(%arg0: i32, %arg1: i32, %arg2: memref<16384xi32, #tpu.memory_space<hbm>>, %arg3: memref<16384xi32, #tpu.memory_space<hbm>>, %arg4: memref<64x100000xf32, #tpu.memory_space<hbm>>, %arg5: memref<64x100000xf32, #tpu.memory_space<hbm>>, %arg6: memref<1x100000xf32, #tpu.memory_space<hbm>>, %arg7: memref<1x100000xf32, #tpu.memory_space<hbm>>, %arg8: memref<8320xf32, #tpu.memory_space<hbm>>, %arg9: memref<8320xf32, #tpu.memory_space<hbm>>, %arg10: memref<64x16384xf32, #tpu.memory_space<hbm>>, %arg11: memref<64x16384xf32, #tpu.memory_space<hbm>>, %arg12: memref<16x16384xf32, #tpu.memory_space<hbm>>, %arg13: memref<16x16384xf32, #tpu.memory_space<hbm>>, %arg14: memref<16384xi32, #tpu.memory_space<vmem>>, %arg15: memref<100000xf32, #tpu.memory_space<vmem>>, %arg16: memref<8192xf32, #tpu.memory_space<vmem>>) attributes {dimension_semantics = [#tpu.dimension_semantics<core_parallel>, #tpu.dimension_semantics<subcore_parallel>], iteration_bounds = array<i64: 2, 16>, scalar_prefetch = 0 : i64, scratch_operands = 3 : i64, tpu.core_type = #tpu.core_type<sc_vector_subcore>, window_params = [{transform_indices = #map}, {transform_indices = #map}, {transform_indices = #map1}, {transform_indices = #map1}, {transform_indices = #map1}, {transform_indices = #map1}, {transform_indices = #map}, {transform_indices = #map}, {transform_indices = #map1}, {transform_indices = #map1}, {transform_indices = #map1}, {transform_indices = #map1}]} {
    %eq3A = arith.constant 0 : i32
    %eq3A_0 = arith.cmpi eq, %arg0, %eq3A : i32
    %convert_element_type3A = arith.extui %eq3A_0 : i1 to i32
    %cond3A = arith.constant 0 : i32
    %cond3A_1 = arith.cmpi ne, %convert_element_type3A, %cond3A : i32
    scf.if %cond3A_1 {
      "tpu.region"() ({
        %run_scoped3A = tpu.sem_alloc : memref<!tpu.dma_semaphore, #tpu.memory_space<semaphore_mem>>
        tpu.enqueue_dma source(%arg2 : memref<16384xi32, #tpu.memory_space<hbm>>) target(%arg14 : memref<16384xi32, #tpu.memory_space<vmem>>) target_semaphore(%run_scoped3A : memref<!tpu.dma_semaphore, #tpu.memory_space<semaphore_mem>>)
        tpu.wait_dma2 semaphore(%run_scoped3A : memref<!tpu.dma_semaphore, #tpu.memory_space<semaphore_mem>>) src(%arg2 : memref<16384xi32, #tpu.memory_space<hbm>>) dst(%arg14 : memref<16384xi32, #tpu.memory_space<vmem>>)
        tpu.yield
      }) : () -> ()
      %mul3A = arith.constant 4 : i32
      %mul3A_7 = arith.muli %arg1, %mul3A : i32
      %add3A = arith.constant 0 : i32
      %add3A_8 = arith.addi %mul3A_7, %add3A : i32
      "tpu.region"() ({
        %run_scoped3A = tpu.sem_alloc : memref<!tpu.dma_semaphore, #tpu.memory_space<semaphore_mem>>
        %dma_start3A = arith.constant 0 : i32
        %dma_start3A_61 = tpu.memref_slice %arg4[%add3A_8, %dma_start3A] : memref<64x100000xf32, #tpu.memory_space<hbm>> -> memref<1x100000xf32, #tpu.memory_space<hbm>>
        %dma_start3A_62 = tpu.memref_squeeze %dma_start3A_61 : memref<1x100000xf32, #tpu.memory_space<hbm>> -> memref<100000xf32, #tpu.memory_space<hbm>>
        %dma_start3A_63 = arith.constant 0 : i32
        %dma_start3A_64 = tpu.memref_slice %arg4[%add3A_8, %dma_start3A_63] : memref<64x100000xf32, #tpu.memory_space<hbm>> -> memref<1x100000xf32, #tpu.memory_space<hbm>>
        %dma_start3A_65 = tpu.memref_squeeze %dma_start3A_64 : memref<1x100000xf32, #tpu.memory_space<hbm>> -> memref<100000xf32, #tpu.memory_space<hbm>>
        tpu.enqueue_dma source(%dma_start3A_65 : memref<100000xf32, #tpu.memory_space<hbm>>) target(%arg15 : memref<100000xf32, #tpu.memory_space<vmem>>) target_semaphore(%run_scoped3A : memref<!tpu.dma_semaphore, #tpu.memory_space<semaphore_mem>>)
        %dma_wait3A = arith.constant 0 : i32
        %dma_wait3A_66 = tpu.memref_slice %arg4[%add3A_8, %dma_wait3A] : memref<64x100000xf32, #tpu.memory_space<hbm>> -> memref<1x100000xf32, #tpu.memory_space<hbm>>
        %dma_wait3A_67 = tpu.memref_squeeze %dma_wait3A_66 : memref<1x100000xf32, #tpu.memory_space<hbm>> -> memref<100000xf32, #tpu.memory_space<hbm>>
        %dma_wait3A_68 = arith.constant 0 : i32
        %dma_wait3A_69 = tpu.memref_slice %arg4[%add3A_8, %dma_wait3A_68] : memref<64x100000xf32, #tpu.memory_space<hbm>> -> memref<1x100000xf32, #tpu.memory_space<hbm>>
        %dma_wait3A_70 = tpu.memref_squeeze %dma_wait3A_69 : memref<1x100000xf32, #tpu.memory_space<hbm>> -> memref<100000xf32, #tpu.memory_space<hbm>>
        tpu.wait_dma2 semaphore(%run_scoped3A : memref<!tpu.dma_semaphore, #tpu.memory_space<semaphore_mem>>) src(%dma_wait3A_70 : memref<100000xf32, #tpu.memory_space<hbm>>) dst(%arg15 : memref<100000xf32, #tpu.memory_space<vmem>>)
        tpu.yield
      }) : () -> ()
      %parallel_loop3A = arith.constant 0 : i32
      %parallel_loop3A_9 = arith.constant 512 : i32
      %parallel_loop3A_10 = arith.constant 1 : i32
      scf.for %parallel_loop3A_61 = %parallel_loop3A to %parallel_loop3A_9 step %parallel_loop3A_10  : i32 {
        %parallel_loop3A_62 = arith.constant 16 : i32
        %parallel_loop3A_63 = arith.muli %parallel_loop3A_61, %parallel_loop3A_62 : i32
        %parallel_loop3A_64 = arith.constant 0 : i32
        %parallel_loop3A_65 = arith.addi %parallel_loop3A_64, %parallel_loop3A_63 : i32
        %parallel_loop3A_66 = arith.index_cast %parallel_loop3A_65 : i32 to index
        %parallel_loop3A_67 = tpu.vector_load %arg14[%parallel_loop3A_66] {strides = array<i32>} : memref<16384xi32, #tpu.memory_space<vmem>>, vector<16xi32>,
        %parallel_loop3A_68 = tpu.vector_load_idx %arg15[%parallel_loop3A_67] : memref<100000xf32, #tpu.memory_space<vmem>>[vector<16xi32>], vector<16xf32>,
        %parallel_loop3A_69 = arith.constant 16 : i32
        %parallel_loop3A_70 = arith.muli %parallel_loop3A_61, %parallel_loop3A_69 : i32
        %parallel_loop3A_71 = arith.index_cast %parallel_loop3A_70 : i32 to index
        %parallel_loop3A_72 = tpu.vector_load %arg16[%parallel_loop3A_71] {strides = array<i32>} : memref<8192xf32, #tpu.memory_space<vmem>>, vector<16xf32>,
        tpu.vector_store %arg16[%parallel_loop3A_71], %parallel_loop3A_68 {strides = array<i32>} : memref<8192xf32, #tpu.memory_space<vmem>>, vector<16xf32>,
      } {sc.loop_unroll_factor = 8 : i64, sc.parallel_access}
      "tpu.region"() ({
        %run_scoped3A = tpu.sem_alloc : memref<!tpu.dma_semaphore, #tpu.memory_space<semaphore_mem>>
        %dma_start3A = arith.constant 0 : i32
        %dma_start3A_61 = tpu.memref_slice %arg10[%add3A_8, %dma_start3A] : memref<64x16384xf32, #tpu.memory_space<hbm>> -> memref<1x8192xf32, #tpu.memory_space<hbm>>
        %dma_start3A_62 = tpu.memref_squeeze %dma_start3A_61 : memref<1x8192xf32, #tpu.memory_space<hbm>> -> memref<8192xf32, #tpu.memory_space<hbm>>
        %dma_start3A_63 = arith.constant 0 : i32
        %dma_start3A_64 = tpu.memref_slice %arg10[%add3A_8, %dma_start3A_63] : memref<64x16384xf32, #tpu.memory_space<hbm>> -> memref<1x8192xf32, #tpu.memory_space<hbm>>
        %dma_start3A_65 = tpu.memref_squeeze %dma_start3A_64 : memref<1x8192xf32, #tpu.memory_space<hbm>> -> memref<8192xf32, #tpu.memory_space<hbm>>
        tpu.enqueue_dma source(%arg16 : memref<8192xf32, #tpu.memory_space<vmem>>) target(%dma_start3A_65 : memref<8192xf32, #tpu.memory_space<hbm>>) target_semaphore(%run_scoped3A : memref<!tpu.dma_semaphore, #tpu.memory_space<semaphore_mem>>)
        %dma_wait3A = arith.constant 0 : i32
        %dma_wait3A_66 = tpu.memref_slice %arg10[%add3A_8, %dma_wait3A] : memref<64x16384xf32, #tpu.memory_space<hbm>> -> memref<1x8192xf32, #tpu.memory_space<hbm>>
        %dma_wait3A_67 = tpu.memref_squeeze %dma_wait3A_66 : memref<1x8192xf32, #tpu.memory_space<hbm>> -> memref<8192xf32, #tpu.memory_space<hbm>>
        %dma_wait3A_68 = arith.constant 0 : i32
        %dma_wait3A_69 = tpu.memref_slice %arg10[%add3A_8, %dma_wait3A_68] : memref<64x16384xf32, #tpu.memory_space<hbm>> -> memref<1x8192xf32, #tpu.memory_space<hbm>>
        %dma_wait3A_70 = tpu.memref_squeeze %dma_wait3A_69 : memref<1x8192xf32, #tpu.memory_space<hbm>> -> memref<8192xf32, #tpu.memory_space<hbm>>
        tpu.wait_dma2 semaphore(%run_scoped3A : memref<!tpu.dma_semaphore, #tpu.memory_space<semaphore_mem>>) src(%arg16 : memref<8192xf32, #tpu.memory_space<vmem>>) dst(%dma_wait3A_70 : memref<8192xf32, #tpu.memory_space<hbm>>)
        tpu.yield
      }) : () -> ()
      %parallel_loop3A_11 = arith.constant 0 : i32
      %parallel_loop3A_12 = arith.constant 512 : i32
      %parallel_loop3A_13 = arith.constant 1 : i32
      scf.for %parallel_loop3A_61 = %parallel_loop3A_11 to %parallel_loop3A_12 step %parallel_loop3A_13  : i32 {
        %parallel_loop3A_62 = arith.constant 16 : i32
        %parallel_loop3A_63 = arith.muli %parallel_loop3A_61, %parallel_loop3A_62 : i32
        %parallel_loop3A_64 = arith.constant 8192 : i32
        %parallel_loop3A_65 = arith.addi %parallel_loop3A_64, %parallel_loop3A_63 : i32
        %parallel_loop3A_66 = arith.index_cast %parallel_loop3A_65 : i32 to index
        %parallel_loop3A_67 = tpu.vector_load %arg14[%parallel_loop3A_66] {strides = array<i32>} : memref<16384xi32, #tpu.memory_space<vmem>>, vector<16xi32>,
        %parallel_loop3A_68 = tpu.vector_load_idx %arg15[%parallel_loop3A_67] : memref<100000xf32, #tpu.memory_space<vmem>>[vector<16xi32>], vector<16xf32>,
        %parallel_loop3A_69 = arith.constant 16 : i32
        %parallel_loop3A_70 = arith.muli %parallel_loop3A_61, %parallel_loop3A_69 : i32
        %parallel_loop3A_71 = arith.index_cast %parallel_loop3A_70 : i32 to index
        %parallel_loop3A_72 = tpu.vector_load %arg16[%parallel_loop3A_71] {strides = array<i32>} : memref<8192xf32, #tpu.memory_space<vmem>>, vector<16xf32>,
        tpu.vector_store %arg16[%parallel_loop3A_71], %parallel_loop3A_68 {strides = array<i32>} : memref<8192xf32, #tpu.memory_space<vmem>>, vector<16xf32>,
      } {sc.loop_unroll_factor = 8 : i64, sc.parallel_access}
      "tpu.region"() ({
        %run_scoped3A = tpu.sem_alloc : memref<!tpu.dma_semaphore, #tpu.memory_space<semaphore_mem>>
        %dma_start3A = arith.constant 8192 : i32
        %dma_start3A_61 = tpu.memref_slice %arg10[%add3A_8, %dma_start3A] : memref<64x16384xf32, #tpu.memory_space<hbm>> -> memref<1x8192xf32, #tpu.memory_space<hbm>>
        %dma_start3A_62 = tpu.memref_squeeze %dma_start3A_61 : memref<1x8192xf32, #tpu.memory_space<hbm>> -> memref<8192xf32, #tpu.memory_space<hbm>>
        %dma_start3A_63 = arith.constant 8192 : i32
        %dma_start3A_64 = tpu.memref_slice %arg10[%add3A_8, %dma_start3A_63] : memref<64x16384xf32, #tpu.memory_space<hbm>> -> memref<1x8192xf32, #tpu.memory_space<hbm>>
        %dma_start3A_65 = tpu.memref_squeeze %dma_start3A_64 : memref<1x8192xf32, #tpu.memory_space<hbm>> -> memref<8192xf32, #tpu.memory_space<hbm>>
        tpu.enqueue_dma source(%arg16 : memref<8192xf32, #tpu.memory_space<vmem>>) target(%dma_start3A_65 : memref<8192xf32, #tpu.memory_space<hbm>>) target_semaphore(%run_scoped3A : memref<!tpu.dma_semaphore, #tpu.memory_space<semaphore_mem>>)
        %dma_wait3A = arith.constant 8192 : i32
        %dma_wait3A_66 = tpu.memref_slice %arg10[%add3A_8, %dma_wait3A] : memref<64x16384xf32, #tpu.memory_space<hbm>> -> memref<1x8192xf32, #tpu.memory_space<hbm>>
        %dma_wait3A_67 = tpu.memref_squeeze %dma_wait3A_66 : memref<1x8192xf32, #tpu.memory_space<hbm>> -> memref<8192xf32, #tpu.memory_space<hbm>>
        %dma_wait3A_68 = arith.constant 8192 : i32
        %dma_wait3A_69 = tpu.memref_slice %arg10[%add3A_8, %dma_wait3A_68] : memref<64x16384xf32, #tpu.memory_space<hbm>> -> memref<1x8192xf32, #tpu.memory_space<hbm>>
        %dma_wait3A_70 = tpu.memref_squeeze %dma_wait3A_69 : memref<1x8192xf32, #tpu.memory_space<hbm>> -> memref<8192xf32, #tpu.memory_space<hbm>>
        tpu.wait_dma2 semaphore(%run_scoped3A : memref<!tpu.dma_semaphore, #tpu.memory_space<semaphore_mem>>) src(%arg16 : memref<8192xf32, #tpu.memory_space<vmem>>) dst(%dma_wait3A_70 : memref<8192xf32, #tpu.memory_space<hbm>>)
        tpu.yield
      }) : () -> ()
      %mul3A_14 = arith.constant 4 : i32
      %mul3A_15 = arith.muli %arg1, %mul3A_14 : i32
      %add3A_16 = arith.constant 1 : i32
      %add3A_17 = arith.addi %mul3A_15, %add3A_16 : i32
      "tpu.region"() ({
        %run_scoped3A = tpu.sem_alloc : memref<!tpu.dma_semaphore, #tpu.memory_space<semaphore_mem>>
        %dma_start3A = arith.constant 0 : i32
        %dma_start3A_61 = tpu.memref_slice %arg4[%add3A_17, %dma_start3A] : memref<64x100000xf32, #tpu.memory_space<hbm>> -> memref<1x100000xf32, #tpu.memory_space<hbm>>
        %dma_start3A_62 = tpu.memref_squeeze %dma_start3A_61 : memref<1x100000xf32, #tpu.memory_space<hbm>> -> memref<100000xf32, #tpu.memory_space<hbm>>
        %dma_start3A_63 = arith.constant 0 : i32
        %dma_start3A_64 = tpu.memref_slice %arg4[%add3A_17, %dma_start3A_63] : memref<64x100000xf32, #tpu.memory_space<hbm>> -> memref<1x100000xf32, #tpu.memory_space<hbm>>
        %dma_start3A_65 = tpu.memref_squeeze %dma_start3A_64 : memref<1x100000xf32, #tpu.memory_space<hbm>> -> memref<100000xf32, #tpu.memory_space<hbm>>
        tpu.enqueue_dma source(%dma_start3A_65 : memref<100000xf32, #tpu.memory_space<hbm>>) target(%arg15 : memref<100000xf32, #tpu.memory_space<vmem>>) target_semaphore(%run_scoped3A : memref<!tpu.dma_semaphore, #tpu.memory_space<semaphore_mem>>)
        %dma_wait3A = arith.constant 0 : i32
        %dma_wait3A_66 = tpu.memref_slice %arg4[%add3A_17, %dma_wait3A] : memref<64x100000xf32, #tpu.memory_space<hbm>> -> memref<1x100000xf32, #tpu.memory_space<hbm>>
        %dma_wait3A_67 = tpu.memref_squeeze %dma_wait3A_66 : memref<1x100000xf32, #tpu.memory_space<hbm>> -> memref<100000xf32, #tpu.memory_space<hbm>>
        %dma_wait3A_68 = arith.constant 0 : i32
        %dma_wait3A_69 = tpu.memref_slice %arg4[%add3A_17, %dma_wait3A_68] : memref<64x100000xf32, #tpu.memory_space<hbm>> -> memref<1x100000xf32, #tpu.memory_space<hbm>>
        %dma_wait3A_70 = tpu.memref_squeeze %dma_wait3A_69 : memref<1x100000xf32, #tpu.memory_space<hbm>> -> memref<100000xf32, #tpu.memory_space<hbm>>
        tpu.wait_dma2 semaphore(%run_scoped3A : memref<!tpu.dma_semaphore, #tpu.memory_space<semaphore_mem>>) src(%dma_wait3A_70 : memref<100000xf32, #tpu.memory_space<hbm>>) dst(%arg15 : memref<100000xf32, #tpu.memory_space<vmem>>)
        tpu.yield
      }) : () -> ()
      %parallel_loop3A_18 = arith.constant 0 : i32
      %parallel_loop3A_19 = arith.constant 512 : i32
      %parallel_loop3A_20 = arith.constant 1 : i32
      scf.for %parallel_loop3A_61 = %parallel_loop3A_18 to %parallel_loop3A_19 step %parallel_loop3A_20  : i32 {
        %parallel_loop3A_62 = arith.constant 16 : i32
        %parallel_loop3A_63 = arith.muli %parallel_loop3A_61, %parallel_loop3A_62 : i32
        %parallel_loop3A_64 = arith.constant 0 : i32
        %parallel_loop3A_65 = arith.addi %parallel_loop3A_64, %parallel_loop3A_63 : i32
        %parallel_loop3A_66 = arith.index_cast %parallel_loop3A_65 : i32 to index
        %parallel_loop3A_67 = tpu.vector_load %arg14[%parallel_loop3A_66] {strides = array<i32>} : memref<16384xi32, #tpu.memory_space<vmem>>, vector<16xi32>,
        %parallel_loop3A_68 = tpu.vector_load_idx %arg15[%parallel_loop3A_67] : memref<100000xf32, #tpu.memory_space<vmem>>[vector<16xi32>], vector<16xf32>,
        %parallel_loop3A_69 = arith.constant 16 : i32
        %parallel_loop3A_70 = arith.muli %parallel_loop3A_61, %parallel_loop3A_69 : i32
        %parallel_loop3A_71 = arith.index_cast %parallel_loop3A_70 : i32 to index
        %parallel_loop3A_72 = tpu.vector_load %arg16[%parallel_loop3A_71] {strides = array<i32>} : memref<8192xf32, #tpu.memory_space<vmem>>, vector<16xf32>,
        tpu.vector_store %arg16[%parallel_loop3A_71], %parallel_loop3A_68 {strides = array<i32>} : memref<8192xf32, #tpu.memory_space<vmem>>, vector<16xf32>,
      } {sc.loop_unroll_factor = 8 : i64, sc.parallel_access}
      "tpu.region"() ({
        %run_scoped3A = tpu.sem_alloc : memref<!tpu.dma_semaphore, #tpu.memory_space<semaphore_mem>>
        %dma_start3A = arith.constant 0 : i32
        %dma_start3A_61 = tpu.memref_slice %arg10[%add3A_17, %dma_start3A] : memref<64x16384xf32, #tpu.memory_space<hbm>> -> memref<1x8192xf32, #tpu.memory_space<hbm>>
        %dma_start3A_62 = tpu.memref_squeeze %dma_start3A_61 : memref<1x8192xf32, #tpu.memory_space<hbm>> -> memref<8192xf32, #tpu.memory_space<hbm>>
        %dma_start3A_63 = arith.constant 0 : i32
        %dma_start3A_64 = tpu.memref_slice %arg10[%add3A_17, %dma_start3A_63] : memref<64x16384xf32, #tpu.memory_space<hbm>> -> memref<1x8192xf32, #tpu.memory_space<hbm>>
        %dma_start3A_65 = tpu.memref_squeeze %dma_start3A_64 : memref<1x8192xf32, #tpu.memory_space<hbm>> -> memref<8192xf32, #tpu.memory_space<hbm>>
        tpu.enqueue_dma source(%arg16 : memref<8192xf32, #tpu.memory_space<vmem>>) target(%dma_start3A_65 : memref<8192xf32, #tpu.memory_space<hbm>>) target_semaphore(%run_scoped3A : memref<!tpu.dma_semaphore, #tpu.memory_space<semaphore_mem>>)
        %dma_wait3A = arith.constant 0 : i32
        %dma_wait3A_66 = tpu.memref_slice %arg10[%add3A_17, %dma_wait3A] : memref<64x16384xf32, #tpu.memory_space<hbm>> -> memref<1x8192xf32, #tpu.memory_space<hbm>>
        %dma_wait3A_67 = tpu.memref_squeeze %dma_wait3A_66 : memref<1x8192xf32, #tpu.memory_space<hbm>> -> memref<8192xf32, #tpu.memory_space<hbm>>
        %dma_wait3A_68 = arith.constant 0 : i32
        %dma_wait3A_69 = tpu.memref_slice %arg10[%add3A_17, %dma_wait3A_68] : memref<64x16384xf32, #tpu.memory_space<hbm>> -> memref<1x8192xf32, #tpu.memory_space<hbm>>
        %dma_wait3A_70 = tpu.memref_squeeze %dma_wait3A_69 : memref<1x8192xf32, #tpu.memory_space<hbm>> -> memref<8192xf32, #tpu.memory_space<hbm>>
        tpu.wait_dma2 semaphore(%run_scoped3A : memref<!tpu.dma_semaphore, #tpu.memory_space<semaphore_mem>>) src(%arg16 : memref<8192xf32, #tpu.memory_space<vmem>>) dst(%dma_wait3A_70 : memref<8192xf32, #tpu.memory_space<hbm>>)
        tpu.yield
      }) : () -> ()
      %parallel_loop3A_21 = arith.constant 0 : i32
      %parallel_loop3A_22 = arith.constant 512 : i32
      %parallel_loop3A_23 = arith.constant 1 : i32
      scf.for %parallel_loop3A_61 = %parallel_loop3A_21 to %parallel_loop3A_22 step %parallel_loop3A_23  : i32 {
        %parallel_loop3A_62 = arith.constant 16 : i32
        %parallel_loop3A_63 = arith.muli %parallel_loop3A_61, %parallel_loop3A_62 : i32
        %parallel_loop3A_64 = arith.constant 8192 : i32
        %parallel_loop3A_65 = arith.addi %parallel_loop3A_64, %parallel_loop3A_63 : i32
        %parallel_loop3A_66 = arith.index_cast %parallel_loop3A_65 : i32 to index
        %parallel_loop3A_67 = tpu.vector_load %arg14[%parallel_loop3A_66] {strides = array<i32>} : memref<16384xi32, #tpu.memory_space<vmem>>, vector<16xi32>,
        %parallel_loop3A_68 = tpu.vector_load_idx %arg15[%parallel_loop3A_67] : memref<100000xf32, #tpu.memory_space<vmem>>[vector<16xi32>], vector<16xf32>,
        %parallel_loop3A_69 = arith.constant 16 : i32
        %parallel_loop3A_70 = arith.muli %parallel_loop3A_61, %parallel_loop3A_69 : i32
        %parallel_loop3A_71 = arith.index_cast %parallel_loop3A_70 : i32 to index
        %parallel_loop3A_72 = tpu.vector_load %arg16[%parallel_loop3A_71] {strides = array<i32>} : memref<8192xf32, #tpu.memory_space<vmem>>, vector<16xf32>,
        tpu.vector_store %arg16[%parallel_loop3A_71], %parallel_loop3A_68 {strides = array<i32>} : memref<8192xf32, #tpu.memory_space<vmem>>, vector<16xf32>,
      } {sc.loop_unroll_factor = 8 : i64, sc.parallel_access}
      "tpu.region"() ({
        %run_scoped3A = tpu.sem_alloc : memref<!tpu.dma_semaphore, #tpu.memory_space<semaphore_mem>>
        %dma_start3A = arith.constant 8192 : i32
        %dma_start3A_61 = tpu.memref_slice %arg10[%add3A_17, %dma_start3A] : memref<64x16384xf32, #tpu.memory_space<hbm>> -> memref<1x8192xf32, #tpu.memory_space<hbm>>
        %dma_start3A_62 = tpu.memref_squeeze %dma_start3A_61 : memref<1x8192xf32, #tpu.memory_space<hbm>> -> memref<8192xf32, #tpu.memory_space<hbm>>
        %dma_start3A_63 = arith.constant 8192 : i32
        %dma_start3A_64 = tpu.memref_slice %arg10[%add3A_17, %dma_start3A_63] : memref<64x16384xf32, #tpu.memory_space<hbm>> -> memref<1x8192xf32, #tpu.memory_space<hbm>>
        %dma_start3A_65 = tpu.memref_squeeze %dma_start3A_64 : memref<1x8192xf32, #tpu.memory_space<hbm>> -> memref<8192xf32, #tpu.memory_space<hbm>>
        tpu.enqueue_dma source(%arg16 : memref<8192xf32, #tpu.memory_space<vmem>>) target(%dma_start3A_65 : memref<8192xf32, #tpu.memory_space<hbm>>) target_semaphore(%run_scoped3A : memref<!tpu.dma_semaphore, #tpu.memory_space<semaphore_mem>>)
        %dma_wait3A = arith.constant 8192 : i32
        %dma_wait3A_66 = tpu.memref_slice %arg10[%add3A_17, %dma_wait3A] : memref<64x16384xf32, #tpu.memory_space<hbm>> -> memref<1x8192xf32, #tpu.memory_space<hbm>>
        %dma_wait3A_67 = tpu.memref_squeeze %dma_wait3A_66 : memref<1x8192xf32, #tpu.memory_space<hbm>> -> memref<8192xf32, #tpu.memory_space<hbm>>
        %dma_wait3A_68 = arith.constant 8192 : i32
        %dma_wait3A_69 = tpu.memref_slice %arg10[%add3A_17, %dma_wait3A_68] : memref<64x16384xf32, #tpu.memory_space<hbm>> -> memref<1x8192xf32, #tpu.memory_space<hbm>>
        %dma_wait3A_70 = tpu.memref_squeeze %dma_wait3A_69 : memref<1x8192xf32, #tpu.memory_space<hbm>> -> memref<8192xf32, #tpu.memory_space<hbm>>
        tpu.wait_dma2 semaphore(%run_scoped3A : memref<!tpu.dma_semaphore, #tpu.memory_space<semaphore_mem>>) src(%arg16 : memref<8192xf32, #tpu.memory_space<vmem>>) dst(%dma_wait3A_70 : memref<8192xf32, #tpu.memory_space<hbm>>)
        tpu.yield
      }) : () -> ()
      %mul3A_24 = arith.constant 4 : i32
      %mul3A_25 = arith.muli %arg1, %mul3A_24 : i32
      %add3A_26 = arith.constant 2 : i32
      %add3A_27 = arith.addi %mul3A_25, %add3A_26 : i32
      "tpu.region"() ({
        %run_scoped3A = tpu.sem_alloc : memref<!tpu.dma_semaphore, #tpu.memory_space<semaphore_mem>>
        %dma_start3A = arith.constant 0 : i32
        %dma_start3A_61 = tpu.memref_slice %arg4[%add3A_27, %dma_start3A] : memref<64x100000xf32, #tpu.memory_space<hbm>> -> memref<1x100000xf32, #tpu.memory_space<hbm>>
        %dma_start3A_62 = tpu.memref_squeeze %dma_start3A_61 : memref<1x100000xf32, #tpu.memory_space<hbm>> -> memref<100000xf32, #tpu.memory_space<hbm>>
        %dma_start3A_63 = arith.constant 0 : i32
        %dma_start3A_64 = tpu.memref_slice %arg4[%add3A_27, %dma_start3A_63] : memref<64x100000xf32, #tpu.memory_space<hbm>> -> memref<1x100000xf32, #tpu.memory_space<hbm>>
        %dma_start3A_65 = tpu.memref_squeeze %dma_start3A_64 : memref<1x100000xf32, #tpu.memory_space<hbm>> -> memref<100000xf32, #tpu.memory_space<hbm>>
        tpu.enqueue_dma source(%dma_start3A_65 : memref<100000xf32, #tpu.memory_space<hbm>>) target(%arg15 : memref<100000xf32, #tpu.memory_space<vmem>>) target_semaphore(%run_scoped3A : memref<!tpu.dma_semaphore, #tpu.memory_space<semaphore_mem>>)
        %dma_wait3A = arith.constant 0 : i32
        %dma_wait3A_66 = tpu.memref_slice %arg4[%add3A_27, %dma_wait3A] : memref<64x100000xf32, #tpu.memory_space<hbm>> -> memref<1x100000xf32, #tpu.memory_space<hbm>>
        %dma_wait3A_67 = tpu.memref_squeeze %dma_wait3A_66 : memref<1x100000xf32, #tpu.memory_space<hbm>> -> memref<100000xf32, #tpu.memory_space<hbm>>
        %dma_wait3A_68 = arith.constant 0 : i32
        %dma_wait3A_69 = tpu.memref_slice %arg4[%add3A_27, %dma_wait3A_68] : memref<64x100000xf32, #tpu.memory_space<hbm>> -> memref<1x100000xf32, #tpu.memory_space<hbm>>
        %dma_wait3A_70 = tpu.memref_squeeze %dma_wait3A_69 : memref<1x100000xf32, #tpu.memory_space<hbm>> -> memref<100000xf32, #tpu.memory_space<hbm>>
        tpu.wait_dma2 semaphore(%run_scoped3A : memref<!tpu.dma_semaphore, #tpu.memory_space<semaphore_mem>>) src(%dma_wait3A_70 : memref<100000xf32, #tpu.memory_space<hbm>>) dst(%arg15 : memref<100000xf32, #tpu.memory_space<vmem>>)
        tpu.yield
      }) : () -> ()
      %parallel_loop3A_28 = arith.constant 0 : i32
      %parallel_loop3A_29 = arith.constant 512 : i32
      %parallel_loop3A_30 = arith.constant 1 : i32
      scf.for %parallel_loop3A_61 = %parallel_loop3A_28 to %parallel_loop3A_29 step %parallel_loop3A_30  : i32 {
        %parallel_loop3A_62 = arith.constant 16 : i32
        %parallel_loop3A_63 = arith.muli %parallel_loop3A_61, %parallel_loop3A_62 : i32
        %parallel_loop3A_64 = arith.constant 0 : i32
        %parallel_loop3A_65 = arith.addi %parallel_loop3A_64, %parallel_loop3A_63 : i32
        %parallel_loop3A_66 = arith.index_cast %parallel_loop3A_65 : i32 to index
        %parallel_loop3A_67 = tpu.vector_load %arg14[%parallel_loop3A_66] {strides = array<i32>} : memref<16384xi32, #tpu.memory_space<vmem>>, vector<16xi32>,
        %parallel_loop3A_68 = tpu.vector_load_idx %arg15[%parallel_loop3A_67] : memref<100000xf32, #tpu.memory_space<vmem>>[vector<16xi32>], vector<16xf32>,
        %parallel_loop3A_69 = arith.constant 16 : i32
        %parallel_loop3A_70 = arith.muli %parallel_loop3A_61, %parallel_loop3A_69 : i32
        %parallel_loop3A_71 = arith.index_cast %parallel_loop3A_70 : i32 to index
        %parallel_loop3A_72 = tpu.vector_load %arg16[%parallel_loop3A_71] {strides = array<i32>} : memref<8192xf32, #tpu.memory_space<vmem>>, vector<16xf32>,
        tpu.vector_store %arg16[%parallel_loop3A_71], %parallel_loop3A_68 {strides = array<i32>} : memref<8192xf32, #tpu.memory_space<vmem>>, vector<16xf32>,
      } {sc.loop_unroll_factor = 8 : i64, sc.parallel_access}
      "tpu.region"() ({
        %run_scoped3A = tpu.sem_alloc : memref<!tpu.dma_semaphore, #tpu.memory_space<semaphore_mem>>
        %dma_start3A = arith.constant 0 : i32
        %dma_start3A_61 = tpu.memref_slice %arg10[%add3A_27, %dma_start3A] : memref<64x16384xf32, #tpu.memory_space<hbm>> -> memref<1x8192xf32, #tpu.memory_space<hbm>>
        %dma_start3A_62 = tpu.memref_squeeze %dma_start3A_61 : memref<1x8192xf32, #tpu.memory_space<hbm>> -> memref<8192xf32, #tpu.memory_space<hbm>>
        %dma_start3A_63 = arith.constant 0 : i32
        %dma_start3A_64 = tpu.memref_slice %arg10[%add3A_27, %dma_start3A_63] : memref<64x16384xf32, #tpu.memory_space<hbm>> -> memref<1x8192xf32, #tpu.memory_space<hbm>>
        %dma_start3A_65 = tpu.memref_squeeze %dma_start3A_64 : memref<1x8192xf32, #tpu.memory_space<hbm>> -> memref<8192xf32, #tpu.memory_space<hbm>>
        tpu.enqueue_dma source(%arg16 : memref<8192xf32, #tpu.memory_space<vmem>>) target(%dma_start3A_65 : memref<8192xf32, #tpu.memory_space<hbm>>) target_semaphore(%run_scoped3A : memref<!tpu.dma_semaphore, #tpu.memory_space<semaphore_mem>>)
        %dma_wait3A = arith.constant 0 : i32
        %dma_wait3A_66 = tpu.memref_slice %arg10[%add3A_27, %dma_wait3A] : memref<64x16384xf32, #tpu.memory_space<hbm>> -> memref<1x8192xf32, #tpu.memory_space<hbm>>
        %dma_wait3A_67 = tpu.memref_squeeze %dma_wait3A_66 : memref<1x8192xf32, #tpu.memory_space<hbm>> -> memref<8192xf32, #tpu.memory_space<hbm>>
        %dma_wait3A_68 = arith.constant 0 : i32
        %dma_wait3A_69 = tpu.memref_slice %arg10[%add3A_27, %dma_wait3A_68] : memref<64x16384xf32, #tpu.memory_space<hbm>> -> memref<1x8192xf32, #tpu.memory_space<hbm>>
        %dma_wait3A_70 = tpu.memref_squeeze %dma_wait3A_69 : memref<1x8192xf32, #tpu.memory_space<hbm>> -> memref<8192xf32, #tpu.memory_space<hbm>>
        tpu.wait_dma2 semaphore(%run_scoped3A : memref<!tpu.dma_semaphore, #tpu.memory_space<semaphore_mem>>) src(%arg16 : memref<8192xf32, #tpu.memory_space<vmem>>) dst(%dma_wait3A_70 : memref<8192xf32, #tpu.memory_space<hbm>>)
        tpu.yield
      }) : () -> ()
      %parallel_loop3A_31 = arith.constant 0 : i32
      %parallel_loop3A_32 = arith.constant 512 : i32
      %parallel_loop3A_33 = arith.constant 1 : i32
      scf.for %parallel_loop3A_61 = %parallel_loop3A_31 to %parallel_loop3A_32 step %parallel_loop3A_33  : i32 {
        %parallel_loop3A_62 = arith.constant 16 : i32
        %parallel_loop3A_63 = arith.muli %parallel_loop3A_61, %parallel_loop3A_62 : i32
        %parallel_loop3A_64 = arith.constant 8192 : i32
        %parallel_loop3A_65 = arith.addi %parallel_loop3A_64, %parallel_loop3A_63 : i32
        %parallel_loop3A_66 = arith.index_cast %parallel_loop3A_65 : i32 to index
        %parallel_loop3A_67 = tpu.vector_load %arg14[%parallel_loop3A_66] {strides = array<i32>} : memref<16384xi32, #tpu.memory_space<vmem>>, vector<16xi32>,
        %parallel_loop3A_68 = tpu.vector_load_idx %arg15[%parallel_loop3A_67] : memref<100000xf32, #tpu.memory_space<vmem>>[vector<16xi32>], vector<16xf32>,
        %parallel_loop3A_69 = arith.constant 16 : i32
        %parallel_loop3A_70 = arith.muli %parallel_loop3A_61, %parallel_loop3A_69 : i32
        %parallel_loop3A_71 = arith.index_cast %parallel_loop3A_70 : i32 to index
        %parallel_loop3A_72 = tpu.vector_load %arg16[%parallel_loop3A_71] {strides = array<i32>} : memref<8192xf32, #tpu.memory_space<vmem>>, vector<16xf32>,
        tpu.vector_store %arg16[%parallel_loop3A_71], %parallel_loop3A_68 {strides = array<i32>} : memref<8192xf32, #tpu.memory_space<vmem>>, vector<16xf32>,
      } {sc.loop_unroll_factor = 8 : i64, sc.parallel_access}
      "tpu.region"() ({
        %run_scoped3A = tpu.sem_alloc : memref<!tpu.dma_semaphore, #tpu.memory_space<semaphore_mem>>
        %dma_start3A = arith.constant 8192 : i32
        %dma_start3A_61 = tpu.memref_slice %arg10[%add3A_27, %dma_start3A] : memref<64x16384xf32, #tpu.memory_space<hbm>> -> memref<1x8192xf32, #tpu.memory_space<hbm>>
        %dma_start3A_62 = tpu.memref_squeeze %dma_start3A_61 : memref<1x8192xf32, #tpu.memory_space<hbm>> -> memref<8192xf32, #tpu.memory_space<hbm>>
        %dma_start3A_63 = arith.constant 8192 : i32
        %dma_start3A_64 = tpu.memref_slice %arg10[%add3A_27, %dma_start3A_63] : memref<64x16384xf32, #tpu.memory_space<hbm>> -> memref<1x8192xf32, #tpu.memory_space<hbm>>
        %dma_start3A_65 = tpu.memref_squeeze %dma_start3A_64 : memref<1x8192xf32, #tpu.memory_space<hbm>> -> memref<8192xf32, #tpu.memory_space<hbm>>
        tpu.enqueue_dma source(%arg16 : memref<8192xf32, #tpu.memory_space<vmem>>) target(%dma_start3A_65 : memref<8192xf32, #tpu.memory_space<hbm>>) target_semaphore(%run_scoped3A : memref<!tpu.dma_semaphore, #tpu.memory_space<semaphore_mem>>)
        %dma_wait3A = arith.constant 8192 : i32
        %dma_wait3A_66 = tpu.memref_slice %arg10[%add3A_27, %dma_wait3A] : memref<64x16384xf32, #tpu.memory_space<hbm>> -> memref<1x8192xf32, #tpu.memory_space<hbm>>
        %dma_wait3A_67 = tpu.memref_squeeze %dma_wait3A_66 : memref<1x8192xf32, #tpu.memory_space<hbm>> -> memref<8192xf32, #tpu.memory_space<hbm>>
        %dma_wait3A_68 = arith.constant 8192 : i32
        %dma_wait3A_69 = tpu.memref_slice %arg10[%add3A_27, %dma_wait3A_68] : memref<64x16384xf32, #tpu.memory_space<hbm>> -> memref<1x8192xf32, #tpu.memory_space<hbm>>
        %dma_wait3A_70 = tpu.memref_squeeze %dma_wait3A_69 : memref<1x8192xf32, #tpu.memory_space<hbm>> -> memref<8192xf32, #tpu.memory_space<hbm>>
        tpu.wait_dma2 semaphore(%run_scoped3A : memref<!tpu.dma_semaphore, #tpu.memory_space<semaphore_mem>>) src(%arg16 : memref<8192xf32, #tpu.memory_space<vmem>>) dst(%dma_wait3A_70 : memref<8192xf32, #tpu.memory_space<hbm>>)
        tpu.yield
      }) : () -> ()
      %mul3A_34 = arith.constant 4 : i32
      %mul3A_35 = arith.muli %arg1, %mul3A_34 : i32
      %add3A_36 = arith.constant 3 : i32
      %add3A_37 = arith.addi %mul3A_35, %add3A_36 : i32
      "tpu.region"() ({
        %run_scoped3A = tpu.sem_alloc : memref<!tpu.dma_semaphore, #tpu.memory_space<semaphore_mem>>
        %dma_start3A = arith.constant 0 : i32
        %dma_start3A_61 = tpu.memref_slice %arg4[%add3A_37, %dma_start3A] : memref<64x100000xf32, #tpu.memory_space<hbm>> -> memref<1x100000xf32, #tpu.memory_space<hbm>>
        %dma_start3A_62 = tpu.memref_squeeze %dma_start3A_61 : memref<1x100000xf32, #tpu.memory_space<hbm>> -> memref<100000xf32, #tpu.memory_space<hbm>>
        %dma_start3A_63 = arith.constant 0 : i32
        %dma_start3A_64 = tpu.memref_slice %arg4[%add3A_37, %dma_start3A_63] : memref<64x100000xf32, #tpu.memory_space<hbm>> -> memref<1x100000xf32, #tpu.memory_space<hbm>>
        %dma_start3A_65 = tpu.memref_squeeze %dma_start3A_64 : memref<1x100000xf32, #tpu.memory_space<hbm>> -> memref<100000xf32, #tpu.memory_space<hbm>>
        tpu.enqueue_dma source(%dma_start3A_65 : memref<100000xf32, #tpu.memory_space<hbm>>) target(%arg15 : memref<100000xf32, #tpu.memory_space<vmem>>) target_semaphore(%run_scoped3A : memref<!tpu.dma_semaphore, #tpu.memory_space<semaphore_mem>>)
        %dma_wait3A = arith.constant 0 : i32
        %dma_wait3A_66 = tpu.memref_slice %arg4[%add3A_37, %dma_wait3A] : memref<64x100000xf32, #tpu.memory_space<hbm>> -> memref<1x100000xf32, #tpu.memory_space<hbm>>
        %dma_wait3A_67 = tpu.memref_squeeze %dma_wait3A_66 : memref<1x100000xf32, #tpu.memory_space<hbm>> -> memref<100000xf32, #tpu.memory_space<hbm>>
        %dma_wait3A_68 = arith.constant 0 : i32
        %dma_wait3A_69 = tpu.memref_slice %arg4[%add3A_37, %dma_wait3A_68] : memref<64x100000xf32, #tpu.memory_space<hbm>> -> memref<1x100000xf32, #tpu.memory_space<hbm>>
        %dma_wait3A_70 = tpu.memref_squeeze %dma_wait3A_69 : memref<1x100000xf32, #tpu.memory_space<hbm>> -> memref<100000xf32, #tpu.memory_space<hbm>>
        tpu.wait_dma2 semaphore(%run_scoped3A : memref<!tpu.dma_semaphore, #tpu.memory_space<semaphore_mem>>) src(%dma_wait3A_70 : memref<100000xf32, #tpu.memory_space<hbm>>) dst(%arg15 : memref<100000xf32, #tpu.memory_space<vmem>>)
        tpu.yield
      }) : () -> ()
      %parallel_loop3A_38 = arith.constant 0 : i32
      %parallel_loop3A_39 = arith.constant 512 : i32
      %parallel_loop3A_40 = arith.constant 1 : i32
      scf.for %parallel_loop3A_61 = %parallel_loop3A_38 to %parallel_loop3A_39 step %parallel_loop3A_40  : i32 {
        %parallel_loop3A_62 = arith.constant 16 : i32
        %parallel_loop3A_63 = arith.muli %parallel_loop3A_61, %parallel_loop3A_62 : i32
        %parallel_loop3A_64 = arith.constant 0 : i32
        %parallel_loop3A_65 = arith.addi %parallel_loop3A_64, %parallel_loop3A_63 : i32
        %parallel_loop3A_66 = arith.index_cast %parallel_loop3A_65 : i32 to index
        %parallel_loop3A_67 = tpu.vector_load %arg14[%parallel_loop3A_66] {strides = array<i32>} : memref<16384xi32, #tpu.memory_space<vmem>>, vector<16xi32>,
        %parallel_loop3A_68 = tpu.vector_load_idx %arg15[%parallel_loop3A_67] : memref<100000xf32, #tpu.memory_space<vmem>>[vector<16xi32>], vector<16xf32>,
        %parallel_loop3A_69 = arith.constant 16 : i32
        %parallel_loop3A_70 = arith.muli %parallel_loop3A_61, %parallel_loop3A_69 : i32
        %parallel_loop3A_71 = arith.index_cast %parallel_loop3A_70 : i32 to index
        %parallel_loop3A_72 = tpu.vector_load %arg16[%parallel_loop3A_71] {strides = array<i32>} : memref<8192xf32, #tpu.memory_space<vmem>>, vector<16xf32>,
        tpu.vector_store %arg16[%parallel_loop3A_71], %parallel_loop3A_68 {strides = array<i32>} : memref<8192xf32, #tpu.memory_space<vmem>>, vector<16xf32>,
      } {sc.loop_unroll_factor = 8 : i64, sc.parallel_access}
      "tpu.region"() ({
        %run_scoped3A = tpu.sem_alloc : memref<!tpu.dma_semaphore, #tpu.memory_space<semaphore_mem>>
        %dma_start3A = arith.constant 0 : i32
        %dma_start3A_61 = tpu.memref_slice %arg10[%add3A_37, %dma_start3A] : memref<64x16384xf32, #tpu.memory_space<hbm>> -> memref<1x8192xf32, #tpu.memory_space<hbm>>
        %dma_start3A_62 = tpu.memref_squeeze %dma_start3A_61 : memref<1x8192xf32, #tpu.memory_space<hbm>> -> memref<8192xf32, #tpu.memory_space<hbm>>
        %dma_start3A_63 = arith.constant 0 : i32
        %dma_start3A_64 = tpu.memref_slice %arg10[%add3A_37, %dma_start3A_63] : memref<64x16384xf32, #tpu.memory_space<hbm>> -> memref<1x8192xf32, #tpu.memory_space<hbm>>
        %dma_start3A_65 = tpu.memref_squeeze %dma_start3A_64 : memref<1x8192xf32, #tpu.memory_space<hbm>> -> memref<8192xf32, #tpu.memory_space<hbm>>
        tpu.enqueue_dma source(%arg16 : memref<8192xf32, #tpu.memory_space<vmem>>) target(%dma_start3A_65 : memref<8192xf32, #tpu.memory_space<hbm>>) target_semaphore(%run_scoped3A : memref<!tpu.dma_semaphore, #tpu.memory_space<semaphore_mem>>)
        %dma_wait3A = arith.constant 0 : i32
        %dma_wait3A_66 = tpu.memref_slice %arg10[%add3A_37, %dma_wait3A] : memref<64x16384xf32, #tpu.memory_space<hbm>> -> memref<1x8192xf32, #tpu.memory_space<hbm>>
        %dma_wait3A_67 = tpu.memref_squeeze %dma_wait3A_66 : memref<1x8192xf32, #tpu.memory_space<hbm>> -> memref<8192xf32, #tpu.memory_space<hbm>>
        %dma_wait3A_68 = arith.constant 0 : i32
        %dma_wait3A_69 = tpu.memref_slice %arg10[%add3A_37, %dma_wait3A_68] : memref<64x16384xf32, #tpu.memory_space<hbm>> -> memref<1x8192xf32, #tpu.memory_space<hbm>>
        %dma_wait3A_70 = tpu.memref_squeeze %dma_wait3A_69 : memref<1x8192xf32, #tpu.memory_space<hbm>> -> memref<8192xf32, #tpu.memory_space<hbm>>
        tpu.wait_dma2 semaphore(%run_scoped3A : memref<!tpu.dma_semaphore, #tpu.memory_space<semaphore_mem>>) src(%arg16 : memref<8192xf32, #tpu.memory_space<vmem>>) dst(%dma_wait3A_70 : memref<8192xf32, #tpu.memory_space<hbm>>)
        tpu.yield
      }) : () -> ()
      %parallel_loop3A_41 = arith.constant 0 : i32
      %parallel_loop3A_42 = arith.constant 512 : i32
      %parallel_loop3A_43 = arith.constant 1 : i32
      scf.for %parallel_loop3A_61 = %parallel_loop3A_41 to %parallel_loop3A_42 step %parallel_loop3A_43  : i32 {
        %parallel_loop3A_62 = arith.constant 16 : i32
        %parallel_loop3A_63 = arith.muli %parallel_loop3A_61, %parallel_loop3A_62 : i32
        %parallel_loop3A_64 = arith.constant 8192 : i32
        %parallel_loop3A_65 = arith.addi %parallel_loop3A_64, %parallel_loop3A_63 : i32
        %parallel_loop3A_66 = arith.index_cast %parallel_loop3A_65 : i32 to index
        %parallel_loop3A_67 = tpu.vector_load %arg14[%parallel_loop3A_66] {strides = array<i32>} : memref<16384xi32, #tpu.memory_space<vmem>>, vector<16xi32>,
        %parallel_loop3A_68 = tpu.vector_load_idx %arg15[%parallel_loop3A_67] : memref<100000xf32, #tpu.memory_space<vmem>>[vector<16xi32>], vector<16xf32>,
        %parallel_loop3A_69 = arith.constant 16 : i32
        %parallel_loop3A_70 = arith.muli %parallel_loop3A_61, %parallel_loop3A_69 : i32
        %parallel_loop3A_71 = arith.index_cast %parallel_loop3A_70 : i32 to index
        %parallel_loop3A_72 = tpu.vector_load %arg16[%parallel_loop3A_71] {strides = array<i32>} : memref<8192xf32, #tpu.memory_space<vmem>>, vector<16xf32>,
        tpu.vector_store %arg16[%parallel_loop3A_71], %parallel_loop3A_68 {strides = array<i32>} : memref<8192xf32, #tpu.memory_space<vmem>>, vector<16xf32>,
      } {sc.loop_unroll_factor = 8 : i64, sc.parallel_access}
      "tpu.region"() ({
        %run_scoped3A = tpu.sem_alloc : memref<!tpu.dma_semaphore, #tpu.memory_space<semaphore_mem>>
        %dma_start3A = arith.constant 8192 : i32
        %dma_start3A_61 = tpu.memref_slice %arg10[%add3A_37, %dma_start3A] : memref<64x16384xf32, #tpu.memory_space<hbm>> -> memref<1x8192xf32, #tpu.memory_space<hbm>>
        %dma_start3A_62 = tpu.memref_squeeze %dma_start3A_61 : memref<1x8192xf32, #tpu.memory_space<hbm>> -> memref<8192xf32, #tpu.memory_space<hbm>>
        %dma_start3A_63 = arith.constant 8192 : i32
        %dma_start3A_64 = tpu.memref_slice %arg10[%add3A_37, %dma_start3A_63] : memref<64x16384xf32, #tpu.memory_space<hbm>> -> memref<1x8192xf32, #tpu.memory_space<hbm>>
        %dma_start3A_65 = tpu.memref_squeeze %dma_start3A_64 : memref<1x8192xf32, #tpu.memory_space<hbm>> -> memref<8192xf32, #tpu.memory_space<hbm>>
        tpu.enqueue_dma source(%arg16 : memref<8192xf32, #tpu.memory_space<vmem>>) target(%dma_start3A_65 : memref<8192xf32, #tpu.memory_space<hbm>>) target_semaphore(%run_scoped3A : memref<!tpu.dma_semaphore, #tpu.memory_space<semaphore_mem>>)
        %dma_wait3A = arith.constant 8192 : i32
        %dma_wait3A_66 = tpu.memref_slice %arg10[%add3A_37, %dma_wait3A] : memref<64x16384xf32, #tpu.memory_space<hbm>> -> memref<1x8192xf32, #tpu.memory_space<hbm>>
        %dma_wait3A_67 = tpu.memref_squeeze %dma_wait3A_66 : memref<1x8192xf32, #tpu.memory_space<hbm>> -> memref<8192xf32, #tpu.memory_space<hbm>>
        %dma_wait3A_68 = arith.constant 8192 : i32
        %dma_wait3A_69 = tpu.memref_slice %arg10[%add3A_37, %dma_wait3A_68] : memref<64x16384xf32, #tpu.memory_space<hbm>> -> memref<1x8192xf32, #tpu.memory_space<hbm>>
        %dma_wait3A_70 = tpu.memref_squeeze %dma_wait3A_69 : memref<1x8192xf32, #tpu.memory_space<hbm>> -> memref<8192xf32, #tpu.memory_space<hbm>>
        tpu.wait_dma2 semaphore(%run_scoped3A : memref<!tpu.dma_semaphore, #tpu.memory_space<semaphore_mem>>) src(%arg16 : memref<8192xf32, #tpu.memory_space<vmem>>) dst(%dma_wait3A_70 : memref<8192xf32, #tpu.memory_space<hbm>>)
        tpu.yield
      }) : () -> ()
      %mul3A_44 = arith.constant 6400 : i32
      %mul3A_45 = arith.muli %arg1, %mul3A_44 : i32
      %lt3A = arith.constant 15 : i32
      %lt3A_46 = arith.cmpi slt, %arg1, %lt3A : i32
      %convert_element_type3A_47 = arith.extui %lt3A_46 : i1 to i32
      %cond3A_48 = arith.constant 0 : i32
      %cond3A_49 = arith.cmpi ne, %convert_element_type3A_47, %cond3A_48 : i32
      scf.if %cond3A_49 {
        %multiple_of3A = tpu.assume_multiple %mul3A_45, 128 : i32
        %run_scoped3A = arith.constant 0 : i32
        "tpu.region"() ({
          %run_scoped3A_61 = tpu.sem_alloc : memref<!tpu.dma_semaphore, #tpu.memory_space<semaphore_mem>>
          %dma_start3A = arith.constant 0 : i32
          %dma_start3A_62 = tpu.memref_slice %arg15[%dma_start3A] : memref<100000xf32, #tpu.memory_space<vmem>> -> memref<6400xf32, #tpu.memory_space<vmem>>
          %dma_start3A_63 = tpu.memref_slice %arg6[%run_scoped3A, %multiple_of3A] : memref<1x100000xf32, #tpu.memory_space<hbm>> -> memref<1x6400xf32, #tpu.memory_space<hbm>>
          %dma_start3A_64 = tpu.memref_squeeze %dma_start3A_63 : memref<1x6400xf32, #tpu.memory_space<hbm>> -> memref<6400xf32, #tpu.memory_space<hbm>>
          %dma_start3A_65 = arith.constant 0 : i32
          %dma_start3A_66 = tpu.memref_slice %arg15[%dma_start3A_65] : memref<100000xf32, #tpu.memory_space<vmem>> -> memref<6400xf32, #tpu.memory_space<vmem>>
          %dma_start3A_67 = tpu.memref_slice %arg6[%run_scoped3A, %multiple_of3A] : memref<1x100000xf32, #tpu.memory_space<hbm>> -> memref<1x6400xf32, #tpu.memory_space<hbm>>
          %dma_start3A_68 = tpu.memref_squeeze %dma_start3A_67 : memref<1x6400xf32, #tpu.memory_space<hbm>> -> memref<6400xf32, #tpu.memory_space<hbm>>
          tpu.enqueue_dma source(%dma_start3A_68 : memref<6400xf32, #tpu.memory_space<hbm>>) target(%dma_start3A_66 : memref<6400xf32, #tpu.memory_space<vmem>>) target_semaphore(%run_scoped3A_61 : memref<!tpu.dma_semaphore, #tpu.memory_space<semaphore_mem>>)
          %dma_wait3A = arith.constant 0 : i32
          %dma_wait3A_69 = tpu.memref_slice %arg15[%dma_wait3A] : memref<100000xf32, #tpu.memory_space<vmem>> -> memref<6400xf32, #tpu.memory_space<vmem>>
          %dma_wait3A_70 = tpu.memref_slice %arg6[%run_scoped3A, %multiple_of3A] : memref<1x100000xf32, #tpu.memory_space<hbm>> -> memref<1x6400xf32, #tpu.memory_space<hbm>>
          %dma_wait3A_71 = tpu.memref_squeeze %dma_wait3A_70 : memref<1x6400xf32, #tpu.memory_space<hbm>> -> memref<6400xf32, #tpu.memory_space<hbm>>
          %dma_wait3A_72 = arith.constant 0 : i32
          %dma_wait3A_73 = tpu.memref_slice %arg15[%dma_wait3A_72] : memref<100000xf32, #tpu.memory_space<vmem>> -> memref<6400xf32, #tpu.memory_space<vmem>>
          %dma_wait3A_74 = tpu.memref_slice %arg6[%run_scoped3A, %multiple_of3A] : memref<1x100000xf32, #tpu.memory_space<hbm>> -> memref<1x6400xf32, #tpu.memory_space<hbm>>
          %dma_wait3A_75 = tpu.memref_squeeze %dma_wait3A_74 : memref<1x6400xf32, #tpu.memory_space<hbm>> -> memref<6400xf32, #tpu.memory_space<hbm>>
          tpu.wait_dma2 semaphore(%run_scoped3A_61 : memref<!tpu.dma_semaphore, #tpu.memory_space<semaphore_mem>>) src(%dma_wait3A_75 : memref<6400xf32, #tpu.memory_space<hbm>>) dst(%dma_wait3A_73 : memref<6400xf32, #tpu.memory_space<vmem>>)
          tpu.yield
        }) : () -> ()
      } else {
      }
      %eq3A_50 = arith.constant 15 : i32
      %eq3A_51 = arith.cmpi eq, %arg1, %eq3A_50 : i32
      %convert_element_type3A_52 = arith.extui %eq3A_51 : i1 to i32
      %cond3A_53 = arith.constant 0 : i32
      %cond3A_54 = arith.cmpi ne, %convert_element_type3A_52, %cond3A_53 : i32
      scf.if %cond3A_54 {
        %run_scoped3A = arith.constant 0 : i32
        "tpu.region"() ({
          %run_scoped3A_61 = tpu.sem_alloc : memref<!tpu.dma_semaphore, #tpu.memory_space<semaphore_mem>>
          %dma_start3A = arith.constant 0 : i32
          %dma_start3A_62 = tpu.memref_slice %arg15[%dma_start3A] : memref<100000xf32, #tpu.memory_space<vmem>> -> memref<3968xf32, #tpu.memory_space<vmem>>
          %dma_start3A_63 = arith.constant 96000 : i32
          %dma_start3A_64 = tpu.memref_slice %arg6[%run_scoped3A, %dma_start3A_63] : memref<1x100000xf32, #tpu.memory_space<hbm>> -> memref<1x3968xf32, #tpu.memory_space<hbm>>
          %dma_start3A_65 = tpu.memref_squeeze %dma_start3A_64 : memref<1x3968xf32, #tpu.memory_space<hbm>> -> memref<3968xf32, #tpu.memory_space<hbm>>
          %dma_start3A_66 = arith.constant 0 : i32
          %dma_start3A_67 = tpu.memref_slice %arg15[%dma_start3A_66] : memref<100000xf32, #tpu.memory_space<vmem>> -> memref<3968xf32, #tpu.memory_space<vmem>>
          %dma_start3A_68 = arith.constant 96000 : i32
          %dma_start3A_69 = tpu.memref_slice %arg6[%run_scoped3A, %dma_start3A_68] : memref<1x100000xf32, #tpu.memory_space<hbm>> -> memref<1x3968xf32, #tpu.memory_space<hbm>>
          %dma_start3A_70 = tpu.memref_squeeze %dma_start3A_69 : memref<1x3968xf32, #tpu.memory_space<hbm>> -> memref<3968xf32, #tpu.memory_space<hbm>>
          tpu.enqueue_dma source(%dma_start3A_70 : memref<3968xf32, #tpu.memory_space<hbm>>) target(%dma_start3A_67 : memref<3968xf32, #tpu.memory_space<vmem>>) target_semaphore(%run_scoped3A_61 : memref<!tpu.dma_semaphore, #tpu.memory_space<semaphore_mem>>)
          %dma_wait3A = arith.constant 0 : i32
          %dma_wait3A_71 = tpu.memref_slice %arg15[%dma_wait3A] : memref<100000xf32, #tpu.memory_space<vmem>> -> memref<3968xf32, #tpu.memory_space<vmem>>
          %dma_wait3A_72 = arith.constant 96000 : i32
          %dma_wait3A_73 = tpu.memref_slice %arg6[%run_scoped3A, %dma_wait3A_72] : memref<1x100000xf32, #tpu.memory_space<hbm>> -> memref<1x3968xf32, #tpu.memory_space<hbm>>
          %dma_wait3A_74 = tpu.memref_squeeze %dma_wait3A_73 : memref<1x3968xf32, #tpu.memory_space<hbm>> -> memref<3968xf32, #tpu.memory_space<hbm>>
          %dma_wait3A_75 = arith.constant 0 : i32
          %dma_wait3A_76 = tpu.memref_slice %arg15[%dma_wait3A_75] : memref<100000xf32, #tpu.memory_space<vmem>> -> memref<3968xf32, #tpu.memory_space<vmem>>
          %dma_wait3A_77 = arith.constant 96000 : i32
          %dma_wait3A_78 = tpu.memref_slice %arg6[%run_scoped3A, %dma_wait3A_77] : memref<1x100000xf32, #tpu.memory_space<hbm>> -> memref<1x3968xf32, #tpu.memory_space<hbm>>
          %dma_wait3A_79 = tpu.memref_squeeze %dma_wait3A_78 : memref<1x3968xf32, #tpu.memory_space<hbm>> -> memref<3968xf32, #tpu.memory_space<hbm>>
          tpu.wait_dma2 semaphore(%run_scoped3A_61 : memref<!tpu.dma_semaphore, #tpu.memory_space<semaphore_mem>>) src(%dma_wait3A_79 : memref<3968xf32, #tpu.memory_space<hbm>>) dst(%dma_wait3A_76 : memref<3968xf32, #tpu.memory_space<vmem>>)
          tpu.yield
        }) : () -> ()
        "tpu.region"() ({
          %run_scoped3A_61 = tpu.sem_alloc : memref<!tpu.dma_semaphore, #tpu.memory_space<semaphore_mem>>
          %dma_start3A = arith.constant 3968 : i32
          %dma_start3A_62 = tpu.memref_slice %arg15[%dma_start3A] : memref<100000xf32, #tpu.memory_space<vmem>> -> memref<128xf32, #tpu.memory_space<vmem>>
          %dma_start3A_63 = arith.constant 8192 : i32
          %dma_start3A_64 = tpu.memref_slice %arg8[%dma_start3A_63] : memref<8320xf32, #tpu.memory_space<hbm>> -> memref<128xf32, #tpu.memory_space<hbm>>
          %dma_start3A_65 = arith.constant 3968 : i32
          %dma_start3A_66 = tpu.memref_slice %arg15[%dma_start3A_65] : memref<100000xf32, #tpu.memory_space<vmem>> -> memref<128xf32, #tpu.memory_space<vmem>>
          %dma_start3A_67 = arith.constant 8192 : i32
          %dma_start3A_68 = tpu.memref_slice %arg8[%dma_start3A_67] : memref<8320xf32, #tpu.memory_space<hbm>> -> memref<128xf32, #tpu.memory_space<hbm>>
          tpu.enqueue_dma source(%dma_start3A_68 : memref<128xf32, #tpu.memory_space<hbm>>) target(%dma_start3A_66 : memref<128xf32, #tpu.memory_space<vmem>>) target_semaphore(%run_scoped3A_61 : memref<!tpu.dma_semaphore, #tpu.memory_space<semaphore_mem>>)
          %dma_wait3A = arith.constant 3968 : i32
          %dma_wait3A_69 = tpu.memref_slice %arg15[%dma_wait3A] : memref<100000xf32, #tpu.memory_space<vmem>> -> memref<128xf32, #tpu.memory_space<vmem>>
          %dma_wait3A_70 = arith.constant 8192 : i32
          %dma_wait3A_71 = tpu.memref_slice %arg8[%dma_wait3A_70] : memref<8320xf32, #tpu.memory_space<hbm>> -> memref<128xf32, #tpu.memory_space<hbm>>
          %dma_wait3A_72 = arith.constant 3968 : i32
          %dma_wait3A_73 = tpu.memref_slice %arg15[%dma_wait3A_72] : memref<100000xf32, #tpu.memory_space<vmem>> -> memref<128xf32, #tpu.memory_space<vmem>>
          %dma_wait3A_74 = arith.constant 8192 : i32
          %dma_wait3A_75 = tpu.memref_slice %arg8[%dma_wait3A_74] : memref<8320xf32, #tpu.memory_space<hbm>> -> memref<128xf32, #tpu.memory_space<hbm>>
          tpu.wait_dma2 semaphore(%run_scoped3A_61 : memref<!tpu.dma_semaphore, #tpu.memory_space<semaphore_mem>>) src(%dma_wait3A_75 : memref<128xf32, #tpu.memory_space<hbm>>) dst(%dma_wait3A_73 : memref<128xf32, #tpu.memory_space<vmem>>)
          tpu.yield
        }) : () -> ()
      } else {
      }
      %parallel_loop3A_55 = arith.constant 0 : i32
      %parallel_loop3A_56 = arith.constant 512 : i32
      %parallel_loop3A_57 = arith.constant 1 : i32
      scf.for %parallel_loop3A_61 = %parallel_loop3A_55 to %parallel_loop3A_56 step %parallel_loop3A_57  : i32 {
        %parallel_loop3A_62 = arith.constant 16 : i32
        %parallel_loop3A_63 = arith.muli %parallel_loop3A_61, %parallel_loop3A_62 : i32
        %parallel_loop3A_64 = arith.constant 0 : i32
        %parallel_loop3A_65 = arith.addi %parallel_loop3A_64, %parallel_loop3A_63 : i32
        %parallel_loop3A_66 = arith.index_cast %parallel_loop3A_65 : i32 to index
        %parallel_loop3A_67 = tpu.vector_load %arg14[%parallel_loop3A_66] {strides = array<i32>} : memref<16384xi32, #tpu.memory_space<vmem>>, vector<16xi32>,
        %parallel_loop3A_68 = vector.broadcast %mul3A_45 : i32 to vector<16xi32>
        %parallel_loop3A_69 = arith.cmpi sge, %parallel_loop3A_67, %parallel_loop3A_68 : vector<16xi32>
        %parallel_loop3A_70 = arith.constant 6400 : i32
        %parallel_loop3A_71 = arith.addi %mul3A_45, %parallel_loop3A_70 : i32
        %parallel_loop3A_72 = vector.broadcast %parallel_loop3A_71 : i32 to vector<16xi32>
        %parallel_loop3A_73 = arith.cmpi slt, %parallel_loop3A_67, %parallel_loop3A_72 : vector<16xi32>
        %parallel_loop3A_74 = arith.andi %parallel_loop3A_69, %parallel_loop3A_73 : vector<16xi1>
        %parallel_loop3A_75 = vector.broadcast %mul3A_45 : i32 to vector<16xi32>
        %parallel_loop3A_76 = arith.subi %parallel_loop3A_67, %parallel_loop3A_75 : vector<16xi32>
        %parallel_loop3A_77 = tpu.vector_load_idx %arg15[%parallel_loop3A_76] masked %parallel_loop3A_74 : memref<100000xf32, #tpu.memory_space<vmem>>[vector<16xi32>], vector<16xf32>, vector<16xi1>
        %parallel_loop3A_78 = arith.constant 0.000000e+00 : f32
        %parallel_loop3A_79 = vector.broadcast %parallel_loop3A_78 : f32 to vector<16xf32>
        %parallel_loop3A_80 = arith.select %parallel_loop3A_74, %parallel_loop3A_77, %parallel_loop3A_79 : vector<16xi1>, vector<16xf32>
        %parallel_loop3A_81 = arith.constant 16 : i32
        %parallel_loop3A_82 = arith.muli %parallel_loop3A_61, %parallel_loop3A_81 : i32
        %parallel_loop3A_83 = arith.index_cast %parallel_loop3A_82 : i32 to index
        %parallel_loop3A_84 = tpu.vector_load %arg16[%parallel_loop3A_83] {strides = array<i32>} : memref<8192xf32, #tpu.memory_space<vmem>>, vector<16xf32>,
        tpu.vector_store %arg16[%parallel_loop3A_83], %parallel_loop3A_80 {strides = array<i32>} : memref<8192xf32, #tpu.memory_space<vmem>>, vector<16xf32>,
      } {sc.loop_unroll_factor = 8 : i64, sc.parallel_access}
      "tpu.region"() ({
        %run_scoped3A = tpu.sem_alloc : memref<!tpu.dma_semaphore, #tpu.memory_space<semaphore_mem>>
        %dma_start3A = arith.constant 0 : i32
        %dma_start3A_61 = tpu.memref_slice %arg12[%arg1, %dma_start3A] : memref<16x16384xf32, #tpu.memory_space<hbm>> -> memref<1x8192xf32, #tpu.memory_space<hbm>>
        %dma_start3A_62 = tpu.memref_squeeze %dma_start3A_61 : memref<1x8192xf32, #tpu.memory_space<hbm>> -> memref<8192xf32, #tpu.memory_space<hbm>>
        %dma_start3A_63 = arith.constant 0 : i32
        %dma_start3A_64 = tpu.memref_slice %arg12[%arg1, %dma_start3A_63] : memref<16x16384xf32, #tpu.memory_space<hbm>> -> memref<1x8192xf32, #tpu.memory_space<hbm>>
        %dma_start3A_65 = tpu.memref_squeeze %dma_start3A_64 : memref<1x8192xf32, #tpu.memory_space<hbm>> -> memref<8192xf32, #tpu.memory_space<hbm>>
        tpu.enqueue_dma source(%arg16 : memref<8192xf32, #tpu.memory_space<vmem>>) target(%dma_start3A_65 : memref<8192xf32, #tpu.memory_space<hbm>>) target_semaphore(%run_scoped3A : memref<!tpu.dma_semaphore, #tpu.memory_space<semaphore_mem>>)
        %dma_wait3A = arith.constant 0 : i32
        %dma_wait3A_66 = tpu.memref_slice %arg12[%arg1, %dma_wait3A] : memref<16x16384xf32, #tpu.memory_space<hbm>> -> memref<1x8192xf32, #tpu.memory_space<hbm>>
        %dma_wait3A_67 = tpu.memref_squeeze %dma_wait3A_66 : memref<1x8192xf32, #tpu.memory_space<hbm>> -> memref<8192xf32, #tpu.memory_space<hbm>>
        %dma_wait3A_68 = arith.constant 0 : i32
        %dma_wait3A_69 = tpu.memref_slice %arg12[%arg1, %dma_wait3A_68] : memref<16x16384xf32, #tpu.memory_space<hbm>> -> memref<1x8192xf32, #tpu.memory_space<hbm>>
        %dma_wait3A_70 = tpu.memref_squeeze %dma_wait3A_69 : memref<1x8192xf32, #tpu.memory_space<hbm>> -> memref<8192xf32, #tpu.memory_space<hbm>>
        tpu.wait_dma2 semaphore(%run_scoped3A : memref<!tpu.dma_semaphore, #tpu.memory_space<semaphore_mem>>) src(%arg16 : memref<8192xf32, #tpu.memory_space<vmem>>) dst(%dma_wait3A_70 : memref<8192xf32, #tpu.memory_space<hbm>>)
        tpu.yield
      }) : () -> ()
      %parallel_loop3A_58 = arith.constant 0 : i32
      %parallel_loop3A_59 = arith.constant 512 : i32
      %parallel_loop3A_60 = arith.constant 1 : i32
      scf.for %parallel_loop3A_61 = %parallel_loop3A_58 to %parallel_loop3A_59 step %parallel_loop3A_60  : i32 {
        %parallel_loop3A_62 = arith.constant 16 : i32
        %parallel_loop3A_63 = arith.muli %parallel_loop3A_61, %parallel_loop3A_62 : i32
        %parallel_loop3A_64 = arith.constant 8192 : i32
        %parallel_loop3A_65 = arith.addi %parallel_loop3A_64, %parallel_loop3A_63 : i32
        %parallel_loop3A_66 = arith.index_cast %parallel_loop3A_65 : i32 to index
        %parallel_loop3A_67 = tpu.vector_load %arg14[%parallel_loop3A_66] {strides = array<i32>} : memref<16384xi32, #tpu.memory_space<vmem>>, vector<16xi32>,
        %parallel_loop3A_68 = vector.broadcast %mul3A_45 : i32 to vector<16xi32>
        %parallel_loop3A_69 = arith.cmpi sge, %parallel_loop3A_67, %parallel_loop3A_68 : vector<16xi32>
        %parallel_loop3A_70 = arith.constant 6400 : i32
        %parallel_loop3A_71 = arith.addi %mul3A_45, %parallel_loop3A_70 : i32
        %parallel_loop3A_72 = vector.broadcast %parallel_loop3A_71 : i32 to vector<16xi32>
        %parallel_loop3A_73 = arith.cmpi slt, %parallel_loop3A_67, %parallel_loop3A_72 : vector<16xi32>
        %parallel_loop3A_74 = arith.andi %parallel_loop3A_69, %parallel_loop3A_73 : vector<16xi1>
        %parallel_loop3A_75 = vector.broadcast %mul3A_45 : i32 to vector<16xi32>
        %parallel_loop3A_76 = arith.subi %parallel_loop3A_67, %parallel_loop3A_75 : vector<16xi32>
        %parallel_loop3A_77 = tpu.vector_load_idx %arg15[%parallel_loop3A_76] masked %parallel_loop3A_74 : memref<100000xf32, #tpu.memory_space<vmem>>[vector<16xi32>], vector<16xf32>, vector<16xi1>
        %parallel_loop3A_78 = arith.constant 0.000000e+00 : f32
        %parallel_loop3A_79 = vector.broadcast %parallel_loop3A_78 : f32 to vector<16xf32>
        %parallel_loop3A_80 = arith.select %parallel_loop3A_74, %parallel_loop3A_77, %parallel_loop3A_79 : vector<16xi1>, vector<16xf32>
        %parallel_loop3A_81 = arith.constant 16 : i32
        %parallel_loop3A_82 = arith.muli %parallel_loop3A_61, %parallel_loop3A_81 : i32
        %parallel_loop3A_83 = arith.index_cast %parallel_loop3A_82 : i32 to index
        %parallel_loop3A_84 = tpu.vector_load %arg16[%parallel_loop3A_83] {strides = array<i32>} : memref<8192xf32, #tpu.memory_space<vmem>>, vector<16xf32>,
        tpu.vector_store %arg16[%parallel_loop3A_83], %parallel_loop3A_80 {strides = array<i32>} : memref<8192xf32, #tpu.memory_space<vmem>>, vector<16xf32>,
      } {sc.loop_unroll_factor = 8 : i64, sc.parallel_access}
      "tpu.region"() ({
        %run_scoped3A = tpu.sem_alloc : memref<!tpu.dma_semaphore, #tpu.memory_space<semaphore_mem>>
        %dma_start3A = arith.constant 8192 : i32
        %dma_start3A_61 = tpu.memref_slice %arg12[%arg1, %dma_start3A] : memref<16x16384xf32, #tpu.memory_space<hbm>> -> memref<1x8192xf32, #tpu.memory_space<hbm>>
        %dma_start3A_62 = tpu.memref_squeeze %dma_start3A_61 : memref<1x8192xf32, #tpu.memory_space<hbm>> -> memref<8192xf32, #tpu.memory_space<hbm>>
        %dma_start3A_63 = arith.constant 8192 : i32
        %dma_start3A_64 = tpu.memref_slice %arg12[%arg1, %dma_start3A_63] : memref<16x16384xf32, #tpu.memory_space<hbm>> -> memref<1x8192xf32, #tpu.memory_space<hbm>>
        %dma_start3A_65 = tpu.memref_squeeze %dma_start3A_64 : memref<1x8192xf32, #tpu.memory_space<hbm>> -> memref<8192xf32, #tpu.memory_space<hbm>>
        tpu.enqueue_dma source(%arg16 : memref<8192xf32, #tpu.memory_space<vmem>>) target(%dma_start3A_65 : memref<8192xf32, #tpu.memory_space<hbm>>) target_semaphore(%run_scoped3A : memref<!tpu.dma_semaphore, #tpu.memory_space<semaphore_mem>>)
        %dma_wait3A = arith.constant 8192 : i32
        %dma_wait3A_66 = tpu.memref_slice %arg12[%arg1, %dma_wait3A] : memref<16x16384xf32, #tpu.memory_space<hbm>> -> memref<1x8192xf32, #tpu.memory_space<hbm>>
        %dma_wait3A_67 = tpu.memref_squeeze %dma_wait3A_66 : memref<1x8192xf32, #tpu.memory_space<hbm>> -> memref<8192xf32, #tpu.memory_space<hbm>>
        %dma_wait3A_68 = arith.constant 8192 : i32
        %dma_wait3A_69 = tpu.memref_slice %arg12[%arg1, %dma_wait3A_68] : memref<16x16384xf32, #tpu.memory_space<hbm>> -> memref<1x8192xf32, #tpu.memory_space<hbm>>
        %dma_wait3A_70 = tpu.memref_squeeze %dma_wait3A_69 : memref<1x8192xf32, #tpu.memory_space<hbm>> -> memref<8192xf32, #tpu.memory_space<hbm>>
        tpu.wait_dma2 semaphore(%run_scoped3A : memref<!tpu.dma_semaphore, #tpu.memory_space<semaphore_mem>>) src(%arg16 : memref<8192xf32, #tpu.memory_space<vmem>>) dst(%dma_wait3A_70 : memref<8192xf32, #tpu.memory_space<hbm>>)
        tpu.yield
      }) : () -> ()
    } else {
    }
    %eq3A_2 = arith.constant 1 : i32
    %eq3A_3 = arith.cmpi eq, %arg0, %eq3A_2 : i32
    %convert_element_type3A_4 = arith.extui %eq3A_3 : i1 to i32
    %cond3A_5 = arith.constant 0 : i32
    %cond3A_6 = arith.cmpi ne, %convert_element_type3A_4, %cond3A_5 : i32
    scf.if %cond3A_6 {
      "tpu.region"() ({
        %run_scoped3A = tpu.sem_alloc : memref<!tpu.dma_semaphore, #tpu.memory_space<semaphore_mem>>
        tpu.enqueue_dma source(%arg3 : memref<16384xi32, #tpu.memory_space<hbm>>) target(%arg14 : memref<16384xi32, #tpu.memory_space<vmem>>) target_semaphore(%run_scoped3A : memref<!tpu.dma_semaphore, #tpu.memory_space<semaphore_mem>>)
        tpu.wait_dma2 semaphore(%run_scoped3A : memref<!tpu.dma_semaphore, #tpu.memory_space<semaphore_mem>>) src(%arg3 : memref<16384xi32, #tpu.memory_space<hbm>>) dst(%arg14 : memref<16384xi32, #tpu.memory_space<vmem>>)
        tpu.yield
      }) : () -> ()
      %mul3A = arith.constant 4 : i32
      %mul3A_7 = arith.muli %arg1, %mul3A : i32
      %add3A = arith.constant 0 : i32
      %add3A_8 = arith.addi %mul3A_7, %add3A : i32
      "tpu.region"() ({
        %run_scoped3A = tpu.sem_alloc : memref<!tpu.dma_semaphore, #tpu.memory_space<semaphore_mem>>
        %dma_start3A = arith.constant 0 : i32
        %dma_start3A_61 = tpu.memref_slice %arg5[%add3A_8, %dma_start3A] : memref<64x100000xf32, #tpu.memory_space<hbm>> -> memref<1x100000xf32, #tpu.memory_space<hbm>>
        %dma_start3A_62 = tpu.memref_squeeze %dma_start3A_61 : memref<1x100000xf32, #tpu.memory_space<hbm>> -> memref<100000xf32, #tpu.memory_space<hbm>>
        %dma_start3A_63 = arith.constant 0 : i32
        %dma_start3A_64 = tpu.memref_slice %arg5[%add3A_8, %dma_start3A_63] : memref<64x100000xf32, #tpu.memory_space<hbm>> -> memref<1x100000xf32, #tpu.memory_space<hbm>>
        %dma_start3A_65 = tpu.memref_squeeze %dma_start3A_64 : memref<1x100000xf32, #tpu.memory_space<hbm>> -> memref<100000xf32, #tpu.memory_space<hbm>>
        tpu.enqueue_dma source(%dma_start3A_65 : memref<100000xf32, #tpu.memory_space<hbm>>) target(%arg15 : memref<100000xf32, #tpu.memory_space<vmem>>) target_semaphore(%run_scoped3A : memref<!tpu.dma_semaphore, #tpu.memory_space<semaphore_mem>>)
        %dma_wait3A = arith.constant 0 : i32
        %dma_wait3A_66 = tpu.memref_slice %arg5[%add3A_8, %dma_wait3A] : memref<64x100000xf32, #tpu.memory_space<hbm>> -> memref<1x100000xf32, #tpu.memory_space<hbm>>
        %dma_wait3A_67 = tpu.memref_squeeze %dma_wait3A_66 : memref<1x100000xf32, #tpu.memory_space<hbm>> -> memref<100000xf32, #tpu.memory_space<hbm>>
        %dma_wait3A_68 = arith.constant 0 : i32
        %dma_wait3A_69 = tpu.memref_slice %arg5[%add3A_8, %dma_wait3A_68] : memref<64x100000xf32, #tpu.memory_space<hbm>> -> memref<1x100000xf32, #tpu.memory_space<hbm>>
        %dma_wait3A_70 = tpu.memref_squeeze %dma_wait3A_69 : memref<1x100000xf32, #tpu.memory_space<hbm>> -> memref<100000xf32, #tpu.memory_space<hbm>>
        tpu.wait_dma2 semaphore(%run_scoped3A : memref<!tpu.dma_semaphore, #tpu.memory_space<semaphore_mem>>) src(%dma_wait3A_70 : memref<100000xf32, #tpu.memory_space<hbm>>) dst(%arg15 : memref<100000xf32, #tpu.memory_space<vmem>>)
        tpu.yield
      }) : () -> ()
      %parallel_loop3A = arith.constant 0 : i32
      %parallel_loop3A_9 = arith.constant 512 : i32
      %parallel_loop3A_10 = arith.constant 1 : i32
      scf.for %parallel_loop3A_61 = %parallel_loop3A to %parallel_loop3A_9 step %parallel_loop3A_10  : i32 {
        %parallel_loop3A_62 = arith.constant 16 : i32
        %parallel_loop3A_63 = arith.muli %parallel_loop3A_61, %parallel_loop3A_62 : i32
        %parallel_loop3A_64 = arith.constant 0 : i32
        %parallel_loop3A_65 = arith.addi %parallel_loop3A_64, %parallel_loop3A_63 : i32
        %parallel_loop3A_66 = arith.index_cast %parallel_loop3A_65 : i32 to index
        %parallel_loop3A_67 = tpu.vector_load %arg14[%parallel_loop3A_66] {strides = array<i32>} : memref<16384xi32, #tpu.memory_space<vmem>>, vector<16xi32>,
        %parallel_loop3A_68 = tpu.vector_load_idx %arg15[%parallel_loop3A_67] : memref<100000xf32, #tpu.memory_space<vmem>>[vector<16xi32>], vector<16xf32>,
        %parallel_loop3A_69 = arith.constant 16 : i32
        %parallel_loop3A_70 = arith.muli %parallel_loop3A_61, %parallel_loop3A_69 : i32
        %parallel_loop3A_71 = arith.index_cast %parallel_loop3A_70 : i32 to index
        %parallel_loop3A_72 = tpu.vector_load %arg16[%parallel_loop3A_71] {strides = array<i32>} : memref<8192xf32, #tpu.memory_space<vmem>>, vector<16xf32>,
        tpu.vector_store %arg16[%parallel_loop3A_71], %parallel_loop3A_68 {strides = array<i32>} : memref<8192xf32, #tpu.memory_space<vmem>>, vector<16xf32>,
      } {sc.loop_unroll_factor = 8 : i64, sc.parallel_access}
      "tpu.region"() ({
        %run_scoped3A = tpu.sem_alloc : memref<!tpu.dma_semaphore, #tpu.memory_space<semaphore_mem>>
        %dma_start3A = arith.constant 0 : i32
        %dma_start3A_61 = tpu.memref_slice %arg11[%add3A_8, %dma_start3A] : memref<64x16384xf32, #tpu.memory_space<hbm>> -> memref<1x8192xf32, #tpu.memory_space<hbm>>
        %dma_start3A_62 = tpu.memref_squeeze %dma_start3A_61 : memref<1x8192xf32, #tpu.memory_space<hbm>> -> memref<8192xf32, #tpu.memory_space<hbm>>
        %dma_start3A_63 = arith.constant 0 : i32
        %dma_start3A_64 = tpu.memref_slice %arg11[%add3A_8, %dma_start3A_63] : memref<64x16384xf32, #tpu.memory_space<hbm>> -> memref<1x8192xf32, #tpu.memory_space<hbm>>
        %dma_start3A_65 = tpu.memref_squeeze %dma_start3A_64 : memref<1x8192xf32, #tpu.memory_space<hbm>> -> memref<8192xf32, #tpu.memory_space<hbm>>
        tpu.enqueue_dma source(%arg16 : memref<8192xf32, #tpu.memory_space<vmem>>) target(%dma_start3A_65 : memref<8192xf32, #tpu.memory_space<hbm>>) target_semaphore(%run_scoped3A : memref<!tpu.dma_semaphore, #tpu.memory_space<semaphore_mem>>)
        %dma_wait3A = arith.constant 0 : i32
        %dma_wait3A_66 = tpu.memref_slice %arg11[%add3A_8, %dma_wait3A] : memref<64x16384xf32, #tpu.memory_space<hbm>> -> memref<1x8192xf32, #tpu.memory_space<hbm>>
        %dma_wait3A_67 = tpu.memref_squeeze %dma_wait3A_66 : memref<1x8192xf32, #tpu.memory_space<hbm>> -> memref<8192xf32, #tpu.memory_space<hbm>>
        %dma_wait3A_68 = arith.constant 0 : i32
        %dma_wait3A_69 = tpu.memref_slice %arg11[%add3A_8, %dma_wait3A_68] : memref<64x16384xf32, #tpu.memory_space<hbm>> -> memref<1x8192xf32, #tpu.memory_space<hbm>>
        %dma_wait3A_70 = tpu.memref_squeeze %dma_wait3A_69 : memref<1x8192xf32, #tpu.memory_space<hbm>> -> memref<8192xf32, #tpu.memory_space<hbm>>
        tpu.wait_dma2 semaphore(%run_scoped3A : memref<!tpu.dma_semaphore, #tpu.memory_space<semaphore_mem>>) src(%arg16 : memref<8192xf32, #tpu.memory_space<vmem>>) dst(%dma_wait3A_70 : memref<8192xf32, #tpu.memory_space<hbm>>)
        tpu.yield
      }) : () -> ()
      %parallel_loop3A_11 = arith.constant 0 : i32
      %parallel_loop3A_12 = arith.constant 512 : i32
      %parallel_loop3A_13 = arith.constant 1 : i32
      scf.for %parallel_loop3A_61 = %parallel_loop3A_11 to %parallel_loop3A_12 step %parallel_loop3A_13  : i32 {
        %parallel_loop3A_62 = arith.constant 16 : i32
        %parallel_loop3A_63 = arith.muli %parallel_loop3A_61, %parallel_loop3A_62 : i32
        %parallel_loop3A_64 = arith.constant 8192 : i32
        %parallel_loop3A_65 = arith.addi %parallel_loop3A_64, %parallel_loop3A_63 : i32
        %parallel_loop3A_66 = arith.index_cast %parallel_loop3A_65 : i32 to index
        %parallel_loop3A_67 = tpu.vector_load %arg14[%parallel_loop3A_66] {strides = array<i32>} : memref<16384xi32, #tpu.memory_space<vmem>>, vector<16xi32>,
        %parallel_loop3A_68 = tpu.vector_load_idx %arg15[%parallel_loop3A_67] : memref<100000xf32, #tpu.memory_space<vmem>>[vector<16xi32>], vector<16xf32>,
        %parallel_loop3A_69 = arith.constant 16 : i32
        %parallel_loop3A_70 = arith.muli %parallel_loop3A_61, %parallel_loop3A_69 : i32
        %parallel_loop3A_71 = arith.index_cast %parallel_loop3A_70 : i32 to index
        %parallel_loop3A_72 = tpu.vector_load %arg16[%parallel_loop3A_71] {strides = array<i32>} : memref<8192xf32, #tpu.memory_space<vmem>>, vector<16xf32>,
        tpu.vector_store %arg16[%parallel_loop3A_71], %parallel_loop3A_68 {strides = array<i32>} : memref<8192xf32, #tpu.memory_space<vmem>>, vector<16xf32>,
      } {sc.loop_unroll_factor = 8 : i64, sc.parallel_access}
      "tpu.region"() ({
        %run_scoped3A = tpu.sem_alloc : memref<!tpu.dma_semaphore, #tpu.memory_space<semaphore_mem>>
        %dma_start3A = arith.constant 8192 : i32
        %dma_start3A_61 = tpu.memref_slice %arg11[%add3A_8, %dma_start3A] : memref<64x16384xf32, #tpu.memory_space<hbm>> -> memref<1x8192xf32, #tpu.memory_space<hbm>>
        %dma_start3A_62 = tpu.memref_squeeze %dma_start3A_61 : memref<1x8192xf32, #tpu.memory_space<hbm>> -> memref<8192xf32, #tpu.memory_space<hbm>>
        %dma_start3A_63 = arith.constant 8192 : i32
        %dma_start3A_64 = tpu.memref_slice %arg11[%add3A_8, %dma_start3A_63] : memref<64x16384xf32, #tpu.memory_space<hbm>> -> memref<1x8192xf32, #tpu.memory_space<hbm>>
        %dma_start3A_65 = tpu.memref_squeeze %dma_start3A_64 : memref<1x8192xf32, #tpu.memory_space<hbm>> -> memref<8192xf32, #tpu.memory_space<hbm>>
        tpu.enqueue_dma source(%arg16 : memref<8192xf32, #tpu.memory_space<vmem>>) target(%dma_start3A_65 : memref<8192xf32, #tpu.memory_space<hbm>>) target_semaphore(%run_scoped3A : memref<!tpu.dma_semaphore, #tpu.memory_space<semaphore_mem>>)
        %dma_wait3A = arith.constant 8192 : i32
        %dma_wait3A_66 = tpu.memref_slice %arg11[%add3A_8, %dma_wait3A] : memref<64x16384xf32, #tpu.memory_space<hbm>> -> memref<1x8192xf32, #tpu.memory_space<hbm>>
        %dma_wait3A_67 = tpu.memref_squeeze %dma_wait3A_66 : memref<1x8192xf32, #tpu.memory_space<hbm>> -> memref<8192xf32, #tpu.memory_space<hbm>>
        %dma_wait3A_68 = arith.constant 8192 : i32
        %dma_wait3A_69 = tpu.memref_slice %arg11[%add3A_8, %dma_wait3A_68] : memref<64x16384xf32, #tpu.memory_space<hbm>> -> memref<1x8192xf32, #tpu.memory_space<hbm>>
        %dma_wait3A_70 = tpu.memref_squeeze %dma_wait3A_69 : memref<1x8192xf32, #tpu.memory_space<hbm>> -> memref<8192xf32, #tpu.memory_space<hbm>>
        tpu.wait_dma2 semaphore(%run_scoped3A : memref<!tpu.dma_semaphore, #tpu.memory_space<semaphore_mem>>) src(%arg16 : memref<8192xf32, #tpu.memory_space<vmem>>) dst(%dma_wait3A_70 : memref<8192xf32, #tpu.memory_space<hbm>>)
        tpu.yield
      }) : () -> ()
      %mul3A_14 = arith.constant 4 : i32
      %mul3A_15 = arith.muli %arg1, %mul3A_14 : i32
      %add3A_16 = arith.constant 1 : i32
      %add3A_17 = arith.addi %mul3A_15, %add3A_16 : i32
      "tpu.region"() ({
        %run_scoped3A = tpu.sem_alloc : memref<!tpu.dma_semaphore, #tpu.memory_space<semaphore_mem>>
        %dma_start3A = arith.constant 0 : i32
        %dma_start3A_61 = tpu.memref_slice %arg5[%add3A_17, %dma_start3A] : memref<64x100000xf32, #tpu.memory_space<hbm>> -> memref<1x100000xf32, #tpu.memory_space<hbm>>
        %dma_start3A_62 = tpu.memref_squeeze %dma_start3A_61 : memref<1x100000xf32, #tpu.memory_space<hbm>> -> memref<100000xf32, #tpu.memory_space<hbm>>
        %dma_start3A_63 = arith.constant 0 : i32
        %dma_start3A_64 = tpu.memref_slice %arg5[%add3A_17, %dma_start3A_63] : memref<64x100000xf32, #tpu.memory_space<hbm>> -> memref<1x100000xf32, #tpu.memory_space<hbm>>
        %dma_start3A_65 = tpu.memref_squeeze %dma_start3A_64 : memref<1x100000xf32, #tpu.memory_space<hbm>> -> memref<100000xf32, #tpu.memory_space<hbm>>
        tpu.enqueue_dma source(%dma_start3A_65 : memref<100000xf32, #tpu.memory_space<hbm>>) target(%arg15 : memref<100000xf32, #tpu.memory_space<vmem>>) target_semaphore(%run_scoped3A : memref<!tpu.dma_semaphore, #tpu.memory_space<semaphore_mem>>)
        %dma_wait3A = arith.constant 0 : i32
        %dma_wait3A_66 = tpu.memref_slice %arg5[%add3A_17, %dma_wait3A] : memref<64x100000xf32, #tpu.memory_space<hbm>> -> memref<1x100000xf32, #tpu.memory_space<hbm>>
        %dma_wait3A_67 = tpu.memref_squeeze %dma_wait3A_66 : memref<1x100000xf32, #tpu.memory_space<hbm>> -> memref<100000xf32, #tpu.memory_space<hbm>>
        %dma_wait3A_68 = arith.constant 0 : i32
        %dma_wait3A_69 = tpu.memref_slice %arg5[%add3A_17, %dma_wait3A_68] : memref<64x100000xf32, #tpu.memory_space<hbm>> -> memref<1x100000xf32, #tpu.memory_space<hbm>>
        %dma_wait3A_70 = tpu.memref_squeeze %dma_wait3A_69 : memref<1x100000xf32, #tpu.memory_space<hbm>> -> memref<100000xf32, #tpu.memory_space<hbm>>
        tpu.wait_dma2 semaphore(%run_scoped3A : memref<!tpu.dma_semaphore, #tpu.memory_space<semaphore_mem>>) src(%dma_wait3A_70 : memref<100000xf32, #tpu.memory_space<hbm>>) dst(%arg15 : memref<100000xf32, #tpu.memory_space<vmem>>)
        tpu.yield
      }) : () -> ()
      %parallel_loop3A_18 = arith.constant 0 : i32
      %parallel_loop3A_19 = arith.constant 512 : i32
      %parallel_loop3A_20 = arith.constant 1 : i32
      scf.for %parallel_loop3A_61 = %parallel_loop3A_18 to %parallel_loop3A_19 step %parallel_loop3A_20  : i32 {
        %parallel_loop3A_62 = arith.constant 16 : i32
        %parallel_loop3A_63 = arith.muli %parallel_loop3A_61, %parallel_loop3A_62 : i32
        %parallel_loop3A_64 = arith.constant 0 : i32
        %parallel_loop3A_65 = arith.addi %parallel_loop3A_64, %parallel_loop3A_63 : i32
        %parallel_loop3A_66 = arith.index_cast %parallel_loop3A_65 : i32 to index
        %parallel_loop3A_67 = tpu.vector_load %arg14[%parallel_loop3A_66] {strides = array<i32>} : memref<16384xi32, #tpu.memory_space<vmem>>, vector<16xi32>,
        %parallel_loop3A_68 = tpu.vector_load_idx %arg15[%parallel_loop3A_67] : memref<100000xf32, #tpu.memory_space<vmem>>[vector<16xi32>], vector<16xf32>,
        %parallel_loop3A_69 = arith.constant 16 : i32
        %parallel_loop3A_70 = arith.muli %parallel_loop3A_61, %parallel_loop3A_69 : i32
        %parallel_loop3A_71 = arith.index_cast %parallel_loop3A_70 : i32 to index
        %parallel_loop3A_72 = tpu.vector_load %arg16[%parallel_loop3A_71] {strides = array<i32>} : memref<8192xf32, #tpu.memory_space<vmem>>, vector<16xf32>,
        tpu.vector_store %arg16[%parallel_loop3A_71], %parallel_loop3A_68 {strides = array<i32>} : memref<8192xf32, #tpu.memory_space<vmem>>, vector<16xf32>,
      } {sc.loop_unroll_factor = 8 : i64, sc.parallel_access}
      "tpu.region"() ({
        %run_scoped3A = tpu.sem_alloc : memref<!tpu.dma_semaphore, #tpu.memory_space<semaphore_mem>>
        %dma_start3A = arith.constant 0 : i32
        %dma_start3A_61 = tpu.memref_slice %arg11[%add3A_17, %dma_start3A] : memref<64x16384xf32, #tpu.memory_space<hbm>> -> memref<1x8192xf32, #tpu.memory_space<hbm>>
        %dma_start3A_62 = tpu.memref_squeeze %dma_start3A_61 : memref<1x8192xf32, #tpu.memory_space<hbm>> -> memref<8192xf32, #tpu.memory_space<hbm>>
        %dma_start3A_63 = arith.constant 0 : i32
        %dma_start3A_64 = tpu.memref_slice %arg11[%add3A_17, %dma_start3A_63] : memref<64x16384xf32, #tpu.memory_space<hbm>> -> memref<1x8192xf32, #tpu.memory_space<hbm>>
        %dma_start3A_65 = tpu.memref_squeeze %dma_start3A_64 : memref<1x8192xf32, #tpu.memory_space<hbm>> -> memref<8192xf32, #tpu.memory_space<hbm>>
        tpu.enqueue_dma source(%arg16 : memref<8192xf32, #tpu.memory_space<vmem>>) target(%dma_start3A_65 : memref<8192xf32, #tpu.memory_space<hbm>>) target_semaphore(%run_scoped3A : memref<!tpu.dma_semaphore, #tpu.memory_space<semaphore_mem>>)
        %dma_wait3A = arith.constant 0 : i32
        %dma_wait3A_66 = tpu.memref_slice %arg11[%add3A_17, %dma_wait3A] : memref<64x16384xf32, #tpu.memory_space<hbm>> -> memref<1x8192xf32, #tpu.memory_space<hbm>>
        %dma_wait3A_67 = tpu.memref_squeeze %dma_wait3A_66 : memref<1x8192xf32, #tpu.memory_space<hbm>> -> memref<8192xf32, #tpu.memory_space<hbm>>
        %dma_wait3A_68 = arith.constant 0 : i32
        %dma_wait3A_69 = tpu.memref_slice %arg11[%add3A_17, %dma_wait3A_68] : memref<64x16384xf32, #tpu.memory_space<hbm>> -> memref<1x8192xf32, #tpu.memory_space<hbm>>
        %dma_wait3A_70 = tpu.memref_squeeze %dma_wait3A_69 : memref<1x8192xf32, #tpu.memory_space<hbm>> -> memref<8192xf32, #tpu.memory_space<hbm>>
        tpu.wait_dma2 semaphore(%run_scoped3A : memref<!tpu.dma_semaphore, #tpu.memory_space<semaphore_mem>>) src(%arg16 : memref<8192xf32, #tpu.memory_space<vmem>>) dst(%dma_wait3A_70 : memref<8192xf32, #tpu.memory_space<hbm>>)
        tpu.yield
      }) : () -> ()
      %parallel_loop3A_21 = arith.constant 0 : i32
      %parallel_loop3A_22 = arith.constant 512 : i32
      %parallel_loop3A_23 = arith.constant 1 : i32
      scf.for %parallel_loop3A_61 = %parallel_loop3A_21 to %parallel_loop3A_22 step %parallel_loop3A_23  : i32 {
        %parallel_loop3A_62 = arith.constant 16 : i32
        %parallel_loop3A_63 = arith.muli %parallel_loop3A_61, %parallel_loop3A_62 : i32
        %parallel_loop3A_64 = arith.constant 8192 : i32
        %parallel_loop3A_65 = arith.addi %parallel_loop3A_64, %parallel_loop3A_63 : i32
        %parallel_loop3A_66 = arith.index_cast %parallel_loop3A_65 : i32 to index
        %parallel_loop3A_67 = tpu.vector_load %arg14[%parallel_loop3A_66] {strides = array<i32>} : memref<16384xi32, #tpu.memory_space<vmem>>, vector<16xi32>,
        %parallel_loop3A_68 = tpu.vector_load_idx %arg15[%parallel_loop3A_67] : memref<100000xf32, #tpu.memory_space<vmem>>[vector<16xi32>], vector<16xf32>,
        %parallel_loop3A_69 = arith.constant 16 : i32
        %parallel_loop3A_70 = arith.muli %parallel_loop3A_61, %parallel_loop3A_69 : i32
        %parallel_loop3A_71 = arith.index_cast %parallel_loop3A_70 : i32 to index
        %parallel_loop3A_72 = tpu.vector_load %arg16[%parallel_loop3A_71] {strides = array<i32>} : memref<8192xf32, #tpu.memory_space<vmem>>, vector<16xf32>,
        tpu.vector_store %arg16[%parallel_loop3A_71], %parallel_loop3A_68 {strides = array<i32>} : memref<8192xf32, #tpu.memory_space<vmem>>, vector<16xf32>,
      } {sc.loop_unroll_factor = 8 : i64, sc.parallel_access}
      "tpu.region"() ({
        %run_scoped3A = tpu.sem_alloc : memref<!tpu.dma_semaphore, #tpu.memory_space<semaphore_mem>>
        %dma_start3A = arith.constant 8192 : i32
        %dma_start3A_61 = tpu.memref_slice %arg11[%add3A_17, %dma_start3A] : memref<64x16384xf32, #tpu.memory_space<hbm>> -> memref<1x8192xf32, #tpu.memory_space<hbm>>
        %dma_start3A_62 = tpu.memref_squeeze %dma_start3A_61 : memref<1x8192xf32, #tpu.memory_space<hbm>> -> memref<8192xf32, #tpu.memory_space<hbm>>
        %dma_start3A_63 = arith.constant 8192 : i32
        %dma_start3A_64 = tpu.memref_slice %arg11[%add3A_17, %dma_start3A_63] : memref<64x16384xf32, #tpu.memory_space<hbm>> -> memref<1x8192xf32, #tpu.memory_space<hbm>>
        %dma_start3A_65 = tpu.memref_squeeze %dma_start3A_64 : memref<1x8192xf32, #tpu.memory_space<hbm>> -> memref<8192xf32, #tpu.memory_space<hbm>>
        tpu.enqueue_dma source(%arg16 : memref<8192xf32, #tpu.memory_space<vmem>>) target(%dma_start3A_65 : memref<8192xf32, #tpu.memory_space<hbm>>) target_semaphore(%run_scoped3A : memref<!tpu.dma_semaphore, #tpu.memory_space<semaphore_mem>>)
        %dma_wait3A = arith.constant 8192 : i32
        %dma_wait3A_66 = tpu.memref_slice %arg11[%add3A_17, %dma_wait3A] : memref<64x16384xf32, #tpu.memory_space<hbm>> -> memref<1x8192xf32, #tpu.memory_space<hbm>>
        %dma_wait3A_67 = tpu.memref_squeeze %dma_wait3A_66 : memref<1x8192xf32, #tpu.memory_space<hbm>> -> memref<8192xf32, #tpu.memory_space<hbm>>
        %dma_wait3A_68 = arith.constant 8192 : i32
        %dma_wait3A_69 = tpu.memref_slice %arg11[%add3A_17, %dma_wait3A_68] : memref<64x16384xf32, #tpu.memory_space<hbm>> -> memref<1x8192xf32, #tpu.memory_space<hbm>>
        %dma_wait3A_70 = tpu.memref_squeeze %dma_wait3A_69 : memref<1x8192xf32, #tpu.memory_space<hbm>> -> memref<8192xf32, #tpu.memory_space<hbm>>
        tpu.wait_dma2 semaphore(%run_scoped3A : memref<!tpu.dma_semaphore, #tpu.memory_space<semaphore_mem>>) src(%arg16 : memref<8192xf32, #tpu.memory_space<vmem>>) dst(%dma_wait3A_70 : memref<8192xf32, #tpu.memory_space<hbm>>)
        tpu.yield
      }) : () -> ()
      %mul3A_24 = arith.constant 4 : i32
      %mul3A_25 = arith.muli %arg1, %mul3A_24 : i32
      %add3A_26 = arith.constant 2 : i32
      %add3A_27 = arith.addi %mul3A_25, %add3A_26 : i32
      "tpu.region"() ({
        %run_scoped3A = tpu.sem_alloc : memref<!tpu.dma_semaphore, #tpu.memory_space<semaphore_mem>>
        %dma_start3A = arith.constant 0 : i32
        %dma_start3A_61 = tpu.memref_slice %arg5[%add3A_27, %dma_start3A] : memref<64x100000xf32, #tpu.memory_space<hbm>> -> memref<1x100000xf32, #tpu.memory_space<hbm>>
        %dma_start3A_62 = tpu.memref_squeeze %dma_start3A_61 : memref<1x100000xf32, #tpu.memory_space<hbm>> -> memref<100000xf32, #tpu.memory_space<hbm>>
        %dma_start3A_63 = arith.constant 0 : i32
        %dma_start3A_64 = tpu.memref_slice %arg5[%add3A_27, %dma_start3A_63] : memref<64x100000xf32, #tpu.memory_space<hbm>> -> memref<1x100000xf32, #tpu.memory_space<hbm>>
        %dma_start3A_65 = tpu.memref_squeeze %dma_start3A_64 : memref<1x100000xf32, #tpu.memory_space<hbm>> -> memref<100000xf32, #tpu.memory_space<hbm>>
        tpu.enqueue_dma source(%dma_start3A_65 : memref<100000xf32, #tpu.memory_space<hbm>>) target(%arg15 : memref<100000xf32, #tpu.memory_space<vmem>>) target_semaphore(%run_scoped3A : memref<!tpu.dma_semaphore, #tpu.memory_space<semaphore_mem>>)
        %dma_wait3A = arith.constant 0 : i32
        %dma_wait3A_66 = tpu.memref_slice %arg5[%add3A_27, %dma_wait3A] : memref<64x100000xf32, #tpu.memory_space<hbm>> -> memref<1x100000xf32, #tpu.memory_space<hbm>>
        %dma_wait3A_67 = tpu.memref_squeeze %dma_wait3A_66 : memref<1x100000xf32, #tpu.memory_space<hbm>> -> memref<100000xf32, #tpu.memory_space<hbm>>
        %dma_wait3A_68 = arith.constant 0 : i32
        %dma_wait3A_69 = tpu.memref_slice %arg5[%add3A_27, %dma_wait3A_68] : memref<64x100000xf32, #tpu.memory_space<hbm>> -> memref<1x100000xf32, #tpu.memory_space<hbm>>
        %dma_wait3A_70 = tpu.memref_squeeze %dma_wait3A_69 : memref<1x100000xf32, #tpu.memory_space<hbm>> -> memref<100000xf32, #tpu.memory_space<hbm>>
        tpu.wait_dma2 semaphore(%run_scoped3A : memref<!tpu.dma_semaphore, #tpu.memory_space<semaphore_mem>>) src(%dma_wait3A_70 : memref<100000xf32, #tpu.memory_space<hbm>>) dst(%arg15 : memref<100000xf32, #tpu.memory_space<vmem>>)
        tpu.yield
      }) : () -> ()
      %parallel_loop3A_28 = arith.constant 0 : i32
      %parallel_loop3A_29 = arith.constant 512 : i32
      %parallel_loop3A_30 = arith.constant 1 : i32
      scf.for %parallel_loop3A_61 = %parallel_loop3A_28 to %parallel_loop3A_29 step %parallel_loop3A_30  : i32 {
        %parallel_loop3A_62 = arith.constant 16 : i32
        %parallel_loop3A_63 = arith.muli %parallel_loop3A_61, %parallel_loop3A_62 : i32
        %parallel_loop3A_64 = arith.constant 0 : i32
        %parallel_loop3A_65 = arith.addi %parallel_loop3A_64, %parallel_loop3A_63 : i32
        %parallel_loop3A_66 = arith.index_cast %parallel_loop3A_65 : i32 to index
        %parallel_loop3A_67 = tpu.vector_load %arg14[%parallel_loop3A_66] {strides = array<i32>} : memref<16384xi32, #tpu.memory_space<vmem>>, vector<16xi32>,
        %parallel_loop3A_68 = tpu.vector_load_idx %arg15[%parallel_loop3A_67] : memref<100000xf32, #tpu.memory_space<vmem>>[vector<16xi32>], vector<16xf32>,
        %parallel_loop3A_69 = arith.constant 16 : i32
        %parallel_loop3A_70 = arith.muli %parallel_loop3A_61, %parallel_loop3A_69 : i32
        %parallel_loop3A_71 = arith.index_cast %parallel_loop3A_70 : i32 to index
        %parallel_loop3A_72 = tpu.vector_load %arg16[%parallel_loop3A_71] {strides = array<i32>} : memref<8192xf32, #tpu.memory_space<vmem>>, vector<16xf32>,
        tpu.vector_store %arg16[%parallel_loop3A_71], %parallel_loop3A_68 {strides = array<i32>} : memref<8192xf32, #tpu.memory_space<vmem>>, vector<16xf32>,
      } {sc.loop_unroll_factor = 8 : i64, sc.parallel_access}
      "tpu.region"() ({
        %run_scoped3A = tpu.sem_alloc : memref<!tpu.dma_semaphore, #tpu.memory_space<semaphore_mem>>
        %dma_start3A = arith.constant 0 : i32
        %dma_start3A_61 = tpu.memref_slice %arg11[%add3A_27, %dma_start3A] : memref<64x16384xf32, #tpu.memory_space<hbm>> -> memref<1x8192xf32, #tpu.memory_space<hbm>>
        %dma_start3A_62 = tpu.memref_squeeze %dma_start3A_61 : memref<1x8192xf32, #tpu.memory_space<hbm>> -> memref<8192xf32, #tpu.memory_space<hbm>>
        %dma_start3A_63 = arith.constant 0 : i32
        %dma_start3A_64 = tpu.memref_slice %arg11[%add3A_27, %dma_start3A_63] : memref<64x16384xf32, #tpu.memory_space<hbm>> -> memref<1x8192xf32, #tpu.memory_space<hbm>>
        %dma_start3A_65 = tpu.memref_squeeze %dma_start3A_64 : memref<1x8192xf32, #tpu.memory_space<hbm>> -> memref<8192xf32, #tpu.memory_space<hbm>>
        tpu.enqueue_dma source(%arg16 : memref<8192xf32, #tpu.memory_space<vmem>>) target(%dma_start3A_65 : memref<8192xf32, #tpu.memory_space<hbm>>) target_semaphore(%run_scoped3A : memref<!tpu.dma_semaphore, #tpu.memory_space<semaphore_mem>>)
        %dma_wait3A = arith.constant 0 : i32
        %dma_wait3A_66 = tpu.memref_slice %arg11[%add3A_27, %dma_wait3A] : memref<64x16384xf32, #tpu.memory_space<hbm>> -> memref<1x8192xf32, #tpu.memory_space<hbm>>
        %dma_wait3A_67 = tpu.memref_squeeze %dma_wait3A_66 : memref<1x8192xf32, #tpu.memory_space<hbm>> -> memref<8192xf32, #tpu.memory_space<hbm>>
        %dma_wait3A_68 = arith.constant 0 : i32
        %dma_wait3A_69 = tpu.memref_slice %arg11[%add3A_27, %dma_wait3A_68] : memref<64x16384xf32, #tpu.memory_space<hbm>> -> memref<1x8192xf32, #tpu.memory_space<hbm>>
        %dma_wait3A_70 = tpu.memref_squeeze %dma_wait3A_69 : memref<1x8192xf32, #tpu.memory_space<hbm>> -> memref<8192xf32, #tpu.memory_space<hbm>>
        tpu.wait_dma2 semaphore(%run_scoped3A : memref<!tpu.dma_semaphore, #tpu.memory_space<semaphore_mem>>) src(%arg16 : memref<8192xf32, #tpu.memory_space<vmem>>) dst(%dma_wait3A_70 : memref<8192xf32, #tpu.memory_space<hbm>>)
        tpu.yield
      }) : () -> ()
      %parallel_loop3A_31 = arith.constant 0 : i32
      %parallel_loop3A_32 = arith.constant 512 : i32
      %parallel_loop3A_33 = arith.constant 1 : i32
      scf.for %parallel_loop3A_61 = %parallel_loop3A_31 to %parallel_loop3A_32 step %parallel_loop3A_33  : i32 {
        %parallel_loop3A_62 = arith.constant 16 : i32
        %parallel_loop3A_63 = arith.muli %parallel_loop3A_61, %parallel_loop3A_62 : i32
        %parallel_loop3A_64 = arith.constant 8192 : i32
        %parallel_loop3A_65 = arith.addi %parallel_loop3A_64, %parallel_loop3A_63 : i32
        %parallel_loop3A_66 = arith.index_cast %parallel_loop3A_65 : i32 to index
        %parallel_loop3A_67 = tpu.vector_load %arg14[%parallel_loop3A_66] {strides = array<i32>} : memref<16384xi32, #tpu.memory_space<vmem>>, vector<16xi32>,
        %parallel_loop3A_68 = tpu.vector_load_idx %arg15[%parallel_loop3A_67] : memref<100000xf32, #tpu.memory_space<vmem>>[vector<16xi32>], vector<16xf32>,
        %parallel_loop3A_69 = arith.constant 16 : i32
        %parallel_loop3A_70 = arith.muli %parallel_loop3A_61, %parallel_loop3A_69 : i32
        %parallel_loop3A_71 = arith.index_cast %parallel_loop3A_70 : i32 to index
        %parallel_loop3A_72 = tpu.vector_load %arg16[%parallel_loop3A_71] {strides = array<i32>} : memref<8192xf32, #tpu.memory_space<vmem>>, vector<16xf32>,
        tpu.vector_store %arg16[%parallel_loop3A_71], %parallel_loop3A_68 {strides = array<i32>} : memref<8192xf32, #tpu.memory_space<vmem>>, vector<16xf32>,
      } {sc.loop_unroll_factor = 8 : i64, sc.parallel_access}
      "tpu.region"() ({
        %run_scoped3A = tpu.sem_alloc : memref<!tpu.dma_semaphore, #tpu.memory_space<semaphore_mem>>
        %dma_start3A = arith.constant 8192 : i32
        %dma_start3A_61 = tpu.memref_slice %arg11[%add3A_27, %dma_start3A] : memref<64x16384xf32, #tpu.memory_space<hbm>> -> memref<1x8192xf32, #tpu.memory_space<hbm>>
        %dma_start3A_62 = tpu.memref_squeeze %dma_start3A_61 : memref<1x8192xf32, #tpu.memory_space<hbm>> -> memref<8192xf32, #tpu.memory_space<hbm>>
        %dma_start3A_63 = arith.constant 8192 : i32
        %dma_start3A_64 = tpu.memref_slice %arg11[%add3A_27, %dma_start3A_63] : memref<64x16384xf32, #tpu.memory_space<hbm>> -> memref<1x8192xf32, #tpu.memory_space<hbm>>
        %dma_start3A_65 = tpu.memref_squeeze %dma_start3A_64 : memref<1x8192xf32, #tpu.memory_space<hbm>> -> memref<8192xf32, #tpu.memory_space<hbm>>
        tpu.enqueue_dma source(%arg16 : memref<8192xf32, #tpu.memory_space<vmem>>) target(%dma_start3A_65 : memref<8192xf32, #tpu.memory_space<hbm>>) target_semaphore(%run_scoped3A : memref<!tpu.dma_semaphore, #tpu.memory_space<semaphore_mem>>)
        %dma_wait3A = arith.constant 8192 : i32
        %dma_wait3A_66 = tpu.memref_slice %arg11[%add3A_27, %dma_wait3A] : memref<64x16384xf32, #tpu.memory_space<hbm>> -> memref<1x8192xf32, #tpu.memory_space<hbm>>
        %dma_wait3A_67 = tpu.memref_squeeze %dma_wait3A_66 : memref<1x8192xf32, #tpu.memory_space<hbm>> -> memref<8192xf32, #tpu.memory_space<hbm>>
        %dma_wait3A_68 = arith.constant 8192 : i32
        %dma_wait3A_69 = tpu.memref_slice %arg11[%add3A_27, %dma_wait3A_68] : memref<64x16384xf32, #tpu.memory_space<hbm>> -> memref<1x8192xf32, #tpu.memory_space<hbm>>
        %dma_wait3A_70 = tpu.memref_squeeze %dma_wait3A_69 : memref<1x8192xf32, #tpu.memory_space<hbm>> -> memref<8192xf32, #tpu.memory_space<hbm>>
        tpu.wait_dma2 semaphore(%run_scoped3A : memref<!tpu.dma_semaphore, #tpu.memory_space<semaphore_mem>>) src(%arg16 : memref<8192xf32, #tpu.memory_space<vmem>>) dst(%dma_wait3A_70 : memref<8192xf32, #tpu.memory_space<hbm>>)
        tpu.yield
      }) : () -> ()
      %mul3A_34 = arith.constant 4 : i32
      %mul3A_35 = arith.muli %arg1, %mul3A_34 : i32
      %add3A_36 = arith.constant 3 : i32
      %add3A_37 = arith.addi %mul3A_35, %add3A_36 : i32
      "tpu.region"() ({
        %run_scoped3A = tpu.sem_alloc : memref<!tpu.dma_semaphore, #tpu.memory_space<semaphore_mem>>
        %dma_start3A = arith.constant 0 : i32
        %dma_start3A_61 = tpu.memref_slice %arg5[%add3A_37, %dma_start3A] : memref<64x100000xf32, #tpu.memory_space<hbm>> -> memref<1x100000xf32, #tpu.memory_space<hbm>>
        %dma_start3A_62 = tpu.memref_squeeze %dma_start3A_61 : memref<1x100000xf32, #tpu.memory_space<hbm>> -> memref<100000xf32, #tpu.memory_space<hbm>>
        %dma_start3A_63 = arith.constant 0 : i32
        %dma_start3A_64 = tpu.memref_slice %arg5[%add3A_37, %dma_start3A_63] : memref<64x100000xf32, #tpu.memory_space<hbm>> -> memref<1x100000xf32, #tpu.memory_space<hbm>>
        %dma_start3A_65 = tpu.memref_squeeze %dma_start3A_64 : memref<1x100000xf32, #tpu.memory_space<hbm>> -> memref<100000xf32, #tpu.memory_space<hbm>>
        tpu.enqueue_dma source(%dma_start3A_65 : memref<100000xf32, #tpu.memory_space<hbm>>) target(%arg15 : memref<100000xf32, #tpu.memory_space<vmem>>) target_semaphore(%run_scoped3A : memref<!tpu.dma_semaphore, #tpu.memory_space<semaphore_mem>>)
        %dma_wait3A = arith.constant 0 : i32
        %dma_wait3A_66 = tpu.memref_slice %arg5[%add3A_37, %dma_wait3A] : memref<64x100000xf32, #tpu.memory_space<hbm>> -> memref<1x100000xf32, #tpu.memory_space<hbm>>
        %dma_wait3A_67 = tpu.memref_squeeze %dma_wait3A_66 : memref<1x100000xf32, #tpu.memory_space<hbm>> -> memref<100000xf32, #tpu.memory_space<hbm>>
        %dma_wait3A_68 = arith.constant 0 : i32
        %dma_wait3A_69 = tpu.memref_slice %arg5[%add3A_37, %dma_wait3A_68] : memref<64x100000xf32, #tpu.memory_space<hbm>> -> memref<1x100000xf32, #tpu.memory_space<hbm>>
        %dma_wait3A_70 = tpu.memref_squeeze %dma_wait3A_69 : memref<1x100000xf32, #tpu.memory_space<hbm>> -> memref<100000xf32, #tpu.memory_space<hbm>>
        tpu.wait_dma2 semaphore(%run_scoped3A : memref<!tpu.dma_semaphore, #tpu.memory_space<semaphore_mem>>) src(%dma_wait3A_70 : memref<100000xf32, #tpu.memory_space<hbm>>) dst(%arg15 : memref<100000xf32, #tpu.memory_space<vmem>>)
        tpu.yield
      }) : () -> ()
      %parallel_loop3A_38 = arith.constant 0 : i32
      %parallel_loop3A_39 = arith.constant 512 : i32
      %parallel_loop3A_40 = arith.constant 1 : i32
      scf.for %parallel_loop3A_61 = %parallel_loop3A_38 to %parallel_loop3A_39 step %parallel_loop3A_40  : i32 {
        %parallel_loop3A_62 = arith.constant 16 : i32
        %parallel_loop3A_63 = arith.muli %parallel_loop3A_61, %parallel_loop3A_62 : i32
        %parallel_loop3A_64 = arith.constant 0 : i32
        %parallel_loop3A_65 = arith.addi %parallel_loop3A_64, %parallel_loop3A_63 : i32
        %parallel_loop3A_66 = arith.index_cast %parallel_loop3A_65 : i32 to index
        %parallel_loop3A_67 = tpu.vector_load %arg14[%parallel_loop3A_66] {strides = array<i32>} : memref<16384xi32, #tpu.memory_space<vmem>>, vector<16xi32>,
        %parallel_loop3A_68 = tpu.vector_load_idx %arg15[%parallel_loop3A_67] : memref<100000xf32, #tpu.memory_space<vmem>>[vector<16xi32>], vector<16xf32>,
        %parallel_loop3A_69 = arith.constant 16 : i32
        %parallel_loop3A_70 = arith.muli %parallel_loop3A_61, %parallel_loop3A_69 : i32
        %parallel_loop3A_71 = arith.index_cast %parallel_loop3A_70 : i32 to index
        %parallel_loop3A_72 = tpu.vector_load %arg16[%parallel_loop3A_71] {strides = array<i32>} : memref<8192xf32, #tpu.memory_space<vmem>>, vector<16xf32>,
        tpu.vector_store %arg16[%parallel_loop3A_71], %parallel_loop3A_68 {strides = array<i32>} : memref<8192xf32, #tpu.memory_space<vmem>>, vector<16xf32>,
      } {sc.loop_unroll_factor = 8 : i64, sc.parallel_access}
      "tpu.region"() ({
        %run_scoped3A = tpu.sem_alloc : memref<!tpu.dma_semaphore, #tpu.memory_space<semaphore_mem>>
        %dma_start3A = arith.constant 0 : i32
        %dma_start3A_61 = tpu.memref_slice %arg11[%add3A_37, %dma_start3A] : memref<64x16384xf32, #tpu.memory_space<hbm>> -> memref<1x8192xf32, #tpu.memory_space<hbm>>
        %dma_start3A_62 = tpu.memref_squeeze %dma_start3A_61 : memref<1x8192xf32, #tpu.memory_space<hbm>> -> memref<8192xf32, #tpu.memory_space<hbm>>
        %dma_start3A_63 = arith.constant 0 : i32
        %dma_start3A_64 = tpu.memref_slice %arg11[%add3A_37, %dma_start3A_63] : memref<64x16384xf32, #tpu.memory_space<hbm>> -> memref<1x8192xf32, #tpu.memory_space<hbm>>
        %dma_start3A_65 = tpu.memref_squeeze %dma_start3A_64 : memref<1x8192xf32, #tpu.memory_space<hbm>> -> memref<8192xf32, #tpu.memory_space<hbm>>
        tpu.enqueue_dma source(%arg16 : memref<8192xf32, #tpu.memory_space<vmem>>) target(%dma_start3A_65 : memref<8192xf32, #tpu.memory_space<hbm>>) target_semaphore(%run_scoped3A : memref<!tpu.dma_semaphore, #tpu.memory_space<semaphore_mem>>)
        %dma_wait3A = arith.constant 0 : i32
        %dma_wait3A_66 = tpu.memref_slice %arg11[%add3A_37, %dma_wait3A] : memref<64x16384xf32, #tpu.memory_space<hbm>> -> memref<1x8192xf32, #tpu.memory_space<hbm>>
        %dma_wait3A_67 = tpu.memref_squeeze %dma_wait3A_66 : memref<1x8192xf32, #tpu.memory_space<hbm>> -> memref<8192xf32, #tpu.memory_space<hbm>>
        %dma_wait3A_68 = arith.constant 0 : i32
        %dma_wait3A_69 = tpu.memref_slice %arg11[%add3A_37, %dma_wait3A_68] : memref<64x16384xf32, #tpu.memory_space<hbm>> -> memref<1x8192xf32, #tpu.memory_space<hbm>>
        %dma_wait3A_70 = tpu.memref_squeeze %dma_wait3A_69 : memref<1x8192xf32, #tpu.memory_space<hbm>> -> memref<8192xf32, #tpu.memory_space<hbm>>
        tpu.wait_dma2 semaphore(%run_scoped3A : memref<!tpu.dma_semaphore, #tpu.memory_space<semaphore_mem>>) src(%arg16 : memref<8192xf32, #tpu.memory_space<vmem>>) dst(%dma_wait3A_70 : memref<8192xf32, #tpu.memory_space<hbm>>)
        tpu.yield
      }) : () -> ()
      %parallel_loop3A_41 = arith.constant 0 : i32
      %parallel_loop3A_42 = arith.constant 512 : i32
      %parallel_loop3A_43 = arith.constant 1 : i32
      scf.for %parallel_loop3A_61 = %parallel_loop3A_41 to %parallel_loop3A_42 step %parallel_loop3A_43  : i32 {
        %parallel_loop3A_62 = arith.constant 16 : i32
        %parallel_loop3A_63 = arith.muli %parallel_loop3A_61, %parallel_loop3A_62 : i32
        %parallel_loop3A_64 = arith.constant 8192 : i32
        %parallel_loop3A_65 = arith.addi %parallel_loop3A_64, %parallel_loop3A_63 : i32
        %parallel_loop3A_66 = arith.index_cast %parallel_loop3A_65 : i32 to index
        %parallel_loop3A_67 = tpu.vector_load %arg14[%parallel_loop3A_66] {strides = array<i32>} : memref<16384xi32, #tpu.memory_space<vmem>>, vector<16xi32>,
        %parallel_loop3A_68 = tpu.vector_load_idx %arg15[%parallel_loop3A_67] : memref<100000xf32, #tpu.memory_space<vmem>>[vector<16xi32>], vector<16xf32>,
        %parallel_loop3A_69 = arith.constant 16 : i32
        %parallel_loop3A_70 = arith.muli %parallel_loop3A_61, %parallel_loop3A_69 : i32
        %parallel_loop3A_71 = arith.index_cast %parallel_loop3A_70 : i32 to index
        %parallel_loop3A_72 = tpu.vector_load %arg16[%parallel_loop3A_71] {strides = array<i32>} : memref<8192xf32, #tpu.memory_space<vmem>>, vector<16xf32>,
        tpu.vector_store %arg16[%parallel_loop3A_71], %parallel_loop3A_68 {strides = array<i32>} : memref<8192xf32, #tpu.memory_space<vmem>>, vector<16xf32>,
      } {sc.loop_unroll_factor = 8 : i64, sc.parallel_access}
      "tpu.region"() ({
        %run_scoped3A = tpu.sem_alloc : memref<!tpu.dma_semaphore, #tpu.memory_space<semaphore_mem>>
        %dma_start3A = arith.constant 8192 : i32
        %dma_start3A_61 = tpu.memref_slice %arg11[%add3A_37, %dma_start3A] : memref<64x16384xf32, #tpu.memory_space<hbm>> -> memref<1x8192xf32, #tpu.memory_space<hbm>>
        %dma_start3A_62 = tpu.memref_squeeze %dma_start3A_61 : memref<1x8192xf32, #tpu.memory_space<hbm>> -> memref<8192xf32, #tpu.memory_space<hbm>>
        %dma_start3A_63 = arith.constant 8192 : i32
        %dma_start3A_64 = tpu.memref_slice %arg11[%add3A_37, %dma_start3A_63] : memref<64x16384xf32, #tpu.memory_space<hbm>> -> memref<1x8192xf32, #tpu.memory_space<hbm>>
        %dma_start3A_65 = tpu.memref_squeeze %dma_start3A_64 : memref<1x8192xf32, #tpu.memory_space<hbm>> -> memref<8192xf32, #tpu.memory_space<hbm>>
        tpu.enqueue_dma source(%arg16 : memref<8192xf32, #tpu.memory_space<vmem>>) target(%dma_start3A_65 : memref<8192xf32, #tpu.memory_space<hbm>>) target_semaphore(%run_scoped3A : memref<!tpu.dma_semaphore, #tpu.memory_space<semaphore_mem>>)
        %dma_wait3A = arith.constant 8192 : i32
        %dma_wait3A_66 = tpu.memref_slice %arg11[%add3A_37, %dma_wait3A] : memref<64x16384xf32, #tpu.memory_space<hbm>> -> memref<1x8192xf32, #tpu.memory_space<hbm>>
        %dma_wait3A_67 = tpu.memref_squeeze %dma_wait3A_66 : memref<1x8192xf32, #tpu.memory_space<hbm>> -> memref<8192xf32, #tpu.memory_space<hbm>>
        %dma_wait3A_68 = arith.constant 8192 : i32
        %dma_wait3A_69 = tpu.memref_slice %arg11[%add3A_37, %dma_wait3A_68] : memref<64x16384xf32, #tpu.memory_space<hbm>> -> memref<1x8192xf32, #tpu.memory_space<hbm>>
        %dma_wait3A_70 = tpu.memref_squeeze %dma_wait3A_69 : memref<1x8192xf32, #tpu.memory_space<hbm>> -> memref<8192xf32, #tpu.memory_space<hbm>>
        tpu.wait_dma2 semaphore(%run_scoped3A : memref<!tpu.dma_semaphore, #tpu.memory_space<semaphore_mem>>) src(%arg16 : memref<8192xf32, #tpu.memory_space<vmem>>) dst(%dma_wait3A_70 : memref<8192xf32, #tpu.memory_space<hbm>>)
        tpu.yield
      }) : () -> ()
      %mul3A_44 = arith.constant 6400 : i32
      %mul3A_45 = arith.muli %arg1, %mul3A_44 : i32
      %lt3A = arith.constant 15 : i32
      %lt3A_46 = arith.cmpi slt, %arg1, %lt3A : i32
      %convert_element_type3A_47 = arith.extui %lt3A_46 : i1 to i32
      %cond3A_48 = arith.constant 0 : i32
      %cond3A_49 = arith.cmpi ne, %convert_element_type3A_47, %cond3A_48 : i32
      scf.if %cond3A_49 {
        %multiple_of3A = tpu.assume_multiple %mul3A_45, 128 : i32
        %run_scoped3A = arith.constant 0 : i32
        "tpu.region"() ({
          %run_scoped3A_61 = tpu.sem_alloc : memref<!tpu.dma_semaphore, #tpu.memory_space<semaphore_mem>>
          %dma_start3A = arith.constant 0 : i32
          %dma_start3A_62 = tpu.memref_slice %arg15[%dma_start3A] : memref<100000xf32, #tpu.memory_space<vmem>> -> memref<6400xf32, #tpu.memory_space<vmem>>
          %dma_start3A_63 = tpu.memref_slice %arg7[%run_scoped3A, %multiple_of3A] : memref<1x100000xf32, #tpu.memory_space<hbm>> -> memref<1x6400xf32, #tpu.memory_space<hbm>>
          %dma_start3A_64 = tpu.memref_squeeze %dma_start3A_63 : memref<1x6400xf32, #tpu.memory_space<hbm>> -> memref<6400xf32, #tpu.memory_space<hbm>>
          %dma_start3A_65 = arith.constant 0 : i32
          %dma_start3A_66 = tpu.memref_slice %arg15[%dma_start3A_65] : memref<100000xf32, #tpu.memory_space<vmem>> -> memref<6400xf32, #tpu.memory_space<vmem>>
          %dma_start3A_67 = tpu.memref_slice %arg7[%run_scoped3A, %multiple_of3A] : memref<1x100000xf32, #tpu.memory_space<hbm>> -> memref<1x6400xf32, #tpu.memory_space<hbm>>
          %dma_start3A_68 = tpu.memref_squeeze %dma_start3A_67 : memref<1x6400xf32, #tpu.memory_space<hbm>> -> memref<6400xf32, #tpu.memory_space<hbm>>
          tpu.enqueue_dma source(%dma_start3A_68 : memref<6400xf32, #tpu.memory_space<hbm>>) target(%dma_start3A_66 : memref<6400xf32, #tpu.memory_space<vmem>>) target_semaphore(%run_scoped3A_61 : memref<!tpu.dma_semaphore, #tpu.memory_space<semaphore_mem>>)
          %dma_wait3A = arith.constant 0 : i32
          %dma_wait3A_69 = tpu.memref_slice %arg15[%dma_wait3A] : memref<100000xf32, #tpu.memory_space<vmem>> -> memref<6400xf32, #tpu.memory_space<vmem>>
          %dma_wait3A_70 = tpu.memref_slice %arg7[%run_scoped3A, %multiple_of3A] : memref<1x100000xf32, #tpu.memory_space<hbm>> -> memref<1x6400xf32, #tpu.memory_space<hbm>>
          %dma_wait3A_71 = tpu.memref_squeeze %dma_wait3A_70 : memref<1x6400xf32, #tpu.memory_space<hbm>> -> memref<6400xf32, #tpu.memory_space<hbm>>
          %dma_wait3A_72 = arith.constant 0 : i32
          %dma_wait3A_73 = tpu.memref_slice %arg15[%dma_wait3A_72] : memref<100000xf32, #tpu.memory_space<vmem>> -> memref<6400xf32, #tpu.memory_space<vmem>>
          %dma_wait3A_74 = tpu.memref_slice %arg7[%run_scoped3A, %multiple_of3A] : memref<1x100000xf32, #tpu.memory_space<hbm>> -> memref<1x6400xf32, #tpu.memory_space<hbm>>
          %dma_wait3A_75 = tpu.memref_squeeze %dma_wait3A_74 : memref<1x6400xf32, #tpu.memory_space<hbm>> -> memref<6400xf32, #tpu.memory_space<hbm>>
          tpu.wait_dma2 semaphore(%run_scoped3A_61 : memref<!tpu.dma_semaphore, #tpu.memory_space<semaphore_mem>>) src(%dma_wait3A_75 : memref<6400xf32, #tpu.memory_space<hbm>>) dst(%dma_wait3A_73 : memref<6400xf32, #tpu.memory_space<vmem>>)
          tpu.yield
        }) : () -> ()
      } else {
      }
      %eq3A_50 = arith.constant 15 : i32
      %eq3A_51 = arith.cmpi eq, %arg1, %eq3A_50 : i32
      %convert_element_type3A_52 = arith.extui %eq3A_51 : i1 to i32
      %cond3A_53 = arith.constant 0 : i32
      %cond3A_54 = arith.cmpi ne, %convert_element_type3A_52, %cond3A_53 : i32
      scf.if %cond3A_54 {
        %run_scoped3A = arith.constant 0 : i32
        "tpu.region"() ({
          %run_scoped3A_61 = tpu.sem_alloc : memref<!tpu.dma_semaphore, #tpu.memory_space<semaphore_mem>>
          %dma_start3A = arith.constant 0 : i32
          %dma_start3A_62 = tpu.memref_slice %arg15[%dma_start3A] : memref<100000xf32, #tpu.memory_space<vmem>> -> memref<3968xf32, #tpu.memory_space<vmem>>
          %dma_start3A_63 = arith.constant 96000 : i32
          %dma_start3A_64 = tpu.memref_slice %arg7[%run_scoped3A, %dma_start3A_63] : memref<1x100000xf32, #tpu.memory_space<hbm>> -> memref<1x3968xf32, #tpu.memory_space<hbm>>
          %dma_start3A_65 = tpu.memref_squeeze %dma_start3A_64 : memref<1x3968xf32, #tpu.memory_space<hbm>> -> memref<3968xf32, #tpu.memory_space<hbm>>
          %dma_start3A_66 = arith.constant 0 : i32
          %dma_start3A_67 = tpu.memref_slice %arg15[%dma_start3A_66] : memref<100000xf32, #tpu.memory_space<vmem>> -> memref<3968xf32, #tpu.memory_space<vmem>>
          %dma_start3A_68 = arith.constant 96000 : i32
          %dma_start3A_69 = tpu.memref_slice %arg7[%run_scoped3A, %dma_start3A_68] : memref<1x100000xf32, #tpu.memory_space<hbm>> -> memref<1x3968xf32, #tpu.memory_space<hbm>>
          %dma_start3A_70 = tpu.memref_squeeze %dma_start3A_69 : memref<1x3968xf32, #tpu.memory_space<hbm>> -> memref<3968xf32, #tpu.memory_space<hbm>>
          tpu.enqueue_dma source(%dma_start3A_70 : memref<3968xf32, #tpu.memory_space<hbm>>) target(%dma_start3A_67 : memref<3968xf32, #tpu.memory_space<vmem>>) target_semaphore(%run_scoped3A_61 : memref<!tpu.dma_semaphore, #tpu.memory_space<semaphore_mem>>)
          %dma_wait3A = arith.constant 0 : i32
          %dma_wait3A_71 = tpu.memref_slice %arg15[%dma_wait3A] : memref<100000xf32, #tpu.memory_space<vmem>> -> memref<3968xf32, #tpu.memory_space<vmem>>
          %dma_wait3A_72 = arith.constant 96000 : i32
          %dma_wait3A_73 = tpu.memref_slice %arg7[%run_scoped3A, %dma_wait3A_72] : memref<1x100000xf32, #tpu.memory_space<hbm>> -> memref<1x3968xf32, #tpu.memory_space<hbm>>
          %dma_wait3A_74 = tpu.memref_squeeze %dma_wait3A_73 : memref<1x3968xf32, #tpu.memory_space<hbm>> -> memref<3968xf32, #tpu.memory_space<hbm>>
          %dma_wait3A_75 = arith.constant 0 : i32
          %dma_wait3A_76 = tpu.memref_slice %arg15[%dma_wait3A_75] : memref<100000xf32, #tpu.memory_space<vmem>> -> memref<3968xf32, #tpu.memory_space<vmem>>
          %dma_wait3A_77 = arith.constant 96000 : i32
          %dma_wait3A_78 = tpu.memref_slice %arg7[%run_scoped3A, %dma_wait3A_77] : memref<1x100000xf32, #tpu.memory_space<hbm>> -> memref<1x3968xf32, #tpu.memory_space<hbm>>
          %dma_wait3A_79 = tpu.memref_squeeze %dma_wait3A_78 : memref<1x3968xf32, #tpu.memory_space<hbm>> -> memref<3968xf32, #tpu.memory_space<hbm>>
          tpu.wait_dma2 semaphore(%run_scoped3A_61 : memref<!tpu.dma_semaphore, #tpu.memory_space<semaphore_mem>>) src(%dma_wait3A_79 : memref<3968xf32, #tpu.memory_space<hbm>>) dst(%dma_wait3A_76 : memref<3968xf32, #tpu.memory_space<vmem>>)
          tpu.yield
        }) : () -> ()
        "tpu.region"() ({
          %run_scoped3A_61 = tpu.sem_alloc : memref<!tpu.dma_semaphore, #tpu.memory_space<semaphore_mem>>
          %dma_start3A = arith.constant 3968 : i32
          %dma_start3A_62 = tpu.memref_slice %arg15[%dma_start3A] : memref<100000xf32, #tpu.memory_space<vmem>> -> memref<128xf32, #tpu.memory_space<vmem>>
          %dma_start3A_63 = arith.constant 8192 : i32
          %dma_start3A_64 = tpu.memref_slice %arg9[%dma_start3A_63] : memref<8320xf32, #tpu.memory_space<hbm>> -> memref<128xf32, #tpu.memory_space<hbm>>
          %dma_start3A_65 = arith.constant 3968 : i32
          %dma_start3A_66 = tpu.memref_slice %arg15[%dma_start3A_65] : memref<100000xf32, #tpu.memory_space<vmem>> -> memref<128xf32, #tpu.memory_space<vmem>>
          %dma_start3A_67 = arith.constant 8192 : i32
          %dma_start3A_68 = tpu.memref_slice %arg9[%dma_start3A_67] : memref<8320xf32, #tpu.memory_space<hbm>> -> memref<128xf32, #tpu.memory_space<hbm>>
          tpu.enqueue_dma source(%dma_start3A_68 : memref<128xf32, #tpu.memory_space<hbm>>) target(%dma_start3A_66 : memref<128xf32, #tpu.memory_space<vmem>>) target_semaphore(%run_scoped3A_61 : memref<!tpu.dma_semaphore, #tpu.memory_space<semaphore_mem>>)
          %dma_wait3A = arith.constant 3968 : i32
          %dma_wait3A_69 = tpu.memref_slice %arg15[%dma_wait3A] : memref<100000xf32, #tpu.memory_space<vmem>> -> memref<128xf32, #tpu.memory_space<vmem>>
          %dma_wait3A_70 = arith.constant 8192 : i32
          %dma_wait3A_71 = tpu.memref_slice %arg9[%dma_wait3A_70] : memref<8320xf32, #tpu.memory_space<hbm>> -> memref<128xf32, #tpu.memory_space<hbm>>
          %dma_wait3A_72 = arith.constant 3968 : i32
          %dma_wait3A_73 = tpu.memref_slice %arg15[%dma_wait3A_72] : memref<100000xf32, #tpu.memory_space<vmem>> -> memref<128xf32, #tpu.memory_space<vmem>>
          %dma_wait3A_74 = arith.constant 8192 : i32
          %dma_wait3A_75 = tpu.memref_slice %arg9[%dma_wait3A_74] : memref<8320xf32, #tpu.memory_space<hbm>> -> memref<128xf32, #tpu.memory_space<hbm>>
          tpu.wait_dma2 semaphore(%run_scoped3A_61 : memref<!tpu.dma_semaphore, #tpu.memory_space<semaphore_mem>>) src(%dma_wait3A_75 : memref<128xf32, #tpu.memory_space<hbm>>) dst(%dma_wait3A_73 : memref<128xf32, #tpu.memory_space<vmem>>)
          tpu.yield
        }) : () -> ()
      } else {
      }
      %parallel_loop3A_55 = arith.constant 0 : i32
      %parallel_loop3A_56 = arith.constant 512 : i32
      %parallel_loop3A_57 = arith.constant 1 : i32
      scf.for %parallel_loop3A_61 = %parallel_loop3A_55 to %parallel_loop3A_56 step %parallel_loop3A_57  : i32 {
        %parallel_loop3A_62 = arith.constant 16 : i32
        %parallel_loop3A_63 = arith.muli %parallel_loop3A_61, %parallel_loop3A_62 : i32
        %parallel_loop3A_64 = arith.constant 0 : i32
        %parallel_loop3A_65 = arith.addi %parallel_loop3A_64, %parallel_loop3A_63 : i32
        %parallel_loop3A_66 = arith.index_cast %parallel_loop3A_65 : i32 to index
        %parallel_loop3A_67 = tpu.vector_load %arg14[%parallel_loop3A_66] {strides = array<i32>} : memref<16384xi32, #tpu.memory_space<vmem>>, vector<16xi32>,
        %parallel_loop3A_68 = vector.broadcast %mul3A_45 : i32 to vector<16xi32>
        %parallel_loop3A_69 = arith.cmpi sge, %parallel_loop3A_67, %parallel_loop3A_68 : vector<16xi32>
        %parallel_loop3A_70 = arith.constant 6400 : i32
        %parallel_loop3A_71 = arith.addi %mul3A_45, %parallel_loop3A_70 : i32
        %parallel_loop3A_72 = vector.broadcast %parallel_loop3A_71 : i32 to vector<16xi32>
        %parallel_loop3A_73 = arith.cmpi slt, %parallel_loop3A_67, %parallel_loop3A_72 : vector<16xi32>
        %parallel_loop3A_74 = arith.andi %parallel_loop3A_69, %parallel_loop3A_73 : vector<16xi1>
        %parallel_loop3A_75 = vector.broadcast %mul3A_45 : i32 to vector<16xi32>
        %parallel_loop3A_76 = arith.subi %parallel_loop3A_67, %parallel_loop3A_75 : vector<16xi32>
        %parallel_loop3A_77 = tpu.vector_load_idx %arg15[%parallel_loop3A_76] masked %parallel_loop3A_74 : memref<100000xf32, #tpu.memory_space<vmem>>[vector<16xi32>], vector<16xf32>, vector<16xi1>
        %parallel_loop3A_78 = arith.constant 0.000000e+00 : f32
        %parallel_loop3A_79 = vector.broadcast %parallel_loop3A_78 : f32 to vector<16xf32>
        %parallel_loop3A_80 = arith.select %parallel_loop3A_74, %parallel_loop3A_77, %parallel_loop3A_79 : vector<16xi1>, vector<16xf32>
        %parallel_loop3A_81 = arith.constant 16 : i32
        %parallel_loop3A_82 = arith.muli %parallel_loop3A_61, %parallel_loop3A_81 : i32
        %parallel_loop3A_83 = arith.index_cast %parallel_loop3A_82 : i32 to index
        %parallel_loop3A_84 = tpu.vector_load %arg16[%parallel_loop3A_83] {strides = array<i32>} : memref<8192xf32, #tpu.memory_space<vmem>>, vector<16xf32>,
        tpu.vector_store %arg16[%parallel_loop3A_83], %parallel_loop3A_80 {strides = array<i32>} : memref<8192xf32, #tpu.memory_space<vmem>>, vector<16xf32>,
      } {sc.loop_unroll_factor = 8 : i64, sc.parallel_access}
      "tpu.region"() ({
        %run_scoped3A = tpu.sem_alloc : memref<!tpu.dma_semaphore, #tpu.memory_space<semaphore_mem>>
        %dma_start3A = arith.constant 0 : i32
        %dma_start3A_61 = tpu.memref_slice %arg13[%arg1, %dma_start3A] : memref<16x16384xf32, #tpu.memory_space<hbm>> -> memref<1x8192xf32, #tpu.memory_space<hbm>>
        %dma_start3A_62 = tpu.memref_squeeze %dma_start3A_61 : memref<1x8192xf32, #tpu.memory_space<hbm>> -> memref<8192xf32, #tpu.memory_space<hbm>>
        %dma_start3A_63 = arith.constant 0 : i32
        %dma_start3A_64 = tpu.memref_slice %arg13[%arg1, %dma_start3A_63] : memref<16x16384xf32, #tpu.memory_space<hbm>> -> memref<1x8192xf32, #tpu.memory_space<hbm>>
        %dma_start3A_65 = tpu.memref_squeeze %dma_start3A_64 : memref<1x8192xf32, #tpu.memory_space<hbm>> -> memref<8192xf32, #tpu.memory_space<hbm>>
        tpu.enqueue_dma source(%arg16 : memref<8192xf32, #tpu.memory_space<vmem>>) target(%dma_start3A_65 : memref<8192xf32, #tpu.memory_space<hbm>>) target_semaphore(%run_scoped3A : memref<!tpu.dma_semaphore, #tpu.memory_space<semaphore_mem>>)
        %dma_wait3A = arith.constant 0 : i32
        %dma_wait3A_66 = tpu.memref_slice %arg13[%arg1, %dma_wait3A] : memref<16x16384xf32, #tpu.memory_space<hbm>> -> memref<1x8192xf32, #tpu.memory_space<hbm>>
        %dma_wait3A_67 = tpu.memref_squeeze %dma_wait3A_66 : memref<1x8192xf32, #tpu.memory_space<hbm>> -> memref<8192xf32, #tpu.memory_space<hbm>>
        %dma_wait3A_68 = arith.constant 0 : i32
        %dma_wait3A_69 = tpu.memref_slice %arg13[%arg1, %dma_wait3A_68] : memref<16x16384xf32, #tpu.memory_space<hbm>> -> memref<1x8192xf32, #tpu.memory_space<hbm>>
        %dma_wait3A_70 = tpu.memref_squeeze %dma_wait3A_69 : memref<1x8192xf32, #tpu.memory_space<hbm>> -> memref<8192xf32, #tpu.memory_space<hbm>>
        tpu.wait_dma2 semaphore(%run_scoped3A : memref<!tpu.dma_semaphore, #tpu.memory_space<semaphore_mem>>) src(%arg16 : memref<8192xf32, #tpu.memory_space<vmem>>) dst(%dma_wait3A_70 : memref<8192xf32, #tpu.memory_space<hbm>>)
        tpu.yield
      }) : () -> ()
      %parallel_loop3A_58 = arith.constant 0 : i32
      %parallel_loop3A_59 = arith.constant 512 : i32
      %parallel_loop3A_60 = arith.constant 1 : i32
      scf.for %parallel_loop3A_61 = %parallel_loop3A_58 to %parallel_loop3A_59 step %parallel_loop3A_60  : i32 {
        %parallel_loop3A_62 = arith.constant 16 : i32
        %parallel_loop3A_63 = arith.muli %parallel_loop3A_61, %parallel_loop3A_62 : i32
        %parallel_loop3A_64 = arith.constant 8192 : i32
        %parallel_loop3A_65 = arith.addi %parallel_loop3A_64, %parallel_loop3A_63 : i32
        %parallel_loop3A_66 = arith.index_cast %parallel_loop3A_65 : i32 to index
        %parallel_loop3A_67 = tpu.vector_load %arg14[%parallel_loop3A_66] {strides = array<i32>} : memref<16384xi32, #tpu.memory_space<vmem>>, vector<16xi32>,
        %parallel_loop3A_68 = vector.broadcast %mul3A_45 : i32 to vector<16xi32>
        %parallel_loop3A_69 = arith.cmpi sge, %parallel_loop3A_67, %parallel_loop3A_68 : vector<16xi32>
        %parallel_loop3A_70 = arith.constant 6400 : i32
        %parallel_loop3A_71 = arith.addi %mul3A_45, %parallel_loop3A_70 : i32
        %parallel_loop3A_72 = vector.broadcast %parallel_loop3A_71 : i32 to vector<16xi32>
        %parallel_loop3A_73 = arith.cmpi slt, %parallel_loop3A_67, %parallel_loop3A_72 : vector<16xi32>
        %parallel_loop3A_74 = arith.andi %parallel_loop3A_69, %parallel_loop3A_73 : vector<16xi1>
        %parallel_loop3A_75 = vector.broadcast %mul3A_45 : i32 to vector<16xi32>
        %parallel_loop3A_76 = arith.subi %parallel_loop3A_67, %parallel_loop3A_75 : vector<16xi32>
        %parallel_loop3A_77 = tpu.vector_load_idx %arg15[%parallel_loop3A_76] masked %parallel_loop3A_74 : memref<100000xf32, #tpu.memory_space<vmem>>[vector<16xi32>], vector<16xf32>, vector<16xi1>
        %parallel_loop3A_78 = arith.constant 0.000000e+00 : f32
        %parallel_loop3A_79 = vector.broadcast %parallel_loop3A_78 : f32 to vector<16xf32>
        %parallel_loop3A_80 = arith.select %parallel_loop3A_74, %parallel_loop3A_77, %parallel_loop3A_79 : vector<16xi1>, vector<16xf32>
        %parallel_loop3A_81 = arith.constant 16 : i32
        %parallel_loop3A_82 = arith.muli %parallel_loop3A_61, %parallel_loop3A_81 : i32
        %parallel_loop3A_83 = arith.index_cast %parallel_loop3A_82 : i32 to index
        %parallel_loop3A_84 = tpu.vector_load %arg16[%parallel_loop3A_83] {strides = array<i32>} : memref<8192xf32, #tpu.memory_space<vmem>>, vector<16xf32>,
        tpu.vector_store %arg16[%parallel_loop3A_83], %parallel_loop3A_80 {strides = array<i32>} : memref<8192xf32, #tpu.memory_space<vmem>>, vector<16xf32>,
      } {sc.loop_unroll_factor = 8 : i64, sc.parallel_access}
      "tpu.region"() ({
        %run_scoped3A = tpu.sem_alloc : memref<!tpu.dma_semaphore, #tpu.memory_space<semaphore_mem>>
        %dma_start3A = arith.constant 8192 : i32
        %dma_start3A_61 = tpu.memref_slice %arg13[%arg1, %dma_start3A] : memref<16x16384xf32, #tpu.memory_space<hbm>> -> memref<1x8192xf32, #tpu.memory_space<hbm>>
        %dma_start3A_62 = tpu.memref_squeeze %dma_start3A_61 : memref<1x8192xf32, #tpu.memory_space<hbm>> -> memref<8192xf32, #tpu.memory_space<hbm>>
        %dma_start3A_63 = arith.constant 8192 : i32
        %dma_start3A_64 = tpu.memref_slice %arg13[%arg1, %dma_start3A_63] : memref<16x16384xf32, #tpu.memory_space<hbm>> -> memref<1x8192xf32, #tpu.memory_space<hbm>>
        %dma_start3A_65 = tpu.memref_squeeze %dma_start3A_64 : memref<1x8192xf32, #tpu.memory_space<hbm>> -> memref<8192xf32, #tpu.memory_space<hbm>>
        tpu.enqueue_dma source(%arg16 : memref<8192xf32, #tpu.memory_space<vmem>>) target(%dma_start3A_65 : memref<8192xf32, #tpu.memory_space<hbm>>) target_semaphore(%run_scoped3A : memref<!tpu.dma_semaphore, #tpu.memory_space<semaphore_mem>>)
        %dma_wait3A = arith.constant 8192 : i32
        %dma_wait3A_66 = tpu.memref_slice %arg13[%arg1, %dma_wait3A] : memref<16x16384xf32, #tpu.memory_space<hbm>> -> memref<1x8192xf32, #tpu.memory_space<hbm>>
        %dma_wait3A_67 = tpu.memref_squeeze %dma_wait3A_66 : memref<1x8192xf32, #tpu.memory_space<hbm>> -> memref<8192xf32, #tpu.memory_space<hbm>>
        %dma_wait3A_68 = arith.constant 8192 : i32
        %dma_wait3A_69 = tpu.memref_slice %arg13[%arg1, %dma_wait3A_68] : memref<16x16384xf32, #tpu.memory_space<hbm>> -> memref<1x8192xf32, #tpu.memory_space<hbm>>
        %dma_wait3A_70 = tpu.memref_squeeze %dma_wait3A_69 : memref<1x8192xf32, #tpu.memory_space<hbm>> -> memref<8192xf32, #tpu.memory_space<hbm>>
        tpu.wait_dma2 semaphore(%run_scoped3A : memref<!tpu.dma_semaphore, #tpu.memory_space<semaphore_mem>>) src(%arg16 : memref<8192xf32, #tpu.memory_space<vmem>>) dst(%dma_wait3A_70 : memref<8192xf32, #tpu.memory_space<hbm>>)
        tpu.yield
      }) : () -> ()
    } else {
    }
    return
  }
}

module attributes {stable_mosaic.version = 14 : i64} {
  func.func @_tc_body(%arg0: i32, %arg1: memref<64x2048xf32, #tpu.memory_space<vmem>>, %arg2: memref<64x2048xf32, #tpu.memory_space<vmem>>, %arg3: memref<16x2048xf32, #tpu.memory_space<vmem>>, %arg4: memref<16x2048xf32, #tpu.memory_space<vmem>>, %arg5: memref<128x192xf32, #tpu.memory_space<vmem>>, %arg6: memref<128xf32, #tpu.memory_space<vmem>>, %arg7: memref<128xf32, #tpu.memory_space<vmem>>, %arg8: memref<1xf32, #tpu.memory_space<smem>>, %arg9: memref<2048xf32, #tpu.memory_space<vmem>>, %arg10: memref<2048xf32, #tpu.memory_space<vmem>>) attributes {dimension_semantics = [#tpu.dimension_semantics<arbitrary>], iteration_bounds = array<i64: 8>, scalar_prefetch = 0 : i64, scratch_operands = 0 : i64, tpu.core_type = #tpu.core_type<tc>, window_params = [{transform_indices = @transform_0, window_bounds = array<i64: 64, 2048>}, {transform_indices = @transform_1, window_bounds = array<i64: 64, 2048>}, {transform_indices = @transform_2, window_bounds = array<i64: 16, 2048>}, {transform_indices = @transform_3, window_bounds = array<i64: 16, 2048>}, {pipeline_mode = #tpu.pipeline_mode<synchronous>, transform_indices = @transform_4, window_bounds = array<i64: 128, 192>}, {pipeline_mode = #tpu.pipeline_mode<synchronous>, transform_indices = @transform_5, window_bounds = array<i64: 128>}, {pipeline_mode = #tpu.pipeline_mode<synchronous>, transform_indices = @transform_6, window_bounds = array<i64: 128>}, {transform_indices = @transform_7, window_bounds = array<i64: 1>}, {transform_indices = @transform_8, window_bounds = array<i64: 2048>}, {transform_indices = @transform_9, window_bounds = array<i64: 2048>}]} {
    %get3A = arith.constant 0 : index
    %get3A_0 = arith.constant 0 : index
    %get3A_1 = vector.load %arg1[%get3A, %get3A_0] : memref<64x2048xf32, #tpu.memory_space<vmem>>, vector<64x2048xf32>
    %get3A_2 = arith.constant 0 : index
    %get3A_3 = arith.constant 0 : index
    %get3A_4 = vector.load %arg2[%get3A_2, %get3A_3] : memref<64x2048xf32, #tpu.memory_space<vmem>>, vector<64x2048xf32>
    %mul3A = arith.mulf %get3A_1, %get3A_4 : vector<64x2048xf32>
    %reduce_sum3A = arith.constant dense<0.000000e+00> : vector<2048xf32>
    %reduce_sum3A_5 = vector.multi_reduction <add>, %mul3A, %reduce_sum3A [0] : vector<64x2048xf32> to vector<2048xf32>
    %get3A_6 = arith.constant 0 : index
    %get3A_7 = arith.constant 0 : index
    %get3A_8 = vector.load %arg3[%get3A_6, %get3A_7] : memref<16x2048xf32, #tpu.memory_space<vmem>>, vector<16x2048xf32>
    %reduce_sum3A_9 = arith.constant dense<0.000000e+00> : vector<2048xf32>
    %reduce_sum3A_10 = vector.multi_reduction <add>, %get3A_8, %reduce_sum3A_9 [0] : vector<16x2048xf32> to vector<2048xf32>
    %add3A = arith.addf %reduce_sum3A_5, %reduce_sum3A_10 : vector<2048xf32>
    %get3A_11 = arith.constant 0 : index
    %get3A_12 = arith.constant 0 : index
    %get3A_13 = vector.load %arg4[%get3A_11, %get3A_12] : memref<16x2048xf32, #tpu.memory_space<vmem>>, vector<16x2048xf32>
    %reduce_sum3A_14 = arith.constant dense<0.000000e+00> : vector<2048xf32>
    %reduce_sum3A_15 = vector.multi_reduction <add>, %get3A_13, %reduce_sum3A_14 [0] : vector<16x2048xf32> to vector<2048xf32>
    %add3A_16 = arith.addf %add3A, %reduce_sum3A_15 : vector<2048xf32>
    %swap3A = arith.constant 0 : index
    %swap3A_17 = vector.load %arg9[%swap3A] : memref<2048xf32, #tpu.memory_space<vmem>>, vector<2048xf32>
    tpu.vector_store %arg9[%swap3A], %add3A_16 {strides = array<i32>} : memref<2048xf32, #tpu.memory_space<vmem>>, vector<2048xf32>,
    %concatenate3A = tpu.concatenate %get3A_1, %get3A_4, %mul3A in 0 : vector<64x2048xf32>, vector<64x2048xf32>, vector<64x2048xf32> -> vector<192x2048xf32>
    %get3A_18 = arith.constant 0 : index
    %get3A_19 = arith.constant 0 : index
    %get3A_20 = vector.load %arg5[%get3A_18, %get3A_19] : memref<128x192xf32, #tpu.memory_space<vmem>>, vector<128x192xf32>
    %dot_general3A = arith.constant dense<0.000000e+00> : vector<128x2048xf32>
    %dot_general3A_21 = tpu.matmul %get3A_20, %concatenate3A, %dot_general3A {dimension_numbers = #tpu.dot_dimension_numbers<[1], [0], [0], [1], [0, 0, 1, 1], [], []>, transpose_lhs_hint = false} : vector<128x192xf32>, vector<192x2048xf32>, vector<128x2048xf32> -> vector<128x2048xf32>
    %get3A_22 = arith.constant 0 : index
    %get3A_23 = vector.load %arg6[%get3A_22] : memref<128xf32, #tpu.memory_space<vmem>>, vector<128xf32>
    %broadcast_in_dim3A = vector.shape_cast %get3A_23 : vector<128xf32> to vector<128x1xf32>
    %add3A_24 = vector.broadcast %broadcast_in_dim3A : vector<128x1xf32> to vector<128x2048xf32>
    %add3A_25 = arith.addf %dot_general3A_21, %add3A_24 : vector<128x2048xf32>
    %max3A = arith.constant 0.000000e+00 : f32
    %max3A_26 = vector.broadcast %max3A : f32 to vector<128x2048xf32>
    %max3A_27 = arith.maximumf %add3A_25, %max3A_26 : vector<128x2048xf32>
    %get3A_28 = arith.constant 0 : index
    %get3A_29 = vector.load %arg7[%get3A_28] : memref<128xf32, #tpu.memory_space<vmem>>, vector<128xf32>
    %broadcast_in_dim3A_30 = vector.shape_cast %get3A_29 : vector<128xf32> to vector<128x1xf32>
    %mul3A_31 = vector.broadcast %broadcast_in_dim3A_30 : vector<128x1xf32> to vector<128x2048xf32>
    %mul3A_32 = arith.mulf %max3A_27, %mul3A_31 : vector<128x2048xf32>
    %reduce_sum3A_33 = arith.constant dense<0.000000e+00> : vector<2048xf32>
    %reduce_sum3A_34 = vector.multi_reduction <add>, %mul3A_32, %reduce_sum3A_33 [0] : vector<128x2048xf32> to vector<2048xf32>
    %get3A_35 = arith.constant 0 : index
    %get3A_36 = memref.load %arg8[%get3A_35] : memref<1xf32, #tpu.memory_space<smem>>
    %add3A_37 = vector.broadcast %get3A_36 : f32 to vector<2048xf32>
    %add3A_38 = arith.addf %reduce_sum3A_34, %add3A_37 : vector<2048xf32>
    %swap3A_39 = arith.constant 0 : index
    %swap3A_40 = vector.load %arg10[%swap3A_39] : memref<2048xf32, #tpu.memory_space<vmem>>, vector<2048xf32>
    tpu.vector_store %arg10[%swap3A_39], %add3A_38 {strides = array<i32>} : memref<2048xf32, #tpu.memory_space<vmem>>, vector<2048xf32>,
    return
  }
  func.func @transform_0(%arg0: i32) -> (i32, i32) {
    %c0_i32 = arith.constant 0 : i32
    %c0_i32_0 = arith.constant 0 : i32
    return %c0_i32, %arg0 : i32, i32
  }
  func.func @transform_1(%arg0: i32) -> (i32, i32) {
    %c0_i32 = arith.constant 0 : i32
    %c0_i32_0 = arith.constant 0 : i32
    return %c0_i32, %arg0 : i32, i32
  }
  func.func @transform_2(%arg0: i32) -> (i32, i32) {
    %c0_i32 = arith.constant 0 : i32
    %c0_i32_0 = arith.constant 0 : i32
    return %c0_i32, %arg0 : i32, i32
  }
  func.func @transform_3(%arg0: i32) -> (i32, i32) {
    %c0_i32 = arith.constant 0 : i32
    %c0_i32_0 = arith.constant 0 : i32
    return %c0_i32, %arg0 : i32, i32
  }
  func.func @transform_4(%arg0: i32) -> (i32, i32) {
    %c0_i32 = arith.constant 0 : i32
    %c0_i32_0 = arith.constant 0 : i32
    %c0_i32_1 = arith.constant 0 : i32
    return %c0_i32, %c0_i32_0 : i32, i32
  }
  func.func @transform_5(%arg0: i32) -> i32 {
    %c0_i32 = arith.constant 0 : i32
    %c0_i32_0 = arith.constant 0 : i32
    return %c0_i32 : i32
  }
  func.func @transform_6(%arg0: i32) -> i32 {
    %c0_i32 = arith.constant 0 : i32
    %c0_i32_0 = arith.constant 0 : i32
    return %c0_i32 : i32
  }
  func.func @transform_7(%arg0: i32) -> i32 {
    %c0_i32 = arith.constant 0 : i32
    %c0_i32_0 = arith.constant 0 : i32
    return %c0_i32 : i32
  }
  func.func @transform_8(%arg0: i32) -> i32 {
    %c0_i32 = arith.constant 0 : i32
    return %arg0 : i32
  }
  func.func @transform_9(%arg0: i32) -> i32 {
    %c0_i32 = arith.constant 0 : i32
    return %arg0 : i32
  }
}

</mosaic_0001>

<sc_bundles>
// kernel: kernel.4.cloned.1.call-start
scs
__scs_entry_jumppad:
0x0: {  	(pc) =	sbr.rel $0x88, $3  }
0x1: {  	(tag) =	ssettag $0x0;
	lr =	simm.s32 $0x1  }
0x2: {  	[smem:$0x3F97] =	sst lr;
	_ =	strace $0xD0000000  }
0x3: {  	_ = 	snop  }
0x4: {  	_ = 	snop  }
0x5: {  	_ = 	snop  }
0x6: {  	_ = 	snop  }
0x7: {  	_ = 	snop  }
__scs_overlays_trampoline_lowered:
0x8: {  	[smem:$0x3FA6] =	sst s0  }
0x9: {  	[smem:$0x3FA7] =	sst s1  }
0xa: {  	[smem:$0x3FA8] =	sst s2  }
0xb: {  	[smem:$0x3FA9] =	sst s3  }
0xc: {  	[smem:$0x3FAA] =	sst s4  }
0xd: {  	[smem:$0x3FAB] =	sst s5  }
0xe: {  	[smem:$0x3FAC] =	sst s6  }
0xf: {  	[smem:$0x3FAD] =	sst s7  }
0x10: {  	[smem:$0x3FAE] =	sst s8  }
0x11: {  	[smem:$0x3FAF] =	sst s9;
	s0 =	simm.s32 @!p0 $0x0  }
0x12: {  	s1 =	sld [smem:$0x3F95];
	s0 =	simm.s32 @p0 $0x1  }
0x13: {  	[smem:$0x3FB0] =	sst s0;
	s0 =	simm.s32 @!p1 $0x0  }
0x14: {  	s2 =	sld [smem:$0x3F94];
	s0 =	simm.s32 @p1 $0x1  }
0x15: {  	[smem:$0x3FB1] =	sst s0;
	s0 =	simm.s32 @!p2 $0x0  }
0x16: {  	s3 =	sld [smem:$0x3FDB];
	s0 =	simm.s32 @p2 $0x1  }
0x17: {  	s4 =	simm.s32 $0x1BF5;
	[smem:$0x3FB3] =	sst s0  }
0x18: {  	s0 =	sld [smem:$0x3F96];
	_ =	swait.ge [sflag:s4], $0x0  }
0x19: {  	s7 =	sld [smem:$0x3F97]  }
0x1a: {  	s8 =	sadd.s32 $0xFFFFE003, lr  }
0x1b: {  	s9 =	sadd.s32 $0xFFFFFEF7, lr;
	s5 =	simm.s32 $0xFFFFFFFF;
	p2 =	slt.u32 s8, $0xFFFFF086  }
0x1c: {  	p1 =	slt.u32 s9, $0xF7A;
	s5 =	simm.s32 @!p2 $0x0  }
0x1d: {  	s5 =	simm.s32 @p1 $0x1;
	p0 =	seq.s32 s7, s2  }
0x1e: {  	s7 =	smul.u32 @!p0 $0xF7A, s2;
	p2 =	seq.s32 @!p0 s5, $0x0  }
0x1f: {  	s9 =	smul.u32 $0xF7A, s1;
	s8 =	simm.s32 @!p0 $0x1BF5;
	p2 =	por !p2, p0  }
0x20: {  	[sflag:s8] =	ssyncset.s32 @!p0 $0xFFFFF086;
	s6 =	sadd.s32 @!p0 s3, s7;
	s7 =	simm.s32 @!p0 $0x108  }
0x21: {  	s3 =	sadd.s32 s3, s9;
	s6 =	sadd.s32 @!p0 $0x88, s6;
	s7 =	simm.s32 @p2 $0x1082  }
0x22: {  	[simem:s7], [sflag:s8] =	dma.local @!p0 [hbm:s6], $0xF7A  }
0x23: {  	s9 =	sor.u32 $0xD0000000, s2;
	s6 =	simm.s32 $0x108;
	_ =	swait.ge @!p0 [sflag:s8], $0x0  }
0x24: {  	s3 =	sadd.s32 $0x88, s3;
	s6 =	simm.s32 @!p1 $0x1082;
	[sflag:s4] =	ssyncset.s32 $0xFFFFF086  }
0x25: {  	[simem:s6], [sflag:s4] =	dma.local [hbm:s3], $0xF7A  }
0x26: {  	[smem:$0x3F97] =	sst s1;
	(tag) =	ssettag s2;
	_ =	strace s9  }
0x27: {  	s1 =	sld [smem:$0x3FA7]  }
0x28: {  	s2 =	sld [smem:$0x3FA8]  }
0x29: {  	s4 =	sld [smem:$0x3FAA]  }
0x2a: {  	p0 =	seq.s32 s5, $0x0;
	s5 =	sld [smem:$0x3FAB]  }
0x2b: {  	s6 =	sld [smem:$0x3FAC]  }
0x2c: {  	s7 =	sld [smem:$0x3FAD]  }
0x2d: {  	s3 =	simm.s32 $0x108;
	s8 =	sld [smem:$0x3FAE]  }
0x2e: {  	s3 =	simm.s32 @!p0 $0x1082;
	s9 =	sld [smem:$0x3FAF]  }
0x2f: {  	lr =	sadd.s32 s0, s3;
	s0 =	sld [smem:$0x3FA6]  }
0x30: {  	s3 =	sld [smem:$0x3FA9]  }
0x31: {  	[smem:$0x3FB2] =	sst s10  }
0x32: {  	s10 =	sld [smem:$0x3FB0];
	_ =	sdelay $0x3  }
0x33: {  	p0 =	seq.s32 s10, $0x1;
	s10 =	sld [smem:$0x3FB2];
	_ =	sdelay $0x3  }
0x34: {  	[smem:$0x3FB2] =	sst s10  }
0x35: {  	s10 =	sld [smem:$0x3FB1];
	_ =	sdelay $0x3  }
0x36: {  	p1 =	seq.s32 s10, $0x1;
	s10 =	sld [smem:$0x3FB2];
	_ =	sdelay $0x3  }
0x37: {  	[smem:$0x3FB2] =	sst s10  }
0x38: {  	s10 =	sld [smem:$0x3FB3]  }
0x39: {  	_ = 	snop;
	(pc) =	sbr.ind lr, $3  }
0x3a: {  	_ = 	snop  }
0x3b: {  	_ = 	snop  }
0x3c: {  	p2 =	seq.s32 s10, $0x1;
	s10 =	sld [smem:$0x3FB2]  }
0x3d: {  	_ =	shalt  }
0x3e: {  	_ =	shalt  }
0x3f: {  	_ =	shalt  }
0x40: {  	_ =	shalt  }
0x41: {  	_ =	shalt  }
0x42: {  	_ =	shalt  }
0x43: {  	_ =	shalt  }
0x44: {  	_ =	shalt  }
0x45: {  	_ =	shalt  }
0x46: {  	_ =	shalt  }
0x47: {  	_ =	shalt  }
0x48: {  	_ =	shalt  }
0x49: {  	_ =	shalt  }
0x4a: {  	_ =	shalt  }
0x4b: {  	_ =	shalt  }
0x4c: {  	_ =	shalt  }
0x4d: {  	_ =	shalt  }
0x4e: {  	_ =	shalt  }
0x4f: {  	_ =	shalt  }
0x50: {  	_ =	shalt  }
0x51: {  	_ =	shalt  }
0x52: {  	_ =	shalt  }
0x53: {  	_ =	shalt  }
0x54: {  	_ =	shalt  }
0x55: {  	_ =	shalt  }
0x56: {  	_ =	shalt  }
0x57: {  	_ =	shalt  }
0x58: {  	_ =	shalt  }
0x59: {  	_ =	shalt  }
0x5a: {  	_ =	shalt  }
0x5b: {  	_ =	shalt  }
0x5c: {  	_ =	shalt  }
0x5d: {  	_ =	shalt  }
0x5e: {  	_ =	shalt  }
0x5f: {  	_ =	shalt  }
0x60: {  	_ =	shalt  }
0x61: {  	_ =	shalt  }
0x62: {  	_ =	shalt  }
0x63: {  	_ =	shalt  }
0x64: {  	_ =	shalt  }
0x65: {  	_ =	shalt  }
0x66: {  	_ =	shalt  }
0x67: {  	_ =	shalt  }
0x68: {  	_ =	shalt  }
0x69: {  	_ =	shalt  }
0x6a: {  	_ =	shalt  }
0x6b: {  	_ =	shalt  }
0x6c: {  	_ =	shalt  }
0x6d: {  	_ =	shalt  }
0x6e: {  	_ =	shalt  }
0x6f: {  	_ =	shalt  }
0x70: {  	_ =	shalt  }
0x71: {  	_ =	shalt  }
0x72: {  	_ =	shalt  }
0x73: {  	_ =	shalt  }
0x74: {  	_ =	shalt  }
0x75: {  	_ =	shalt  }
0x76: {  	_ =	shalt  }
0x77: {  	_ =	shalt  }
0x78: {  	_ =	shalt  }
0x79: {  	_ =	shalt  }
0x7a: {  	_ =	shalt  }
0x7b: {  	_ =	shalt  }
0x7c: {  	_ =	shalt  }
0x7d: {  	_ =	shalt  }
0x7e: {  	_ =	shalt  }
0x7f: {  	_ =	shalt  }
0x80: {  	_ =	shalt  }
0x81: {  	_ =	shalt  }
0x82: {  	_ =	shalt  }
0x83: {  	_ =	shalt  }
0x84: {  	_ =	shalt  }
0x85: {  	_ =	shalt  }
0x86: {  	_ =	shalt  }
0x87: {  	_ =	shalt  }
.Lfunc_end0:
.L_simem_size_0:
called_computation_lowered:
.L_overlay_start_0:
0x88: {  	s2 =	sld [smem:$0x3FD9]  }
0x89: {  	s3 =	sld [smem:$0x3FFE];
	_ =	sdelay $0x1  }
0x8a: {  	s1 =	srdreg.scid  }
0x8b: {  	s0 =	sand.u32 $0x1, s1  }
0x8c: {  	s14 =	sshll.u32 s0, $0xA;
	s2 =	sadd.s32 s3, s2  }
0x8d: {  	s2 =	sadd.s32 s2, s14  }
0x8e: {  	[smem:$0x3FBE] =	sst s2  }
0x8f: {  	_ = 	snop  }
0x90: {  	s2 =	sld [smem:$0x3FC9]  }
0x91: {  	s15 =	sld [smem:$0x3FC8]  }
0x92: {  	s4 =	sld [smem:$0x3FC7]  }
0x93: {  	s5 =	sld [smem:$0x3FD0]  }
0x94: {  	s6 =	sld [smem:$0x3FC6]  }
0x95: {  	s7 =	sld [smem:$0x3FC5]  }
0x96: {  	s9 =	simm.s32 $0xA;
	s10 =	simm.s32 $0x10;
	s8 =	sld [smem:$0x3FC4]  }
0x97: {  	[smem:s10], [sflag:s9] =	dma.local [hbm:s5], $0x1  }
0x98: {  	_ =	swait.eq [sflag:s9], $0x1  }
0x99: {  	[sflag:s9] =	ssyncset.done $0x0  }
0x9a: {  	s16 =	sld [smem:$0x10];
	[sflag:s9] =	ssyncadd.s32 $0xFFFFFFFF  }
0x9b: {  	s17 =	sld [smem:$0x11];
	(tm) =	ssettm $0x1  }
0x9c: {  	s18 =	sld [smem:$0x3FFB];
	_ =	sdelay $0x3  }
0x9d: {  	_ =	strace s18  }
0x9e: {  	s10 =	sld [smem:$0x3FFC];
	_ =	sdelay $0x3  }
0x9f: {  	_ =	strace s10  }
0xa0: {  	s10 =	sld [smem:$0x3FFD];
	_ =	sdelay $0x3  }
0xa1: {  	_ =	strace s10  }
0xa2: {  	_ =	strace $0x8FFFFFFF  }
0xa3: {  	s19 =	sld [smem:$0x3FDB];
	_ =	sdelay $0x1  }
0xa4: {  	s11 =	simm.s32 $_scs_section_size  }
0xa5: {  	s12 =	simm.s32 $_size__tile_overlayer_lowered;
	s13 =	simm.s32 $_tile_overlayer_lowered  }
0xa6: {  	s22 =	simm.s32 $0x1BFF;
	s21 =	sshll.u32 s13, $0x1;
	s10 =	sadd.s32 s11, s19  }
0xa7: {  	s20 =	sshll.u32 s12, $0x1;
	s14 =	simm.s32 $0x0;
	s12 =	sadd.s32 s21, s10  }
0xa8: {  	[timem:s14], [sflag:s22] =	dma.local [hbm:s12], s20  }
0xa9: {  	_ =	swait.ge [sflag:s22], s20  }
0xaa: {  	s11 =	ssub.s32 $0x0, s20;
	[sflag:s22] =	ssyncset.done $0x0  }
0xab: {  	[sflag:s22] =	ssyncadd.s32 s11;
	_ =	sdelay $0x1  }
0xac: {  	s23 =	simm.s32 $0x1B8B  }
0xad: {  	_ =	swait.ge [sflag:s23], $0x1  }
0xae: {  	[sflag:s23] =	ssyncset.done $0x0  }
0xaf: {  	s25 =	simm.s32 $0x1B8E;
	s24 =	sld [smem:$0x3FFE];
	[sflag:s23] =	ssyncadd.s32 $0xFFFFFFFF  }
0xb0: {  	s26 =	simm.s32 $execute0_lowered;
	[smem:$0x3FD2] =	sst s25  }
0xb1: {  	s12 =	sshll.u32 s26, $0x1;
	_ =	strace $0x80000046;
	[dreg:$0x1] =	wrdreg $0xFFFFFFFF  }
0xb2: {  	s28 =	simm.s32 $_size_execute0_lowered;
	s10 =	sadd.s32 s10, s12;
	[dreg:$0x0] =	wrdreg $0x0  }
0xb3: {  	s12 =	sshll.u32 s28, $0x1;
	[dreg:$0x2] =	wrdreg s10  }
0xb4: {  	[dreg:$0x3] =	wrdreg s12  }
0xb5: {  	[dreg:$0x4] =	wrdreg $0xC0  }
0xb6: {  	_ =	task [dreg:s14], $0x5FFFF  }
0xb7: {  	[dreg:$0x1] =	wrdreg $0xFFFFFFFF  }
0xb8: {  	[dreg:$0x0] =	wrdreg $0x60  }
0xb9: {  	[dreg:$0x2] =	wrdreg s2  }
0xba: {  	[dreg:$0x3] =	wrdreg s15  }
0xbb: {  	[dreg:$0x4] =	wrdreg s4  }
0xbc: {  	[dreg:$0x5] =	wrdreg s6  }
0xbd: {  	[dreg:$0x6] =	wrdreg s7  }
0xbe: {  	[dreg:$0x7] =	wrdreg s8  }
0xbf: {  	[dreg:$0x8] =	wrdreg s16  }
0xc0: {  	[dreg:$0x9] =	wrdreg s17  }
0xc1: {  	[dreg:$0xa] =	wrdreg s24  }
0xc2: {  	[dreg:$0xb] =	wrdreg $0x9  }
0xc3: {  	_ =	task.clear_ibuf [dreg:s14], $0xCFFFF;
	_ =	strace $0x90000046  }
0xc4: {  	s29 =	simm.s32 $0x9;
	_ =	strace $0x80000048  }
0xc5: {  	_ =	swait.ge [sflag:s29], $0x1  }
0xc6: {  	[sflag:s29] =	ssyncadd.s32 $0xFFFFFFFF  }
0xc7: {  	_ =	strace $0x90000048  }
0xc8: {  	_ =	sfence  }
0xc9: {  	s30 =	sld [smem:$0x0];
	_ =	sdelay $0x2  }
0xca: {  	s31 =	sshll.u32 s1, $0xD;
	s1 =	sshrl.u32 s1, $0x2  }
0xcb: {  	s3 =	sand.u32 $0x4000, s31;
	s1 =	sadd.s32 s1, s30  }
0xcc: {  	s0 =	sor.u32 s3, s0;
	s1 =	sshll.u32 s1, $0x11  }
0xcd: {  	s0 =	sor.u32 s1, s0  }
0xce: {  	s0 =	sadd.s32 $0x8F2B, s0  }
0xcf: {  	[sflag:s0] =	ssyncadd.remote.s32 $0x1  }
0xd0: {  	_ =	sfence.sel $0xFFFF  }
0xd1: {  	[dreg:$0x0] =	wrdreg $0xFFFFFFFF;
	(pc) =	sbr.abs _section_cstart, $3  }
0xd2: {  	[dreg:$0x1] =	wrdreg $0xFFFFFFFF  }
0xd3: {  	_ =	task.clear_ibuf [dreg:s14], $0x2FFFF;
	_ =	strace $0x9FFFFFFF  }
0xd4: {  	(tm) =	ssettm $0x7FFFFFFF  }
0xd5: {  	_ =	shalt  }
tec
execute0_lowered:
.L_overlay_start_1:
0x0: {  	(tag) =	ssettag $0x1  }
0x1: {  	s1 =	rddreg [dreg:$0x2]  }
0x2: {  	s2 =	rddreg [dreg:$0x3]  }
0x3: {  	s0 =	rddreg [dreg:$0x8];
	s3 =	simm.s32 $0x0;
	s23 =	srdreg.scid  }
0x4: {  	s16 =	stileid.u32;
	[smem:$0x7FF] =	sst s3  }
0x5: {  	s5 =	sadd.s32 $0x1800, s0;
	s3 =	sand.u32 $0x1, s23;
	s4 =	sshrl.u32 s16, $0x1  }
0x6: {  	s7 =	sshll.u32 s16, $0x9;
	s11 =	sadd.s32 $0x3800, s0;
	s6 =	ssub.s32 $0x2, s3  }
0x7: {  	s8 =	smul.u32 $0xC3800, s4;
	s7 =	sand.u32 $0x200, s7;
	s10 =	sshll.u32 s4, $0x11  }
0x8: {  	s9 =	sshrl.u32 s6, $0x1;
	s25 =	sor.u32 s7, s10;
	s17 =	sor.u32 $0x80, s7  }
0x9: {  	s4 =	ssub.s32 s6, s9;
	s24 =	sor.u32 s7, s8;
	s6 =	sshrl.u32 s25, $0x3  }
0xa: {  	s12 =	sor.u32 s8, s17;
	s9 =	sor.u32 s10, s17;
	s15 =	sadd.s32 s5, s6  }
0xb: {  	s26 =	sshrl.u32 s24, $0x3;
	s13 =	sadd.s32 s6, s11;
	[dreg:$0xb] =	wrdreg s15  }
0xc: {  	s12 =	sshrl.u32 s12, $0x3;
	s14 =	sadd.s32 s1, s26;
	[dreg:$0xc] =	wrdreg s13  }
0xd: {  	s9 =	sshrl.u32 s9, $0x3;
	s18 =	sadd.s32 s1, s12;
	[dreg:$0xa] =	wrdreg s14  }
0xe: {  	s22 =	sshll.u32 s16, $0xB;
	s19 =	sadd.s32 s5, s9;
	[dreg:$0xd] =	wrdreg s18  }
0xf: {  	s20 =	sor.u32 $0x100, s7;
	s25 =	sadd.s32 s2, s26;
	[dreg:$0xe] =	wrdreg s19  }
0x10: {  	s7 =	sor.u32 $0x180, s7;
	s26 =	sadd.s32 s2, s12;
	[dreg:$0x13] =	wrdreg s25  }
0x11: {  	s21 =	sor.u32 s8, s20;
	s8 =	sor.u32 s8, s7;
	[dreg:$0x14] =	wrdreg s26  }
0x12: {  	s8 =	sshrl.u32 s8, $0x3;
	s14 =	sadd.s32 s9, s11;
	s19 =	rddreg [dreg:$0x4]  }
0x13: {  	s13 =	sor.u32 s10, s20;
	s12 =	sadd.s32 s2, s8;
	[dreg:$0xf] =	wrdreg s14  }
0x14: {  	s23 =	sshll.u32 s16, $0x4;
	s13 =	sshrl.u32 s13, $0x3;
	[dreg:$0x16] =	wrdreg s12  }
0x15: {  	s30 =	sadd.s32 $0x41800, s0;
	s24 =	sadd.s32 s5, s13;
	s12 =	rddreg [dreg:$0x7]  }
0x16: {  	s31 =	sadd.s32 $0x49800, s0;
	s14 =	sshrl.u32 s21, $0x3;
	[dreg:$0x11] =	wrdreg s24  }
0x17: {  	s15 =	sadd.s32 s1, s14;
	s1 =	sadd.s32 s1, s8;
	s8 =	rddreg [dreg:$0x5]  }
0x18: {  	p1 =	seq.s32 s16, $0xF;
	p0 =	seq.s32 s3, $0x1;
	[dreg:$0x10] =	wrdreg s15  }
0x19: {  	s7 =	sor.u32 s10, s7;
	s3 =	sadd.s32 s2, s14;
	[dreg:$0x12] =	wrdreg s1  }
0x1a: {  	s4 =	smax.u32 s4, $0x1;
	s14 =	sadd.s32 s13, s11;
	[dreg:$0x15] =	wrdreg s3  }
0x1b: {  	s10 =	sor.u32 s23, s22;
	[dreg:$0x17] =	wrdreg s14;
	s15 =	sshrl.u32 s7, $0x3  }
0x1c: {  	s7 =	sadd.s32 $0x23800, s0;
	s14 =	smul.u32 $0x1900, s16;
	s1 =	sadd.s32 $0x2EE0, s19  }
0x1d: {  	s2 =	sadd.s32 $0x2EE0, s8;
	s3 =	sadd.s32 $0x400, s12;
	s12 =	simm.s32 $0x1C700  }
0x1e: {  	s17 =	sadd.s32 s5, s15;
	s18 =	sadd.s32 s15, s11;
	s5 =	sadd.s32 $0x21800, s0  }
0x1f: {  	s21 =	sadd.s32 s6, s7;
	s23 =	sadd.s32 s9, s7;
	s11 =	rddreg [dreg:$0x6]  }
0x20: {  	s26 =	sadd.s32 s13, s7;
	s29 =	sadd.s32 s15, s7;
	[dreg:$0x18] =	wrdreg s17  }
0x21: {  	[dreg:$0x19] =	wrdreg s18;
	s20 =	sadd.s32 s5, s6;
	s22 =	sadd.s32 s5, s9  }
0x22: {  	s25 =	sadd.s32 s5, s13;
	s28 =	sadd.s32 s5, s15;
	s15 =	sshrl.u32 s14, $0x3  }
.Ltmp0:
0x23: {  	s0 =	sadd.s32 $0x400, s11;
	s17 =	sand.u32 $0x4070, s10;
	(pc) =	sbr.rel .LBB2_1-.Ltmp0, $4  }
0x24: {  	s18 =	sadd.s32 $0x1900, s14;
	s9 =	simm.s32 $0x80;
	s10 =	simm.s32 $0x400  }
0x25: {  	s11 =	simm.s32 $0x4000;
	s13 =	simm.s32 $0x0;
	_ =	strace $0x80000047  }
0x26: {  	s24 =	sadd.s32 s19, s15;
	s19 =	sadd.s32 s8, s15;
	s5 =	sadd.s32 s30, s17  }
0x27: {  	v0 =	vmov s14;
	s6 =	sadd.s32 s31, s17;
	s7 =	sor.u32 $0x2000, s17;
	s8 =	simm.s32 $0x1;
	v1 =	vmov s18  }
.LBB2_43:
0x28: {  	v57 =	vld [tilespmem:$0x1FF60]  }
0x29: {  	vm2 =	vlt.s32 v5, v1;
	v55 =	vsub.s32 v5, v0  }
0x2a: {  	vm3 =	vlt.s32 v6, v1;
	v13 =	vor.u32 v13, v17;
	v56 =	vsub.s32 v3, v0  }
0x2b: {  	vm5 =	vmand vm12, vm10;
	vm2 =	vmand vm11, vm2;
	v5 =	vand.u32 $0xFFFFFF80, v55  }
0x2c: {  	v3 =	vand.u32 $0x7F, v3;
	v5 =	vor.u32 v10, v5;
	v10 =	vand.u32 $0xFFFFFF80, v56  }
0x2d: {  	vm7 =	vmand vm14, vm7;
	v3 =	vor.u32 v3, v10;
	vm9 =	vnez.u8 v57  }
0x2e: {  	v2 =	vand.u32 $0x7F, v2;
	v58 =	vsub.s32 v6, v0;
	vm9 =	vmand vm15, vm9  }
0x2f: {  	v59 =	vld.idx.msk [tilespmem:v15+s11+$0x0], vm6;
	v2 =	vor.u32 v2, v7;
	vm3 =	vmand vm13, vm3;
	v6 =	vand.u32 $0xFFFFFF80, v58  }
0x30: {  	vm8 =	vmmov vm8;
	v6 =	vor.u32 v9, v6;
	v61 =	vld.idx.msk [tilespmem:v13+s11+$0x0], vm4  }
0x31: {  	[tilespmem:s14+$0x0] =	vst v16;
	v5 =	vld.idx.msk [tilespmem:v5+s11+$0x0], vm2  }
0x32: {  	v60 =	vnsel vm0, $0x0, v12;
	[tilespmem:s14+$0xFFFFFFE0] =	vst v11;
	v3 =	vld.idx.msk [tilespmem:v3+s11+$0x0], vm5  }
0x33: {  	v62 =	vnsel vm1, $0x0, v14;
	[tilespmem:s14+$0xFFFFFFF0] =	vst v60;
	v8 =	vld.idx.msk [tilespmem:v8+s11+$0x0], vm7  }
0x34: {  	[tilespmem:s14+$0xFFFFFFC0] =	vst v62;
	v7 =	vnsel vm6, $0x0, v59;
	v2 =	vld.idx.msk [tilespmem:v2+s11+$0x0], vm9  }
0x35: {  	[tilespmem:s15+$0x30] =	vst v7;
	v6 =	vld.idx.msk [tilespmem:v6+s11+$0x0], vm3;
	v63 =	vnsel vm4, $0x0, v61  }
0x36: {  	v4 =	vld.idx.msk [tilespmem:v4+s11+$0x0], vm8;
	[tilespmem:s15+$0x20] =	vst v63;
	v5 =	vnsel vm2, $0x0, v5  }
0x37: {  	[tilespmem:s15+$0x10] =	vst v5;
	v3 =	vnsel vm5, $0x0, v3  }
0x38: {  	[tilespmem:s15+$0xFFFFFFD0] =	vst v3;
	v3 =	vnsel vm7, $0x0, v8  }
0x39: {  	[tilespmem:s15+$0xFFFFFFF0] =	vst v3;
	v2 =	vnsel vm9, $0x0, v2  }
0x3a: {  	[tilespmem:s15+$0x0] =	vst v2;
	v2 =	vnsel vm3, $0x0, v6  }
0x3b: {  	[tilespmem:s15+$0xFFFFFFE0] =	vst v2;
	v2 =	vnsel vm8, $0x0, v4  }
0x3c: {  	s14 =	smov.u32 s31;
	[tilespmem:s15+$0xFFFFFFC0] =	vst v2  }
.LBB2_44:
0x3d: {  	s13 =	sadd.s32 $0x1, s13  }
0x3e: {  	p2 =	sne.s32 s13, s4  }
.Ltmp1:
0x3f: {  	s14 =	sadd.s32 s7, s14;
	(pc) =	sbr.rel @!p2 .LBB2_45-.Ltmp1, $4  }
0x40: {  	[hbm4b:s14+s9] =	stream.strided.scatter [tilespmem:s12], [sflag:$0x1], $0x2000, s10, s9, $0x38;
	[tilespmem:$0x1E700] =	vst v63  }
0x41: {  	_ =	swait.ge [sflag:s8], $0x2000  }
0x42: {  	[sflag:s8] =	ssyncset.done $0x0  }
0x43: {  	[sflag:s8] =	ssyncadd.s32 $0xFFFFE000  }
.LBB2_1:
.Ltmp2:
0x44: {  	(pc) =	sbr.rel @!p0 .LBB2_2-.Ltmp2, $1  }
0x45: {  	_ =	sdelay $0x3  }
0x46: {  	s14 =	simm.s32 $0x0;
	s15 =	rddreg [dreg:$0x1]  }
0x47: {  	[tilespmem:s14], [sflag:$0x1] =	stream.linear.gather [hbm4b:s15+s14], $0x4000, $0x38;
	[tilespmem:$0x1E700] =	vst v63  }
0x48: {  	_ =	swait.ge [sflag:s8], $0x4000  }
0x49: {  	[sflag:s8] =	ssyncset.done $0x0  }
0x4a: {  	s17 =	rddreg [dreg:$0x13];
	[sflag:s8] =	ssyncadd.s32 $0xFFFFC000  }
0x4b: {  	[tilespmem:s11], [sflag:$0x1] =	stream.strided.gather [hbm4b:s17+s9], $0x18700, s10, s9, $0x38;
	[tilespmem:$0x1E700] =	vst v63  }
0x4c: {  	_ =	swait.ge [sflag:s8], $0x18700  }
0x4d: {  	[sflag:s8] =	ssyncset.done $0x0  }
0x4e: {  	s18 =	simm.s32 $0x40;
	[sflag:s8] =	ssyncadd.s32 $0xFFFE7900  }
0x4f: {  	v2 =	vld [tilespmem:s18+$0x30]  }
0x50: {  	v3 =	vld [tilespmem:s18+$0xFFFFFFD0]  }
0x51: {  	v4 =	vld [tilespmem:s18+$0xFFFFFFE0]  }
0x52: {  	v5 =	vld [tilespmem:s18+$0xFFFFFFF0]  }
0x53: {  	v6 =	vld [tilespmem:s18+$0x0]  }
0x54: {  	v8 =	vld [tilespmem:s18+$0x10]  }
0x55: {  	v9 =	vld [tilespmem:s18+$0x20]  }
0x56: {  	v10 =	vld [tilespmem:s18+$0xFFFFFFC0]  }
0x57: {  	v11 =	vld.idx.msk [tilespmem:v2+s11+$0x0], $0xffff  }
0x58: {  	v12 =	vld.idx.msk [tilespmem:v3+s11+$0x0], $0xffff  }
0x59: {  	v7 =	vld.idx.msk [tilespmem:v4+s11+$0x0], $0xffff  }
0x5a: {  	v5 =	vld.idx.msk [tilespmem:v5+s11+$0x0], $0xffff  }
0x5b: {  	v2 =	vld.idx.msk [tilespmem:v6+s11+$0x0], $0xffff  }
0x5c: {  	s14 =	simm.s32 $0x1C740;
	v3 =	vld.idx.msk [tilespmem:v8+s11+$0x0], $0xffff  }
0x5d: {  	v4 =	vld.idx.msk [tilespmem:v9+s11+$0x0], $0xffff;
	[tilespmem:s14+$0x30] =	vst v11  }
0x5e: {  	s16 =	simm.s32 $0xC0;
	s15 =	simm.s32 $0x0;
	v6 =	vld.idx.msk [tilespmem:v10+s11+$0x0], $0xffff;
	[tilespmem:s14+$0xFFFFFFD0] =	vst v12  }
.LBB2_24:
0x5f: {  	v8 =	vld [tilespmem:s16+$0x30];
	s15 =	sadd.s32 $0x8, s15;
	[tilespmem:s14+$0xFFFFFFE0] =	vst v7  }
0x60: {  	v7 =	vld [tilespmem:s16+$0xFFFFFFD0];
	p2 =	slt.u32 s15, $0x1F8;
	[tilespmem:s14+$0xFFFFFFF0] =	vst v5  }
0x61: {  	v5 =	vld [tilespmem:s16+$0xFFFFFFE0];
	[tilespmem:s14+$0x0] =	vst v2  }
0x62: {  	v2 =	vld [tilespmem:s16+$0xFFFFFFF0];
	[tilespmem:s14+$0x10] =	vst v3  }
0x63: {  	v3 =	vld [tilespmem:s16+$0x0];
	[tilespmem:s14+$0x20] =	vst v4  }
0x64: {  	v4 =	vld [tilespmem:s16+$0x10];
	[tilespmem:s14+$0xFFFFFFC0] =	vst v6  }
0x65: {  	v6 =	vld [tilespmem:s16+$0x20]  }
0x66: {  	v9 =	vld [tilespmem:s16+$0xFFFFFFC0]  }
0x67: {  	v8 =	vld.idx.msk [tilespmem:v8+s11+$0x0], $0xffff  }
0x68: {  	v10 =	vld.idx.msk [tilespmem:v7+s11+$0x0], $0xffff  }
0x69: {  	v7 =	vld.idx.msk [tilespmem:v5+s11+$0x0], $0xffff  }
.Ltmp3:
0x6a: {  	v5 =	vld.idx.msk [tilespmem:v2+s11+$0x0], $0xffff;
	(pc) =	sbr.rel @p2 .LBB2_24-.Ltmp3, $4  }
0x6b: {  	v2 =	vld.idx.msk [tilespmem:v3+s11+$0x0], $0xffff  }
0x6c: {  	s14 =	sadd.s32 $0x80, s14;
	v3 =	vld.idx.msk [tilespmem:v4+s11+$0x0], $0xffff  }
0x6d: {  	v4 =	vld.idx.msk [tilespmem:v6+s11+$0x0], $0xffff;
	[tilespmem:s14+$0x30] =	vst v8  }
0x6e: {  	s16 =	sadd.s32 $0x80, s16;
	v6 =	vld.idx.msk [tilespmem:v9+s11+$0x0], $0xffff;
	[tilespmem:s14+$0xFFFFFFD0] =	vst v10  }
0x6f: {  	[tilespmem:s14+$0xFFFFFFE0] =	vst v7  }
0x70: {  	[tilespmem:s14+$0xFFFFFFF0] =	vst v5  }
0x71: {  	[tilespmem:s14+$0x0] =	vst v2  }
0x72: {  	[tilespmem:s14+$0x10] =	vst v3  }
0x73: {  	[tilespmem:s14+$0x20] =	vst v4  }
0x74: {  	[tilespmem:s14+$0xFFFFFFC0] =	vst v6  }
0x75: {  	[hbm4b:s20+s9] =	stream.strided.scatter [tilespmem:s12], [sflag:$0x1], $0x2000, s10, s9, $0x38;
	[tilespmem:$0x1E700] =	vst v63  }
0x76: {  	_ =	swait.ge [sflag:s8], $0x2000  }
0x77: {  	[sflag:s8] =	ssyncset.done $0x0  }
0x78: {  	s18 =	simm.s32 $0x2070;
	[sflag:s8] =	ssyncadd.s32 $0xFFFFE000  }
0x79: {  	v2 =	vld [tilespmem:s18+$0x0]  }
0x7a: {  	v3 =	vld [tilespmem:s18+$0xFFFFFFA0]  }
0x7b: {  	v4 =	vld [tilespmem:s18+$0xFFFFFFB0]  }
0x7c: {  	v5 =	vld [tilespmem:s18+$0xFFFFFFC0]  }
0x7d: {  	v6 =	vld [tilespmem:s18+$0xFFFFFFD0]  }
0x7e: {  	v8 =	vld [tilespmem:s18+$0xFFFFFFE0]  }
0x7f: {  	v9 =	vld [tilespmem:s18+$0xFFFFFFF0]  }
0x80: {  	v10 =	vld [tilespmem:s18+$0xFFFFFF90]  }
0x81: {  	v11 =	vld.idx.msk [tilespmem:v2+s11+$0x0], $0xffff  }
0x82: {  	v12 =	vld.idx.msk [tilespmem:v3+s11+$0x0], $0xffff  }
0x83: {  	v7 =	vld.idx.msk [tilespmem:v4+s11+$0x0], $0xffff  }
0x84: {  	v5 =	vld.idx.msk [tilespmem:v5+s11+$0x0], $0xffff  }
0x85: {  	v2 =	vld.idx.msk [tilespmem:v6+s11+$0x0], $0xffff  }
0x86: {  	s14 =	simm.s32 $0x1C740;
	v3 =	vld.idx.msk [tilespmem:v8+s11+$0x0], $0xffff  }
0x87: {  	v4 =	vld.idx.msk [tilespmem:v9+s11+$0x0], $0xffff;
	[tilespmem:s14+$0x30] =	vst v11  }
0x88: {  	s15 =	simm.s32 $0x0;
	s16 =	simm.s32 $0x20F0;
	v6 =	vld.idx.msk [tilespmem:v10+s11+$0x0], $0xffff;
	[tilespmem:s14+$0xFFFFFFD0] =	vst v12  }
.LBB2_26:
0x89: {  	v8 =	vld [tilespmem:s16+$0x0];
	s15 =	sadd.s32 $0x8, s15;
	[tilespmem:s14+$0xFFFFFFE0] =	vst v7  }
0x8a: {  	v7 =	vld [tilespmem:s16+$0xFFFFFFA0];
	p2 =	slt.u32 s15, $0x1F8;
	[tilespmem:s14+$0xFFFFFFF0] =	vst v5  }
0x8b: {  	v5 =	vld [tilespmem:s16+$0xFFFFFFB0];
	[tilespmem:s14+$0x0] =	vst v2  }
0x8c: {  	v2 =	vld [tilespmem:s16+$0xFFFFFFC0];
	[tilespmem:s14+$0x10] =	vst v3  }
0x8d: {  	v3 =	vld [tilespmem:s16+$0xFFFFFFD0];
	[tilespmem:s14+$0x20] =	vst v4  }
0x8e: {  	v4 =	vld [tilespmem:s16+$0xFFFFFFE0];
	[tilespmem:s14+$0xFFFFFFC0] =	vst v6  }
0x8f: {  	v6 =	vld [tilespmem:s16+$0xFFFFFFF0]  }
0x90: {  	v9 =	vld [tilespmem:s16+$0xFFFFFF90]  }
0x91: {  	v8 =	vld.idx.msk [tilespmem:v8+s11+$0x0], $0xffff  }
0x92: {  	v10 =	vld.idx.msk [tilespmem:v7+s11+$0x0], $0xffff  }
0x93: {  	v7 =	vld.idx.msk [tilespmem:v5+s11+$0x0], $0xffff  }
.Ltmp4:
0x94: {  	v5 =	vld.idx.msk [tilespmem:v2+s11+$0x0], $0xffff;
	(pc) =	sbr.rel @p2 .LBB2_26-.Ltmp4, $4  }
0x95: {  	v2 =	vld.idx.msk [tilespmem:v3+s11+$0x0], $0xffff  }
0x96: {  	s14 =	sadd.s32 $0x80, s14;
	v3 =	vld.idx.msk [tilespmem:v4+s11+$0x0], $0xffff  }
0x97: {  	v4 =	vld.idx.msk [tilespmem:v6+s11+$0x0], $0xffff;
	[tilespmem:s14+$0x30] =	vst v8  }
0x98: {  	s16 =	sadd.s32 $0x80, s16;
	v6 =	vld.idx.msk [tilespmem:v9+s11+$0x0], $0xffff;
	[tilespmem:s14+$0xFFFFFFD0] =	vst v10  }
0x99: {  	[tilespmem:s14+$0xFFFFFFE0] =	vst v7  }
0x9a: {  	[tilespmem:s14+$0xFFFFFFF0] =	vst v5  }
0x9b: {  	[tilespmem:s14+$0x0] =	vst v2  }
0x9c: {  	[tilespmem:s14+$0x10] =	vst v3  }
0x9d: {  	[tilespmem:s14+$0x20] =	vst v4  }
0x9e: {  	[tilespmem:s14+$0xFFFFFFC0] =	vst v6  }
0x9f: {  	[hbm4b:s21+s9] =	stream.strided.scatter [tilespmem:s12], [sflag:$0x1], $0x2000, s10, s9, $0x38;
	[tilespmem:$0x1E700] =	vst v63  }
0xa0: {  	_ =	swait.ge [sflag:s8], $0x2000  }
0xa1: {  	[sflag:s8] =	ssyncset.done $0x0  }
0xa2: {  	s17 =	rddreg [dreg:$0x14];
	[sflag:s8] =	ssyncadd.s32 $0xFFFFE000  }
0xa3: {  	[tilespmem:s11], [sflag:$0x1] =	stream.strided.gather [hbm4b:s17+s9], $0x18700, s10, s9, $0x38;
	[tilespmem:$0x1E700] =	vst v63  }
0xa4: {  	_ =	swait.ge [sflag:s8], $0x18700  }
0xa5: {  	[sflag:s8] =	ssyncset.done $0x0  }
0xa6: {  	s18 =	simm.s32 $0x40;
	[sflag:s8] =	ssyncadd.s32 $0xFFFE7900  }
0xa7: {  	v2 =	vld [tilespmem:s18+$0x30]  }
0xa8: {  	v3 =	vld [tilespmem:s18+$0xFFFFFFD0]  }
0xa9: {  	v4 =	vld [tilespmem:s18+$0xFFFFFFE0]  }
0xaa: {  	v5 =	vld [tilespmem:s18+$0xFFFFFFF0]  }
0xab: {  	v6 =	vld [tilespmem:s18+$0x0]  }
0xac: {  	v8 =	vld [tilespmem:s18+$0x10]  }
0xad: {  	v9 =	vld [tilespmem:s18+$0x20]  }
0xae: {  	v10 =	vld [tilespmem:s18+$0xFFFFFFC0]  }
0xaf: {  	v11 =	vld.idx.msk [tilespmem:v2+s11+$0x0], $0xffff  }
0xb0: {  	v12 =	vld.idx.msk [tilespmem:v3+s11+$0x0], $0xffff  }
0xb1: {  	v7 =	vld.idx.msk [tilespmem:v4+s11+$0x0], $0xffff  }
0xb2: {  	v5 =	vld.idx.msk [tilespmem:v5+s11+$0x0], $0xffff  }
0xb3: {  	v2 =	vld.idx.msk [tilespmem:v6+s11+$0x0], $0xffff  }
0xb4: {  	s14 =	simm.s32 $0x1C740;
	v3 =	vld.idx.msk [tilespmem:v8+s11+$0x0], $0xffff  }
0xb5: {  	v4 =	vld.idx.msk [tilespmem:v9+s11+$0x0], $0xffff;
	[tilespmem:s14+$0x30] =	vst v11  }
0xb6: {  	s15 =	simm.s32 $0x0;
	s16 =	simm.s32 $0xC0;
	v6 =	vld.idx.msk [tilespmem:v10+s11+$0x0], $0xffff;
	[tilespmem:s14+$0xFFFFFFD0] =	vst v12  }
.LBB2_28:
0xb7: {  	v8 =	vld [tilespmem:s16+$0x30];
	s15 =	sadd.s32 $0x8, s15;
	[tilespmem:s14+$0xFFFFFFE0] =	vst v7  }
0xb8: {  	v7 =	vld [tilespmem:s16+$0xFFFFFFD0];
	p2 =	slt.u32 s15, $0x1F8;
	[tilespmem:s14+$0xFFFFFFF0] =	vst v5  }
0xb9: {  	v5 =	vld [tilespmem:s16+$0xFFFFFFE0];
	[tilespmem:s14+$0x0] =	vst v2  }
0xba: {  	v2 =	vld [tilespmem:s16+$0xFFFFFFF0];
	[tilespmem:s14+$0x10] =	vst v3  }
0xbb: {  	v3 =	vld [tilespmem:s16+$0x0];
	[tilespmem:s14+$0x20] =	vst v4  }
0xbc: {  	v4 =	vld [tilespmem:s16+$0x10];
	[tilespmem:s14+$0xFFFFFFC0] =	vst v6  }
0xbd: {  	v6 =	vld [tilespmem:s16+$0x20]  }
0xbe: {  	v9 =	vld [tilespmem:s16+$0xFFFFFFC0]  }
0xbf: {  	v8 =	vld.idx.msk [tilespmem:v8+s11+$0x0], $0xffff  }
0xc0: {  	v10 =	vld.idx.msk [tilespmem:v7+s11+$0x0], $0xffff  }
0xc1: {  	v7 =	vld.idx.msk [tilespmem:v5+s11+$0x0], $0xffff  }
.Ltmp5:
0xc2: {  	v5 =	vld.idx.msk [tilespmem:v2+s11+$0x0], $0xffff;
	(pc) =	sbr.rel @p2 .LBB2_28-.Ltmp5, $4  }
0xc3: {  	v2 =	vld.idx.msk [tilespmem:v3+s11+$0x0], $0xffff  }
0xc4: {  	s14 =	sadd.s32 $0x80, s14;
	v3 =	vld.idx.msk [tilespmem:v4+s11+$0x0], $0xffff  }
0xc5: {  	v4 =	vld.idx.msk [tilespmem:v6+s11+$0x0], $0xffff;
	[tilespmem:s14+$0x30] =	vst v8  }
0xc6: {  	s16 =	sadd.s32 $0x80, s16;
	v6 =	vld.idx.msk [tilespmem:v9+s11+$0x0], $0xffff;
	[tilespmem:s14+$0xFFFFFFD0] =	vst v10  }
0xc7: {  	[tilespmem:s14+$0xFFFFFFE0] =	vst v7  }
0xc8: {  	[tilespmem:s14+$0xFFFFFFF0] =	vst v5  }
0xc9: {  	[tilespmem:s14+$0x0] =	vst v2  }
0xca: {  	[tilespmem:s14+$0x10] =	vst v3  }
0xcb: {  	[tilespmem:s14+$0x20] =	vst v4  }
0xcc: {  	[tilespmem:s14+$0xFFFFFFC0] =	vst v6  }
0xcd: {  	[hbm4b:s22+s9] =	stream.strided.scatter [tilespmem:s12], [sflag:$0x1], $0x2000, s10, s9, $0x38;
	[tilespmem:$0x1E700] =	vst v63  }
0xce: {  	_ =	swait.ge [sflag:s8], $0x2000  }
0xcf: {  	[sflag:s8] =	ssyncset.done $0x0  }
0xd0: {  	s18 =	simm.s32 $0x2070;
	[sflag:s8] =	ssyncadd.s32 $0xFFFFE000  }
0xd1: {  	v2 =	vld [tilespmem:s18+$0x0]  }
0xd2: {  	v3 =	vld [tilespmem:s18+$0xFFFFFFA0]  }
0xd3: {  	v4 =	vld [tilespmem:s18+$0xFFFFFFB0]  }
0xd4: {  	v5 =	vld [tilespmem:s18+$0xFFFFFFC0]  }
0xd5: {  	v6 =	vld [tilespmem:s18+$0xFFFFFFD0]  }
0xd6: {  	v8 =	vld [tilespmem:s18+$0xFFFFFFE0]  }
0xd7: {  	v9 =	vld [tilespmem:s18+$0xFFFFFFF0]  }
0xd8: {  	v10 =	vld [tilespmem:s18+$0xFFFFFF90]  }
0xd9: {  	v11 =	vld.idx.msk [tilespmem:v2+s11+$0x0], $0xffff  }
0xda: {  	v12 =	vld.idx.msk [tilespmem:v3+s11+$0x0], $0xffff  }
0xdb: {  	v7 =	vld.idx.msk [tilespmem:v4+s11+$0x0], $0xffff  }
0xdc: {  	v5 =	vld.idx.msk [tilespmem:v5+s11+$0x0], $0xffff  }
0xdd: {  	v2 =	vld.idx.msk [tilespmem:v6+s11+$0x0], $0xffff  }
0xde: {  	s14 =	simm.s32 $0x1C740;
	v3 =	vld.idx.msk [tilespmem:v8+s11+$0x0], $0xffff  }
0xdf: {  	v4 =	vld.idx.msk [tilespmem:v9+s11+$0x0], $0xffff;
	[tilespmem:s14+$0x30] =	vst v11  }
0xe0: {  	s15 =	simm.s32 $0x0;
	s16 =	simm.s32 $0x20F0;
	v6 =	vld.idx.msk [tilespmem:v10+s11+$0x0], $0xffff;
	[tilespmem:s14+$0xFFFFFFD0] =	vst v12  }
.LBB2_30:
0xe1: {  	v8 =	vld [tilespmem:s16+$0x0];
	s15 =	sadd.s32 $0x8, s15;
	[tilespmem:s14+$0xFFFFFFE0] =	vst v7  }
0xe2: {  	v7 =	vld [tilespmem:s16+$0xFFFFFFA0];
	p2 =	slt.u32 s15, $0x1F8;
	[tilespmem:s14+$0xFFFFFFF0] =	vst v5  }
0xe3: {  	v5 =	vld [tilespmem:s16+$0xFFFFFFB0];
	[tilespmem:s14+$0x0] =	vst v2  }
0xe4: {  	v2 =	vld [tilespmem:s16+$0xFFFFFFC0];
	[tilespmem:s14+$0x10] =	vst v3  }
0xe5: {  	v3 =	vld [tilespmem:s16+$0xFFFFFFD0];
	[tilespmem:s14+$0x20] =	vst v4  }
0xe6: {  	v4 =	vld [tilespmem:s16+$0xFFFFFFE0];
	[tilespmem:s14+$0xFFFFFFC0] =	vst v6  }
0xe7: {  	v6 =	vld [tilespmem:s16+$0xFFFFFFF0]  }
0xe8: {  	v9 =	vld [tilespmem:s16+$0xFFFFFF90]  }
0xe9: {  	v8 =	vld.idx.msk [tilespmem:v8+s11+$0x0], $0xffff  }
0xea: {  	v10 =	vld.idx.msk [tilespmem:v7+s11+$0x0], $0xffff  }
0xeb: {  	v7 =	vld.idx.msk [tilespmem:v5+s11+$0x0], $0xffff  }
.Ltmp6:
0xec: {  	v5 =	vld.idx.msk [tilespmem:v2+s11+$0x0], $0xffff;
	(pc) =	sbr.rel @p2 .LBB2_30-.Ltmp6, $4  }
0xed: {  	v2 =	vld.idx.msk [tilespmem:v3+s11+$0x0], $0xffff  }
0xee: {  	s14 =	sadd.s32 $0x80, s14;
	v3 =	vld.idx.msk [tilespmem:v4+s11+$0x0], $0xffff  }
0xef: {  	v4 =	vld.idx.msk [tilespmem:v6+s11+$0x0], $0xffff;
	[tilespmem:s14+$0x30] =	vst v8  }
0xf0: {  	s16 =	sadd.s32 $0x80, s16;
	v6 =	vld.idx.msk [tilespmem:v9+s11+$0x0], $0xffff;
	[tilespmem:s14+$0xFFFFFFD0] =	vst v10  }
0xf1: {  	[tilespmem:s14+$0xFFFFFFE0] =	vst v7  }
0xf2: {  	[tilespmem:s14+$0xFFFFFFF0] =	vst v5  }
0xf3: {  	[tilespmem:s14+$0x0] =	vst v2  }
0xf4: {  	[tilespmem:s14+$0x10] =	vst v3  }
0xf5: {  	[tilespmem:s14+$0x20] =	vst v4  }
0xf6: {  	[tilespmem:s14+$0xFFFFFFC0] =	vst v6  }
0xf7: {  	[hbm4b:s23+s9] =	stream.strided.scatter [tilespmem:s12], [sflag:$0x1], $0x2000, s10, s9, $0x38;
	[tilespmem:$0x1E700] =	vst v63  }
0xf8: {  	_ =	swait.ge [sflag:s8], $0x2000  }
0xf9: {  	[sflag:s8] =	ssyncset.done $0x0  }
0xfa: {  	s17 =	rddreg [dreg:$0x15];
	[sflag:s8] =	ssyncadd.s32 $0xFFFFE000  }
0xfb: {  	[tilespmem:s11], [sflag:$0x1] =	stream.strided.gather [hbm4b:s17+s9], $0x18700, s10, s9, $0x38;
	[tilespmem:$0x1E700] =	vst v63  }
0xfc: {  	_ =	swait.ge [sflag:s8], $0x18700  }
0xfd: {  	[sflag:s8] =	ssyncset.done $0x0  }
0xfe: {  	s18 =	simm.s32 $0x40;
	[sflag:s8] =	ssyncadd.s32 $0xFFFE7900  }
0xff: {  	v2 =	vld [tilespmem:s18+$0x30]  }
0x100: {  	v3 =	vld [tilespmem:s18+$0xFFFFFFD0]  }
0x101: {  	v4 =	vld [tilespmem:s18+$0xFFFFFFE0]  }
0x102: {  	v5 =	vld [tilespmem:s18+$0xFFFFFFF0]  }
0x103: {  	v6 =	vld [tilespmem:s18+$0x0]  }
0x104: {  	v8 =	vld [tilespmem:s18+$0x10]  }
0x105: {  	v9 =	vld [tilespmem:s18+$0x20]  }
0x106: {  	v10 =	vld [tilespmem:s18+$0xFFFFFFC0]  }
0x107: {  	v11 =	vld.idx.msk [tilespmem:v2+s11+$0x0], $0xffff  }
0x108: {  	v12 =	vld.idx.msk [tilespmem:v3+s11+$0x0], $0xffff  }
0x109: {  	v7 =	vld.idx.msk [tilespmem:v4+s11+$0x0], $0xffff  }
0x10a: {  	v5 =	vld.idx.msk [tilespmem:v5+s11+$0x0], $0xffff  }
0x10b: {  	v2 =	vld.idx.msk [tilespmem:v6+s11+$0x0], $0xffff  }
0x10c: {  	s14 =	simm.s32 $0x1C740;
	v3 =	vld.idx.msk [tilespmem:v8+s11+$0x0], $0xffff  }
0x10d: {  	v4 =	vld.idx.msk [tilespmem:v9+s11+$0x0], $0xffff;
	[tilespmem:s14+$0x30] =	vst v11  }
0x10e: {  	s15 =	simm.s32 $0x0;
	s16 =	simm.s32 $0xC0;
	v6 =	vld.idx.msk [tilespmem:v10+s11+$0x0], $0xffff;
	[tilespmem:s14+$0xFFFFFFD0] =	vst v12  }
.LBB2_32:
0x10f: {  	v8 =	vld [tilespmem:s16+$0x30];
	s15 =	sadd.s32 $0x8, s15;
	[tilespmem:s14+$0xFFFFFFE0] =	vst v7  }
0x110: {  	v7 =	vld [tilespmem:s16+$0xFFFFFFD0];
	p2 =	slt.u32 s15, $0x1F8;
	[tilespmem:s14+$0xFFFFFFF0] =	vst v5  }
0x111: {  	v5 =	vld [tilespmem:s16+$0xFFFFFFE0];
	[tilespmem:s14+$0x0] =	vst v2  }
0x112: {  	v2 =	vld [tilespmem:s16+$0xFFFFFFF0];
	[tilespmem:s14+$0x10] =	vst v3  }
0x113: {  	v3 =	vld [tilespmem:s16+$0x0];
	[tilespmem:s14+$0x20] =	vst v4  }
0x114: {  	v4 =	vld [tilespmem:s16+$0x10];
	[tilespmem:s14+$0xFFFFFFC0] =	vst v6  }
0x115: {  	v6 =	vld [tilespmem:s16+$0x20]  }
0x116: {  	v9 =	vld [tilespmem:s16+$0xFFFFFFC0]  }
0x117: {  	v8 =	vld.idx.msk [tilespmem:v8+s11+$0x0], $0xffff  }
0x118: {  	v10 =	vld.idx.msk [tilespmem:v7+s11+$0x0], $0xffff  }
0x119: {  	v7 =	vld.idx.msk [tilespmem:v5+s11+$0x0], $0xffff  }
.Ltmp7:
0x11a: {  	v5 =	vld.idx.msk [tilespmem:v2+s11+$0x0], $0xffff;
	(pc) =	sbr.rel @p2 .LBB2_32-.Ltmp7, $4  }
0x11b: {  	v2 =	vld.idx.msk [tilespmem:v3+s11+$0x0], $0xffff  }
0x11c: {  	s14 =	sadd.s32 $0x80, s14;
	v3 =	vld.idx.msk [tilespmem:v4+s11+$0x0], $0xffff  }
0x11d: {  	v4 =	vld.idx.msk [tilespmem:v6+s11+$0x0], $0xffff;
	[tilespmem:s14+$0x30] =	vst v8  }
0x11e: {  	s16 =	sadd.s32 $0x80, s16;
	v6 =	vld.idx.msk [tilespmem:v9+s11+$0x0], $0xffff;
	[tilespmem:s14+$0xFFFFFFD0] =	vst v10  }
0x11f: {  	[tilespmem:s14+$0xFFFFFFE0] =	vst v7  }
0x120: {  	[tilespmem:s14+$0xFFFFFFF0] =	vst v5  }
0x121: {  	[tilespmem:s14+$0x0] =	vst v2  }
0x122: {  	[tilespmem:s14+$0x10] =	vst v3  }
0x123: {  	[tilespmem:s14+$0x20] =	vst v4  }
0x124: {  	[tilespmem:s14+$0xFFFFFFC0] =	vst v6  }
0x125: {  	[hbm4b:s25+s9] =	stream.strided.scatter [tilespmem:s12], [sflag:$0x1], $0x2000, s10, s9, $0x38;
	[tilespmem:$0x1E700] =	vst v63  }
0x126: {  	_ =	swait.ge [sflag:s8], $0x2000  }
0x127: {  	[sflag:s8] =	ssyncset.done $0x0  }
0x128: {  	s18 =	simm.s32 $0x2070;
	[sflag:s8] =	ssyncadd.s32 $0xFFFFE000  }
0x129: {  	v2 =	vld [tilespmem:s18+$0x0]  }
0x12a: {  	v3 =	vld [tilespmem:s18+$0xFFFFFFA0]  }
0x12b: {  	v4 =	vld [tilespmem:s18+$0xFFFFFFB0]  }
0x12c: {  	v5 =	vld [tilespmem:s18+$0xFFFFFFC0]  }
0x12d: {  	v6 =	vld [tilespmem:s18+$0xFFFFFFD0]  }
0x12e: {  	v8 =	vld [tilespmem:s18+$0xFFFFFFE0]  }
0x12f: {  	v9 =	vld [tilespmem:s18+$0xFFFFFFF0]  }
0x130: {  	v10 =	vld [tilespmem:s18+$0xFFFFFF90]  }
0x131: {  	v11 =	vld.idx.msk [tilespmem:v2+s11+$0x0], $0xffff  }
0x132: {  	v12 =	vld.idx.msk [tilespmem:v3+s11+$0x0], $0xffff  }
0x133: {  	v7 =	vld.idx.msk [tilespmem:v4+s11+$0x0], $0xffff  }
0x134: {  	v5 =	vld.idx.msk [tilespmem:v5+s11+$0x0], $0xffff  }
0x135: {  	v2 =	vld.idx.msk [tilespmem:v6+s11+$0x0], $0xffff  }
0x136: {  	s14 =	simm.s32 $0x1C740;
	v3 =	vld.idx.msk [tilespmem:v8+s11+$0x0], $0xffff  }
0x137: {  	v4 =	vld.idx.msk [tilespmem:v9+s11+$0x0], $0xffff;
	[tilespmem:s14+$0x30] =	vst v11  }
0x138: {  	s15 =	simm.s32 $0x0;
	s16 =	simm.s32 $0x20F0;
	v6 =	vld.idx.msk [tilespmem:v10+s11+$0x0], $0xffff;
	[tilespmem:s14+$0xFFFFFFD0] =	vst v12  }
.LBB2_34:
0x139: {  	v8 =	vld [tilespmem:s16+$0x0];
	s15 =	sadd.s32 $0x8, s15;
	[tilespmem:s14+$0xFFFFFFE0] =	vst v7  }
0x13a: {  	v7 =	vld [tilespmem:s16+$0xFFFFFFA0];
	p2 =	slt.u32 s15, $0x1F8;
	[tilespmem:s14+$0xFFFFFFF0] =	vst v5  }
0x13b: {  	v5 =	vld [tilespmem:s16+$0xFFFFFFB0];
	[tilespmem:s14+$0x0] =	vst v2  }
0x13c: {  	v2 =	vld [tilespmem:s16+$0xFFFFFFC0];
	[tilespmem:s14+$0x10] =	vst v3  }
0x13d: {  	v3 =	vld [tilespmem:s16+$0xFFFFFFD0];
	[tilespmem:s14+$0x20] =	vst v4  }
0x13e: {  	v4 =	vld [tilespmem:s16+$0xFFFFFFE0];
	[tilespmem:s14+$0xFFFFFFC0] =	vst v6  }
0x13f: {  	v6 =	vld [tilespmem:s16+$0xFFFFFFF0]  }
0x140: {  	v9 =	vld [tilespmem:s16+$0xFFFFFF90]  }
0x141: {  	v8 =	vld.idx.msk [tilespmem:v8+s11+$0x0], $0xffff  }
0x142: {  	v10 =	vld.idx.msk [tilespmem:v7+s11+$0x0], $0xffff  }
0x143: {  	v7 =	vld.idx.msk [tilespmem:v5+s11+$0x0], $0xffff  }
.Ltmp8:
0x144: {  	v5 =	vld.idx.msk [tilespmem:v2+s11+$0x0], $0xffff;
	(pc) =	sbr.rel @p2 .LBB2_34-.Ltmp8, $4  }
0x145: {  	v2 =	vld.idx.msk [tilespmem:v3+s11+$0x0], $0xffff  }
0x146: {  	s14 =	sadd.s32 $0x80, s14;
	v3 =	vld.idx.msk [tilespmem:v4+s11+$0x0], $0xffff  }
0x147: {  	v4 =	vld.idx.msk [tilespmem:v6+s11+$0x0], $0xffff;
	[tilespmem:s14+$0x30] =	vst v8  }
0x148: {  	s16 =	sadd.s32 $0x80, s16;
	v6 =	vld.idx.msk [tilespmem:v9+s11+$0x0], $0xffff;
	[tilespmem:s14+$0xFFFFFFD0] =	vst v10  }
0x149: {  	[tilespmem:s14+$0xFFFFFFE0] =	vst v7  }
0x14a: {  	[tilespmem:s14+$0xFFFFFFF0] =	vst v5  }
0x14b: {  	[tilespmem:s14+$0x0] =	vst v2  }
0x14c: {  	[tilespmem:s14+$0x10] =	vst v3  }
0x14d: {  	[tilespmem:s14+$0x20] =	vst v4  }
0x14e: {  	[tilespmem:s14+$0xFFFFFFC0] =	vst v6  }
0x14f: {  	[hbm4b:s26+s9] =	stream.strided.scatter [tilespmem:s12], [sflag:$0x1], $0x2000, s10, s9, $0x38;
	[tilespmem:$0x1E700] =	vst v63  }
0x150: {  	_ =	swait.ge [sflag:s8], $0x2000  }
0x151: {  	[sflag:s8] =	ssyncset.done $0x0  }
0x152: {  	s17 =	rddreg [dreg:$0x16];
	[sflag:s8] =	ssyncadd.s32 $0xFFFFE000  }
0x153: {  	[tilespmem:s11], [sflag:$0x1] =	stream.strided.gather [hbm4b:s17+s9], $0x18700, s10, s9, $0x38;
	[tilespmem:$0x1E700] =	vst v63  }
0x154: {  	_ =	swait.ge [sflag:s8], $0x18700  }
0x155: {  	[sflag:s8] =	ssyncset.done $0x0  }
0x156: {  	s18 =	simm.s32 $0x40;
	[sflag:s8] =	ssyncadd.s32 $0xFFFE7900  }
0x157: {  	v2 =	vld [tilespmem:s18+$0x30]  }
0x158: {  	v3 =	vld [tilespmem:s18+$0xFFFFFFD0]  }
0x159: {  	v4 =	vld [tilespmem:s18+$0xFFFFFFE0]  }
0x15a: {  	v5 =	vld [tilespmem:s18+$0xFFFFFFF0]  }
0x15b: {  	v6 =	vld [tilespmem:s18+$0x0]  }
0x15c: {  	v8 =	vld [tilespmem:s18+$0x10]  }
0x15d: {  	v9 =	vld [tilespmem:s18+$0x20]  }
0x15e: {  	v10 =	vld [tilespmem:s18+$0xFFFFFFC0]  }
0x15f: {  	v11 =	vld.idx.msk [tilespmem:v2+s11+$0x0], $0xffff  }
0x160: {  	v12 =	vld.idx.msk [tilespmem:v3+s11+$0x0], $0xffff  }
0x161: {  	v7 =	vld.idx.msk [tilespmem:v4+s11+$0x0], $0xffff  }
0x162: {  	v5 =	vld.idx.msk [tilespmem:v5+s11+$0x0], $0xffff  }
0x163: {  	v2 =	vld.idx.msk [tilespmem:v6+s11+$0x0], $0xffff  }
0x164: {  	s14 =	simm.s32 $0x1C740;
	v3 =	vld.idx.msk [tilespmem:v8+s11+$0x0], $0xffff  }
0x165: {  	v4 =	vld.idx.msk [tilespmem:v9+s11+$0x0], $0xffff;
	[tilespmem:s14+$0x30] =	vst v11  }
0x166: {  	s15 =	simm.s32 $0x0;
	s16 =	simm.s32 $0xC0;
	v6 =	vld.idx.msk [tilespmem:v10+s11+$0x0], $0xffff;
	[tilespmem:s14+$0xFFFFFFD0] =	vst v12  }
.LBB2_36:
0x167: {  	v8 =	vld [tilespmem:s16+$0x30];
	s15 =	sadd.s32 $0x8, s15;
	[tilespmem:s14+$0xFFFFFFE0] =	vst v7  }
0x168: {  	v7 =	vld [tilespmem:s16+$0xFFFFFFD0];
	p2 =	slt.u32 s15, $0x1F8;
	[tilespmem:s14+$0xFFFFFFF0] =	vst v5  }
0x169: {  	v5 =	vld [tilespmem:s16+$0xFFFFFFE0];
	[tilespmem:s14+$0x0] =	vst v2  }
0x16a: {  	v2 =	vld [tilespmem:s16+$0xFFFFFFF0];
	[tilespmem:s14+$0x10] =	vst v3  }
0x16b: {  	v3 =	vld [tilespmem:s16+$0x0];
	[tilespmem:s14+$0x20] =	vst v4  }
0x16c: {  	v4 =	vld [tilespmem:s16+$0x10];
	[tilespmem:s14+$0xFFFFFFC0] =	vst v6  }
0x16d: {  	v6 =	vld [tilespmem:s16+$0x20]  }
0x16e: {  	v9 =	vld [tilespmem:s16+$0xFFFFFFC0]  }
0x16f: {  	v8 =	vld.idx.msk [tilespmem:v8+s11+$0x0], $0xffff  }
0x170: {  	v10 =	vld.idx.msk [tilespmem:v7+s11+$0x0], $0xffff  }
0x171: {  	v7 =	vld.idx.msk [tilespmem:v5+s11+$0x0], $0xffff  }
.Ltmp9:
0x172: {  	v5 =	vld.idx.msk [tilespmem:v2+s11+$0x0], $0xffff;
	(pc) =	sbr.rel @p2 .LBB2_36-.Ltmp9, $4  }
0x173: {  	v2 =	vld.idx.msk [tilespmem:v3+s11+$0x0], $0xffff  }
0x174: {  	s14 =	sadd.s32 $0x80, s14;
	v3 =	vld.idx.msk [tilespmem:v4+s11+$0x0], $0xffff  }
0x175: {  	v4 =	vld.idx.msk [tilespmem:v6+s11+$0x0], $0xffff;
	[tilespmem:s14+$0x30] =	vst v8  }
0x176: {  	s16 =	sadd.s32 $0x80, s16;
	v6 =	vld.idx.msk [tilespmem:v9+s11+$0x0], $0xffff;
	[tilespmem:s14+$0xFFFFFFD0] =	vst v10  }
0x177: {  	[tilespmem:s14+$0xFFFFFFE0] =	vst v7  }
0x178: {  	[tilespmem:s14+$0xFFFFFFF0] =	vst v5  }
0x179: {  	[tilespmem:s14+$0x0] =	vst v2  }
0x17a: {  	[tilespmem:s14+$0x10] =	vst v3  }
0x17b: {  	[tilespmem:s14+$0x20] =	vst v4  }
0x17c: {  	[tilespmem:s14+$0xFFFFFFC0] =	vst v6  }
0x17d: {  	[hbm4b:s28+s9] =	stream.strided.scatter [tilespmem:s12], [sflag:$0x1], $0x2000, s10, s9, $0x38;
	[tilespmem:$0x1E700] =	vst v63  }
0x17e: {  	_ =	swait.ge [sflag:s8], $0x2000  }
0x17f: {  	[sflag:s8] =	ssyncset.done $0x0  }
0x180: {  	s18 =	simm.s32 $0x2070;
	[sflag:s8] =	ssyncadd.s32 $0xFFFFE000  }
0x181: {  	v2 =	vld [tilespmem:s18+$0x0]  }
0x182: {  	v3 =	vld [tilespmem:s18+$0xFFFFFFA0]  }
0x183: {  	v4 =	vld [tilespmem:s18+$0xFFFFFFB0]  }
0x184: {  	v5 =	vld [tilespmem:s18+$0xFFFFFFC0]  }
0x185: {  	v6 =	vld [tilespmem:s18+$0xFFFFFFD0]  }
0x186: {  	v8 =	vld [tilespmem:s18+$0xFFFFFFE0]  }
0x187: {  	v9 =	vld [tilespmem:s18+$0xFFFFFFF0]  }
0x188: {  	v10 =	vld [tilespmem:s18+$0xFFFFFF90]  }
0x189: {  	v11 =	vld.idx.msk [tilespmem:v2+s11+$0x0], $0xffff  }
0x18a: {  	v12 =	vld.idx.msk [tilespmem:v3+s11+$0x0], $0xffff  }
0x18b: {  	v7 =	vld.idx.msk [tilespmem:v4+s11+$0x0], $0xffff  }
0x18c: {  	v5 =	vld.idx.msk [tilespmem:v5+s11+$0x0], $0xffff  }
0x18d: {  	v2 =	vld.idx.msk [tilespmem:v6+s11+$0x0], $0xffff  }
0x18e: {  	s14 =	simm.s32 $0x1C740;
	v3 =	vld.idx.msk [tilespmem:v8+s11+$0x0], $0xffff  }
0x18f: {  	v4 =	vld.idx.msk [tilespmem:v9+s11+$0x0], $0xffff;
	[tilespmem:s14+$0x30] =	vst v11  }
0x190: {  	s15 =	simm.s32 $0x0;
	s16 =	simm.s32 $0x20F0;
	v6 =	vld.idx.msk [tilespmem:v10+s11+$0x0], $0xffff;
	[tilespmem:s14+$0xFFFFFFD0] =	vst v12  }
.LBB2_38:
0x191: {  	v8 =	vld [tilespmem:s16+$0x0];
	s15 =	sadd.s32 $0x8, s15;
	[tilespmem:s14+$0xFFFFFFE0] =	vst v7  }
0x192: {  	v7 =	vld [tilespmem:s16+$0xFFFFFFA0];
	p2 =	slt.u32 s15, $0x1F8;
	[tilespmem:s14+$0xFFFFFFF0] =	vst v5  }
0x193: {  	v5 =	vld [tilespmem:s16+$0xFFFFFFB0];
	[tilespmem:s14+$0x0] =	vst v2  }
0x194: {  	v2 =	vld [tilespmem:s16+$0xFFFFFFC0];
	[tilespmem:s14+$0x10] =	vst v3  }
0x195: {  	v3 =	vld [tilespmem:s16+$0xFFFFFFD0];
	[tilespmem:s14+$0x20] =	vst v4  }
0x196: {  	v4 =	vld [tilespmem:s16+$0xFFFFFFE0];
	[tilespmem:s14+$0xFFFFFFC0] =	vst v6  }
0x197: {  	v6 =	vld [tilespmem:s16+$0xFFFFFFF0]  }
0x198: {  	v9 =	vld [tilespmem:s16+$0xFFFFFF90]  }
0x199: {  	v8 =	vld.idx.msk [tilespmem:v8+s11+$0x0], $0xffff  }
0x19a: {  	v10 =	vld.idx.msk [tilespmem:v7+s11+$0x0], $0xffff  }
0x19b: {  	v7 =	vld.idx.msk [tilespmem:v5+s11+$0x0], $0xffff  }
.Ltmp10:
0x19c: {  	v5 =	vld.idx.msk [tilespmem:v2+s11+$0x0], $0xffff;
	(pc) =	sbr.rel @p2 .LBB2_38-.Ltmp10, $4  }
0x19d: {  	v2 =	vld.idx.msk [tilespmem:v3+s11+$0x0], $0xffff  }
0x19e: {  	s14 =	sadd.s32 $0x80, s14;
	v3 =	vld.idx.msk [tilespmem:v4+s11+$0x0], $0xffff  }
0x19f: {  	v4 =	vld.idx.msk [tilespmem:v6+s11+$0x0], $0xffff;
	[tilespmem:s14+$0x30] =	vst v8  }
0x1a0: {  	s16 =	sadd.s32 $0x80, s16;
	v6 =	vld.idx.msk [tilespmem:v9+s11+$0x0], $0xffff;
	[tilespmem:s14+$0xFFFFFFD0] =	vst v10  }
0x1a1: {  	[tilespmem:s14+$0xFFFFFFE0] =	vst v7  }
0x1a2: {  	[tilespmem:s14+$0xFFFFFFF0] =	vst v5  }
0x1a3: {  	[tilespmem:s14+$0x0] =	vst v2  }
0x1a4: {  	[tilespmem:s14+$0x10] =	vst v3  }
0x1a5: {  	[tilespmem:s14+$0x20] =	vst v4  }
0x1a6: {  	[tilespmem:s14+$0xFFFFFFC0] =	vst v6  }
0x1a7: {  	[hbm4b:s29+s9] =	stream.strided.scatter [tilespmem:s12], [sflag:$0x1], $0x2000, s10, s9, $0x38;
	[tilespmem:$0x1E700] =	vst v63  }
0x1a8: {  	_ =	swait.ge [sflag:s8], $0x2000  }
0x1a9: {  	[sflag:s8] =	ssyncset.done $0x0  }
0x1aa: {  	s15 =	simm.s32 @p1 $0x4000;
	s14 =	simm.s32 @p1 $0x0;
	[sflag:s8] =	ssyncadd.s32 $0xFFFFE000  }
0x1ab: {  	[tilespmem:s15], [sflag:$0x1] =	stream.linear.gather @p1 [hbm4b:s2+s14], $0xF80, $0x38;
	[tilespmem:$0x1E700] =	vst v63  }
0x1ac: {  	s15 =	simm.s32 @p1 $0x1  }
0x1ad: {  	_ =	swait.ge @p1 [sflag:s15], $0xF80  }
0x1ae: {  	[sflag:s15] =	ssyncset.done @p1 $0x0  }
0x1af: {  	s16 =	simm.s32 @p1 $0x4F80;
	[sflag:s15] =	ssyncadd.s32 @p1 $0xFFFFF080  }
0x1b0: {  	[tilespmem:s16], [sflag:$0x1] =	stream.linear.gather @p1 [hbm4b:s3+s14], $0x80, $0x38;
	[tilespmem:$0x1E700] =	vst v63  }
0x1b1: {  	_ =	swait.ge @p1 [sflag:s15], $0x80  }
0x1b2: {  	[sflag:s15] =	ssyncset.done @p1 $0x0  }
0x1b3: {  	s14 =	simm.s32 @!p1 $0x0;
	[sflag:s15] =	ssyncadd.s32 @p1 $0xFFFFFF80;
	s15 =	simm.s32 @!p1 $0x4000  }
0x1b4: {  	[tilespmem:s15], [sflag:$0x1] =	stream.linear.gather @!p1 [hbm4b:s19+s14], $0x1900, $0x38;
	[tilespmem:$0x1E700] =	vst v63  }
0x1b5: {  	s14 =	simm.s32 @!p1 $0x1  }
0x1b6: {  	_ =	swait.ge @!p1 [sflag:s14], $0x1900  }
0x1b7: {  	[sflag:s14] =	ssyncset.done @!p1 $0x0  }
0x1b8: {  	s17 =	simm.s32 $0x40;
	[sflag:s14] =	ssyncadd.s32 @!p1 $0xFFFFE700  }
0x1b9: {  	v2 =	vld [tilespmem:s17+$0x20]  }
0x1ba: {  	v4 =	vld [tilespmem:s17+$0x0]  }
0x1bb: {  	v5 =	vld [tilespmem:s17+$0xFFFFFFF0]  }
0x1bc: {  	v3 =	vld [tilespmem:s17+$0x30]  }
0x1bd: {  	v6 =	vld [tilespmem:s17+$0xFFFFFFC0]  }
0x1be: {  	v7 =	vld [tilespmem:s17+$0x10]  }
0x1bf: {  	v9 =	vld [tilespmem:s17+$0xFFFFFFD0];
	vm1 =	vge.s32 v4, v0;
	vm2 =	vlt.s32 v4, v1  }
0x1c0: {  	v8 =	vsub.s32 v4, v0;
	v10 =	vsub.s32 v5, v0;
	vm4 =	vlt.s32 v2, v1  }
0x1c1: {  	v11 =	vld [tilespmem:s17+$0xFFFFFFE0];
	vm5 =	vlt.s32 v3, v1;
	vm0 =	vge.s32 v5, v0;
	vm3 =	vlt.s32 v5, v1  }
0x1c2: {  	v5 =	vand.u32 $0x7F, v5;
	vm8 =	vge.s32 v2, v0;
	vm7 =	vge.s32 v3, v0  }
0x1c3: {  	v12 =	vsub.s32 v3, v0;
	v3 =	vand.u32 $0x7F, v3;
	vm9 =	vlt.s32 v6, v1  }
0x1c4: {  	vm11 =	vge.s32 v7, v0;
	v13 =	vand.u32 $0x7F, v2;
	vm6 =	vge.s32 v9, v0  }
0x1c5: {  	v14 =	vand.u32 $0x7F, v7;
	vm10 =	vlt.s32 v9, v1;
	v15 =	vand.u32 $0x7F, v6  }
0x1c6: {  	v16 =	vand.u32 $0x7F, v11;
	vm12 =	vge.s32 v11, v0;
	v2 =	vsub.s32 v2, v0  }
0x1c7: {  	v4 =	vand.u32 $0x7F, v4;
	v12 =	vand.u32 $0xFFFFFF80, v12;
	vm5 =	vmand vm7, vm5  }
0x1c8: {  	v8 =	vand.u32 $0xFFFFFF80, v8;
	v10 =	vand.u32 $0xFFFFFF80, v10;
	v3 =	vor.u32 v3, v12  }
0x1c9: {  	vm7 =	vge.s32 v6, v0;
	vm4 =	vmand vm8, vm4;
	v2 =	vand.u32 $0xFFFFFF80, v2  }
0x1ca: {  	s18 =	simm.s32 $0xC0;
	vm8 =	vlt.s32 v7, v1;
	v7 =	vsub.s32 v7, v0;
	v12 =	vsub.s32 v6, v0  }
0x1cb: {  	v6 =	vand.u32 $0xFFFFFF80, v12;
	v12 =	vor.u32 v13, v2;
	v2 =	vand.u32 $0xFFFFFF80, v7;
	v13 =	vld [tilespmem:s18+$0x30]  }
0x1cc: {  	vm0 =	vmand vm0, vm3;
	v18 =	vor.u32 v15, v6;
	v6 =	vor.u32 v14, v2;
	v2 =	vld [tilespmem:s18+$0x0]  }
0x1cd: {  	vm10 =	vmand vm6, vm10;
	vm13 =	vmand vm1, vm2;
	vm7 =	vmand vm7, vm9;
	v3 =	vld.idx.msk [tilespmem:v3+s11+$0x0], vm5  }
0x1ce: {  	vm8 =	vmand vm11, vm8;
	vm9 =	vlt.s32 v11, v1;
	v4 =	vor.u32 v4, v8;
	v7 =	vld [tilespmem:s18+$0xFFFFFFF0]  }
0x1cf: {  	v8 =	vsub.s32 v11, v0;
	v14 =	vor.u32 v5, v10;
	v5 =	vsub.s32 v9, v0  }
0x1d0: {  	v8 =	vand.u32 $0xFFFFFF80, v8;
	v9 =	vand.u32 $0x7F, v9;
	v5 =	vand.u32 $0xFFFFFF80, v5  }
0x1d1: {  	v17 =	vld [tilespmem:s18+$0x20];
	vm9 =	vmand vm12, vm9;
	v8 =	vor.u32 v16, v8;
	v9 =	vor.u32 v9, v5  }
0x1d2: {  	v15 =	vld [tilespmem:s18+$0xFFFFFFC0];
	vm2 =	vlt.s32 v2, v1;
	v16 =	vnsel vm5, $0x0, v3;
	v3 =	vimm.s32 $0x0  }
0x1d3: {  	v10 =	vld.idx.msk [tilespmem:v12+s11+$0x0], vm4;
	v12 =	vsub.s32 v7, v0;
	vm3 =	vlt.s32 v13, v1;
	v3 =	vsel vm2, $0xFFFFFFFF, v3  }
0x1d4: {  	vm1 =	vmmov vm7;
	vm14 =	vge.s32 v7, v0;
	vm6 =	vge.s32 v13, v0;
	v6 =	vld.idx.msk [tilespmem:v6+s11+$0x0], vm8;
	[tilespmem:$0x1FF90] =	vst v3  }
0x1d5: {  	vm7 =	vlt.s32 v7, v1;
	v21 =	vand.u32 $0x7F, v7;
	v23 =	vsub.s32 v13, v0;
	v5 =	vld [tilespmem:s18+$0x10]  }
0x1d6: {  	v13 =	vand.u32 $0x7F, v13;
	vm15 =	vge.s32 v2, v0;
	v11 =	vsub.s32 v2, v0;
	v3 =	vld [tilespmem:s18+$0xFFFFFFD0]  }
0x1d7: {  	vm6 =	vmand vm6, vm3;
	vm3 =	vlt.s32 v15, v1;
	v22 =	vand.u32 $0xFFFFFF80, v12;
	v8 =	vld.idx.msk [tilespmem:v8+s11+$0x0], vm9  }
0x1d8: {  	v12 =	vand.u32 $0x7F, v17;
	v24 =	vand.u32 $0x7F, v15;
	v7 =	vand.u32 $0xFFFFFF80, v11;
	v9 =	vld.idx.msk [tilespmem:v9+s11+$0x0], vm10  }
0x1d9: {  	v19 =	vnsel vm4, $0x0, v10;
	vm4 =	vge.s32 v15, v0;
	v20 =	vnsel vm8, $0x0, v6;
	v6 =	vld [tilespmem:s18+$0xFFFFFFE0]  }
0x1da: {  	s14 =	simm.s32 $0x1C740;
	vm2 =	vlt.s32 v17, v1;
	vm8 =	vmand vm4, vm3;
	vm3 =	vge.s32 v17, v0;
	v4 =	vld.idx.msk [tilespmem:v4+s11+$0x0], vm13  }
0x1db: {  	v17 =	vsub.s32 v17, v0;
	vm4 =	vmand vm3, vm2;
	[tilespmem:s14+$0x30] =	vst v16;
	v16 =	vsub.s32 v15, v0  }
0x1dc: {  	v17 =	vand.u32 $0xFFFFFF80, v17;
	v11 =	vnsel vm9, $0x0, v8;
	v8 =	vand.u32 $0xFFFFFF80, v23  }
0x1dd: {  	vm11 =	vge.s32 v5, v0;
	vm12 =	vge.s32 v3, v0;
	v15 =	vor.u32 v13, v8;
	v13 =	vld.idx.msk [tilespmem:v14+s11+$0x0], vm0  }
0x1de: {  	[tilespmem:s14+$0x10] =	vst v20;
	v10 =	vand.u32 $0x7F, v5;
	v63 =	vnsel vm10, $0x0, v9;
	vm10 =	vlt.s32 v3, v1  }
0x1df: {  	s16 =	simm.s32 $0x8;
	[tilespmem:s14+$0x20] =	vst v19;
	v8 =	vand.u32 $0xFFFFFF80, v16;
	v16 =	vnsel vm13, $0x0, v4;
	vm13 =	vge.s32 v6, v0  }
0x1e0: {  	s15 =	simm.s32 $0x1C7C0;
	s17 =	simm.s32 $0x1C7C0;
	s18 =	simm.s32 $0x140;
	v9 =	vand.u32 $0x7F, v6;
	v14 =	vld.idx.msk [tilespmem:v18+s11+$0x0], vm1;
	[tilespmem:s14+$0xFFFFFFD0] =	vst v63;
	v4 =	vor.u32 v24, v8;
	v8 =	vor.u32 v21, v22  }
.LBB2_40:
0x1e1: {  	vm2 =	vlt.s32 v6, v1  }
0x1e2: {  	v12 =	vor.u32 v12, v17;
	v13 =	vnsel vm0, $0x0, v13;
	[tilespmem:s14+$0x0] =	vst v16;
	vm0 =	vlt.s32 v5, v1  }
0x1e3: {  	v5 =	vsub.s32 v5, v0;
	v16 =	vand.u32 $0x7F, v2;
	[tilespmem:s14+$0xFFFFFFE0] =	vst v11;
	v6 =	vsub.s32 v6, v0  }
0x1e4: {  	vm9 =	vmand vm13, vm2;
	[tilespmem:s14+$0xFFFFFFF0] =	vst v13;
	v13 =	vld [tilespmem:s18+$0x30];
	v5 =	vand.u32 $0xFFFFFF80, v5;
	v11 =	vor.u32 v16, v7  }
0x1e5: {  	v2 =	vld [tilespmem:s18+$0x0];
	v7 =	vor.u32 v10, v5;
	v5 =	vnsel vm1, $0x0, v14;
	v14 =	vsub.s32 v3, v0  }
0x1e6: {  	vm13 =	vmand vm11, vm0;
	v10 =	vld [tilespmem:s18+$0xFFFFFFF0];
	v3 =	vand.u32 $0x7F, v3;
	v14 =	vand.u32 $0xFFFFFF80, v14  }
0x1e7: {  	v14 =	vor.u32 v3, v14;
	v3 =	vand.u32 $0xFFFFFF80, v6;
	v6 =	vld [tilespmem:$0x1FF90]  }
0x1e8: {  	v18 =	vld [tilespmem:s18+$0x20];
	vm0 =	vmand vm14, vm7;
	vm14 =	vmand vm12, vm10  }
0x1e9: {  	v15 =	vld.idx.msk [tilespmem:v15+s11+$0x0], vm6;
	v9 =	vor.u32 v9, v3  }
0x1ea: {  	[tilespmem:s14+$0xFFFFFFC0] =	vst v5;
	v17 =	vld.idx.msk [tilespmem:v12+s11+$0x0], vm4;
	v3 =	vimm.s32 $0x0;
	vm2 =	vge.s32 v2, v0;
	v12 =	vsub.s32 v2, v0  }
0x1eb: {  	v16 =	vld [tilespmem:s18+$0xFFFFFFC0];
	v22 =	vand.u32 $0x7F, v13;
	v3 =	vsel vm2, $0xFFFFFFFF, v3;
	vm2 =	vlt.s32 v2, v1  }
0x1ec: {  	v19 =	vld.idx.msk [tilespmem:v7+s11+$0x0], vm13;
	vm3 =	vge.s32 v10, v0;
	v7 =	vand.u32 $0xFFFFFF80, v12;
	vm1 =	vnez.u8 v6  }
0x1ed: {  	v5 =	vld [tilespmem:s18+$0x10];
	v12 =	vand.u32 $0x7F, v18;
	[tilespmem:$0x1FF80] =	vst v3;
	v3 =	vimm.s32 $0x0;
	vm15 =	vmand vm15, vm1  }
0x1ee: {  	v6 =	vnsel vm6, $0x0, v15;
	v3 =	vsel vm2, $0xFFFFFFFF, v3;
	v15 =	vsub.s32 v10, v0;
	v24 =	vld.idx.msk [tilespmem:v14+s11+$0x0], vm14  }
0x1ef: {  	s14 =	smov.u32 s15;
	vm2 =	vlt.s32 v18, v1;
	vm6 =	vlt.s32 v13, v1;
	vm1 =	vmmov vm8;
	[tilespmem:$0x1FF90] =	vst v3;
	v3 =	vld [tilespmem:s18+$0xFFFFFFD0]  }
0x1f0: {  	vm5 =	vlt.s32 v16, v1;
	[tilespmem:s14+$0x30] =	vst v6;
	v6 =	vimm.s32 $0x0;
	vm8 =	vge.s32 v13, v0;
	v23 =	vld.idx.msk [tilespmem:v9+s11+$0x0], vm9  }
0x1f1: {  	v21 =	vand.u32 $0xFFFFFF80, v15;
	v15 =	vsub.s32 v13, v0;
	v13 =	vld.idx.msk [tilespmem:v8+s11+$0x0], vm0;
	v6 =	vsel vm3, $0xFFFFFFFF, v6  }
0x1f2: {  	v26 =	vand.u32 $0x7F, v16;
	v17 =	vnsel vm4, $0x0, v17;
	v8 =	vand.u32 $0xFFFFFF80, v15;
	[tilespmem:$0x1FF70] =	vst v6;
	v6 =	vld [tilespmem:s18+$0xFFFFFFE0]  }
0x1f3: {  	v15 =	vor.u32 v22, v8;
	v8 =	vnsel vm13, $0x0, v19;
	v25 =	vld.idx.msk [tilespmem:v11+s11+$0x0], vm15;
	v11 =	vsub.s32 v16, v0  }
0x1f4: {  	vm4 =	vge.s32 v16, v0;
	vm3 =	vge.s32 v18, v0;
	[tilespmem:s14+$0x10] =	vst v8;
	v8 =	vld [tilespmem:$0x1FF70];
	v16 =	vand.u32 $0xFFFFFF80, v11  }
0x1f5: {  	s16 =	sadd.s32 $0x8, s16;
	v14 =	vld.idx.msk [tilespmem:v4+s11+$0x0], vm1;
	v4 =	vor.u32 v26, v16;
	v16 =	vsub.s32 v18, v0;
	v18 =	vnsel vm14, $0x0, v24  }
0x1f6: {  	p2 =	slt.u32 s16, $0x1F8;
	vm7 =	vlt.s32 v10, v1;
	v20 =	vand.u32 $0x7F, v10;
	[tilespmem:s14+$0xFFFFFFD0] =	vst v18;
	v18 =	vld [tilespmem:$0x1FF80]  }
.Ltmp11:
0x1f7: {  	vm11 =	vge.s32 v5, v0;
	v10 =	vand.u32 $0x7F, v5;
	vm6 =	vmand vm8, vm6;
	(pc) =	sbr.rel @p2 .LBB2_40-.Ltmp11, $4  }
0x1f8: {  	vm8 =	vmand vm4, vm5;
	vm4 =	vmand vm3, vm2;
	vm12 =	vge.s32 v3, v0  }
0x1f9: {  	vm10 =	vlt.s32 v3, v1;
	v9 =	vand.u32 $0x7F, v6;
	vm13 =	vge.s32 v6, v0  }
0x1fa: {  	s17 =	sadd.s32 $0x80, s17;
	v11 =	vnsel vm9, $0x0, v23;
	vm14 =	vnez.u8 v8;
	v8 =	vor.u32 v20, v21  }
0x1fb: {  	s15 =	smov.u32 s17;
	[tilespmem:s14+$0x20] =	vst v17;
	s18 =	sadd.s32 $0x80, s18;
	v17 =	vand.u32 $0xFFFFFF80, v16;
	v16 =	vnsel vm15, $0x0, v25;
	vm15 =	vnez.u8 v18  }
0x1fc: {  	vm2 =	vlt.s32 v5, v1;
	v5 =	vsub.s32 v5, v0  }
0x1fd: {  	v5 =	vand.u32 $0xFFFFFF80, v5  }
0x1fe: {  	v5 =	vor.u32 v10, v5;
	v10 =	vsub.s32 v3, v0  }
0x1ff: {  	v3 =	vand.u32 $0x7F, v3;
	v10 =	vand.u32 $0xFFFFFF80, v10  }
0x200: {  	v3 =	vor.u32 v3, v10;
	v10 =	vld [tilespmem:$0x1FF90];
	_ =	sdelay $0x1  }
0x201: {  	vm3 =	vmand vm11, vm2;
	_ =	sdelay $0x1  }
0x202: {  	v12 =	vor.u32 v12, v17;
	vm2 =	vmand vm12, vm10  }
0x203: {  	vm5 =	vlt.s32 v6, v1;
	vm7 =	vmand vm14, vm7;
	vm9 =	vnez.u8 v10  }
0x204: {  	v2 =	vand.u32 $0x7F, v2;
	v6 =	vsub.s32 v6, v0;
	vm9 =	vmand vm15, vm9  }
0x205: {  	v2 =	vor.u32 v2, v7;
	vm5 =	vmand vm13, vm5;
	v7 =	vld.idx.msk [tilespmem:v15+s11+$0x0], vm6;
	v6 =	vand.u32 $0xFFFFFF80, v6  }
0x206: {  	vm8 =	vmmov vm8;
	v6 =	vor.u32 v9, v6;
	v5 =	vld.idx.msk [tilespmem:v5+s11+$0x0], vm3  }
0x207: {  	v9 =	vnsel vm0, $0x0, v13;
	[tilespmem:s14+$0x0] =	vst v16;
	v10 =	vld.idx.msk [tilespmem:v12+s11+$0x0], vm4  }
0x208: {  	[tilespmem:s14+$0xFFFFFFF0] =	vst v9;
	v3 =	vld.idx.msk [tilespmem:v3+s11+$0x0], vm2  }
0x209: {  	[tilespmem:s14+$0xFFFFFFE0] =	vst v11;
	v9 =	vnsel vm1, $0x0, v14;
	v8 =	vld.idx.msk [tilespmem:v8+s11+$0x0], vm7  }
0x20a: {  	[tilespmem:s14+$0xFFFFFFC0] =	vst v9;
	v7 =	vnsel vm6, $0x0, v7;
	v2 =	vld.idx.msk [tilespmem:v2+s11+$0x0], vm9  }
0x20b: {  	[tilespmem:s15+$0x30] =	vst v7;
	v6 =	vld.idx.msk [tilespmem:v6+s11+$0x0], vm5;
	v5 =	vnsel vm3, $0x0, v5  }
0x20c: {  	v4 =	vld.idx.msk [tilespmem:v4+s11+$0x0], vm8;
	[tilespmem:s15+$0x10] =	vst v5;
	v7 =	vnsel vm4, $0x0, v10  }
0x20d: {  	v3 =	vnsel vm2, $0x0, v3;
	[tilespmem:s15+$0x20] =	vst v7  }
0x20e: {  	[tilespmem:s15+$0xFFFFFFD0] =	vst v3;
	v3 =	vnsel vm7, $0x0, v8  }
0x20f: {  	[tilespmem:s15+$0xFFFFFFF0] =	vst v3;
	v2 =	vnsel vm9, $0x0, v2  }
0x210: {  	[tilespmem:s15+$0x0] =	vst v2;
	v2 =	vnsel vm5, $0x0, v6  }
0x211: {  	[tilespmem:s15+$0xFFFFFFE0] =	vst v2;
	v2 =	vnsel vm8, $0x0, v4  }
0x212: {  	[tilespmem:s15+$0xFFFFFFC0] =	vst v2  }
0x213: {  	[hbm4b:s6+s9] =	stream.strided.scatter [tilespmem:s12], [sflag:$0x1], $0x2000, s10, s9, $0x38;
	[tilespmem:$0x1E700] =	vst v63  }
0x214: {  	_ =	swait.ge [sflag:s8], $0x2000  }
0x215: {  	[sflag:s8] =	ssyncset.done $0x0  }
0x216: {  	s17 =	simm.s32 $0x2070;
	[sflag:s8] =	ssyncadd.s32 $0xFFFFE000  }
0x217: {  	v2 =	vld [tilespmem:s17+$0xFFFFFFF0]  }
0x218: {  	v4 =	vld [tilespmem:s17+$0xFFFFFFD0]  }
0x219: {  	v5 =	vld [tilespmem:s17+$0xFFFFFFC0]  }
0x21a: {  	v3 =	vld [tilespmem:s17+$0x0]  }
0x21b: {  	v6 =	vld [tilespmem:s17+$0xFFFFFF90]  }
0x21c: {  	v7 =	vld [tilespmem:s17+$0xFFFFFFE0]  }
0x21d: {  	v9 =	vld [tilespmem:s17+$0xFFFFFFA0];
	vm1 =	vge.s32 v4, v0;
	vm2 =	vlt.s32 v4, v1  }
0x21e: {  	v8 =	vsub.s32 v4, v0;
	v10 =	vsub.s32 v5, v0;
	vm4 =	vlt.s32 v2, v1  }
0x21f: {  	v11 =	vld [tilespmem:s17+$0xFFFFFFB0];
	vm5 =	vlt.s32 v3, v1;
	vm0 =	vge.s32 v5, v0;
	vm3 =	vlt.s32 v5, v1  }
0x220: {  	v5 =	vand.u32 $0x7F, v5;
	vm8 =	vge.s32 v2, v0;
	vm7 =	vge.s32 v3, v0  }
0x221: {  	v12 =	vsub.s32 v3, v0;
	v3 =	vand.u32 $0x7F, v3;
	vm9 =	vlt.s32 v6, v1  }
0x222: {  	vm11 =	vge.s32 v7, v0;
	v13 =	vand.u32 $0x7F, v2;
	vm6 =	vge.s32 v9, v0  }
0x223: {  	v14 =	vand.u32 $0x7F, v7;
	vm10 =	vlt.s32 v9, v1;
	v15 =	vand.u32 $0x7F, v6  }
0x224: {  	v16 =	vand.u32 $0x7F, v11;
	vm12 =	vge.s32 v11, v0;
	v2 =	vsub.s32 v2, v0  }
0x225: {  	v4 =	vand.u32 $0x7F, v4;
	v12 =	vand.u32 $0xFFFFFF80, v12;
	vm5 =	vmand vm7, vm5  }
0x226: {  	v8 =	vand.u32 $0xFFFFFF80, v8;
	v10 =	vand.u32 $0xFFFFFF80, v10;
	v3 =	vor.u32 v3, v12  }
0x227: {  	vm7 =	vge.s32 v6, v0;
	vm4 =	vmand vm8, vm4;
	v2 =	vand.u32 $0xFFFFFF80, v2  }
0x228: {  	s18 =	simm.s32 $0x20F0;
	vm8 =	vlt.s32 v7, v1;
	v7 =	vsub.s32 v7, v0;
	v12 =	vsub.s32 v6, v0  }
0x229: {  	v6 =	vand.u32 $0xFFFFFF80, v12;
	v12 =	vor.u32 v13, v2;
	v2 =	vand.u32 $0xFFFFFF80, v7;
	v13 =	vld [tilespmem:s18+$0x0]  }
0x22a: {  	vm0 =	vmand vm0, vm3;
	v18 =	vor.u32 v15, v6;
	v6 =	vor.u32 v14, v2;
	v2 =	vld [tilespmem:s18+$0xFFFFFFD0]  }
0x22b: {  	vm10 =	vmand vm6, vm10;
	vm13 =	vmand vm1, vm2;
	vm7 =	vmand vm7, vm9;
	v3 =	vld.idx.msk [tilespmem:v3+s11+$0x0], vm5  }
0x22c: {  	vm8 =	vmand vm11, vm8;
	vm9 =	vlt.s32 v11, v1;
	v4 =	vor.u32 v4, v8;
	v7 =	vld [tilespmem:s18+$0xFFFFFFC0]  }
0x22d: {  	v8 =	vsub.s32 v11, v0;
	v14 =	vor.u32 v5, v10;
	v5 =	vsub.s32 v9, v0  }
0x22e: {  	v8 =	vand.u32 $0xFFFFFF80, v8;
	v9 =	vand.u32 $0x7F, v9;
	v5 =	vand.u32 $0xFFFFFF80, v5  }
0x22f: {  	vm9 =	vmand vm12, vm9;
	v15 =	vld [tilespmem:s18+$0xFFFFFF90];
	v8 =	vor.u32 v16, v8;
	v9 =	vor.u32 v9, v5  }
0x230: {  	v10 =	vld.idx.msk [tilespmem:v12+s11+$0x0], vm4;
	vm2 =	vlt.s32 v2, v1;
	v12 =	vnsel vm5, $0x0, v3;
	v3 =	vimm.s32 $0x0  }
0x231: {  	v17 =	vld [tilespmem:s18+$0xFFFFFFF0];
	v16 =	vsub.s32 v7, v0;
	vm3 =	vlt.s32 v13, v1;
	v3 =	vsel vm2, $0xFFFFFFFF, v3  }
0x232: {  	vm1 =	vmmov vm7;
	vm14 =	vge.s32 v7, v0;
	vm6 =	vge.s32 v13, v0;
	v6 =	vld.idx.msk [tilespmem:v6+s11+$0x0], vm8;
	[tilespmem:$0x1FF60] =	vst v3  }
0x233: {  	vm7 =	vlt.s32 v7, v1;
	v21 =	vand.u32 $0x7F, v7;
	v23 =	vand.u32 $0x7F, v13;
	v5 =	vld [tilespmem:s18+$0xFFFFFFE0]  }
0x234: {  	vm15 =	vge.s32 v2, v0;
	v11 =	vsub.s32 v2, v0;
	vm6 =	vmand vm6, vm3;
	v3 =	vld [tilespmem:s18+$0xFFFFFFA0]  }
0x235: {  	vm3 =	vlt.s32 v15, v1;
	v22 =	vand.u32 $0xFFFFFF80, v16;
	v16 =	vsub.s32 v13, v0;
	v8 =	vld.idx.msk [tilespmem:v8+s11+$0x0], vm9  }
0x236: {  	v13 =	vand.u32 $0x7F, v17;
	v25 =	vand.u32 $0x7F, v15;
	v7 =	vand.u32 $0xFFFFFF80, v11;
	v9 =	vld.idx.msk [tilespmem:v9+s11+$0x0], vm10  }
0x237: {  	v19 =	vnsel vm4, $0x0, v10;
	vm4 =	vge.s32 v15, v0;
	v20 =	vnsel vm8, $0x0, v6;
	v6 =	vld [tilespmem:s18+$0xFFFFFFB0]  }
0x238: {  	s14 =	simm.s32 $0x1C740;
	vm2 =	vlt.s32 v17, v1;
	vm8 =	vmand vm4, vm3;
	vm3 =	vge.s32 v17, v0;
	v4 =	vld.idx.msk [tilespmem:v4+s11+$0x0], vm13  }
0x239: {  	v17 =	vsub.s32 v17, v0;
	vm4 =	vmand vm3, vm2;
	[tilespmem:s14+$0x30] =	vst v12;
	v12 =	vsub.s32 v15, v0  }
0x23a: {  	v17 =	vand.u32 $0xFFFFFF80, v17;
	v11 =	vnsel vm9, $0x0, v8;
	v8 =	vand.u32 $0xFFFFFF80, v16  }
0x23b: {  	vm11 =	vge.s32 v5, v0;
	v15 =	vor.u32 v23, v8;
	v8 =	vand.u32 $0xFFFFFF80, v12;
	v12 =	vld.idx.msk [tilespmem:v14+s11+$0x0], vm0  }
0x23c: {  	[tilespmem:s14+$0x10] =	vst v20;
	vm12 =	vge.s32 v3, v0;
	v10 =	vand.u32 $0x7F, v5;
	v24 =	vnsel vm10, $0x0, v9  }
0x23d: {  	s16 =	simm.s32 $0x8;
	[tilespmem:s14+$0x20] =	vst v19;
	vm10 =	vlt.s32 v3, v1;
	v16 =	vnsel vm13, $0x0, v4;
	vm13 =	vge.s32 v6, v0  }
0x23e: {  	s15 =	simm.s32 $0x1C7C0;
	s17 =	simm.s32 $0x1C7C0;
	s18 =	simm.s32 $0x2170;
	v9 =	vand.u32 $0x7F, v6;
	v14 =	vld.idx.msk [tilespmem:v18+s11+$0x0], vm1;
	[tilespmem:s14+$0xFFFFFFD0] =	vst v24;
	v4 =	vor.u32 v25, v8;
	v8 =	vor.u32 v21, v22  }
.LBB2_42:
0x23f: {  	vm2 =	vlt.s32 v6, v1  }
0x240: {  	v13 =	vor.u32 v13, v17;
	v12 =	vnsel vm0, $0x0, v12;
	[tilespmem:s14+$0x0] =	vst v16;
	vm0 =	vlt.s32 v5, v1  }
0x241: {  	v5 =	vsub.s32 v5, v0;
	v16 =	vand.u32 $0x7F, v2;
	[tilespmem:s14+$0xFFFFFFE0] =	vst v11;
	v6 =	vsub.s32 v6, v0  }
0x242: {  	vm9 =	vmand vm13, vm2;
	[tilespmem:s14+$0xFFFFFFF0] =	vst v12;
	v12 =	vld [tilespmem:s18+$0x0];
	v5 =	vand.u32 $0xFFFFFF80, v5;
	v11 =	vor.u32 v16, v7  }
0x243: {  	v2 =	vld [tilespmem:s18+$0xFFFFFFD0];
	v7 =	vor.u32 v10, v5;
	v5 =	vnsel vm1, $0x0, v14;
	v14 =	vsub.s32 v3, v0  }
0x244: {  	vm13 =	vmand vm11, vm0;
	v10 =	vld [tilespmem:s18+$0xFFFFFFC0];
	v3 =	vand.u32 $0x7F, v3;
	v14 =	vand.u32 $0xFFFFFF80, v14  }
0x245: {  	v14 =	vor.u32 v3, v14;
	v3 =	vand.u32 $0xFFFFFF80, v6;
	v6 =	vld [tilespmem:$0x1FF60]  }
0x246: {  	v18 =	vld [tilespmem:s18+$0xFFFFFFF0];
	vm0 =	vmand vm14, vm7;
	vm14 =	vmand vm12, vm10  }
0x247: {  	v15 =	vld.idx.msk [tilespmem:v15+s11+$0x0], vm6;
	v9 =	vor.u32 v9, v3  }
0x248: {  	[tilespmem:s14+$0xFFFFFFC0] =	vst v5;
	v17 =	vld.idx.msk [tilespmem:v13+s11+$0x0], vm4;
	v3 =	vimm.s32 $0x0;
	vm2 =	vge.s32 v2, v0;
	v13 =	vsub.s32 v2, v0  }
0x249: {  	v16 =	vld [tilespmem:s18+$0xFFFFFF90];
	v22 =	vand.u32 $0x7F, v12;
	v3 =	vsel vm2, $0xFFFFFFFF, v3;
	vm2 =	vlt.s32 v2, v1  }
0x24a: {  	v19 =	vld.idx.msk [tilespmem:v7+s11+$0x0], vm13;
	vm3 =	vge.s32 v10, v0;
	v7 =	vand.u32 $0xFFFFFF80, v13;
	vm1 =	vnez.u8 v6  }
0x24b: {  	v5 =	vld [tilespmem:s18+$0xFFFFFFE0];
	v13 =	vand.u32 $0x7F, v18;
	[tilespmem:$0x1FF50] =	vst v3;
	v3 =	vimm.s32 $0x0;
	vm15 =	vmand vm15, vm1  }
0x24c: {  	v6 =	vnsel vm6, $0x0, v15;
	v3 =	vsel vm2, $0xFFFFFFFF, v3;
	v15 =	vsub.s32 v10, v0;
	v24 =	vld.idx.msk [tilespmem:v14+s11+$0x0], vm14  }
0x24d: {  	s14 =	smov.u32 s15;
	vm2 =	vlt.s32 v18, v1;
	vm6 =	vlt.s32 v12, v1;
	vm1 =	vmmov vm8;
	[tilespmem:$0x1FF60] =	vst v3;
	v3 =	vld [tilespmem:s18+$0xFFFFFFA0]  }
0x24e: {  	vm5 =	vlt.s32 v16, v1;
	[tilespmem:s14+$0x30] =	vst v6;
	v6 =	vimm.s32 $0x0;
	vm8 =	vge.s32 v12, v0;
	v23 =	vld.idx.msk [tilespmem:v9+s11+$0x0], vm9  }
0x24f: {  	v21 =	vand.u32 $0xFFFFFF80, v15;
	v15 =	vsub.s32 v12, v0;
	v12 =	vld.idx.msk [tilespmem:v8+s11+$0x0], vm0;
	v6 =	vsel vm3, $0xFFFFFFFF, v6  }
0x250: {  	v26 =	vand.u32 $0x7F, v16;
	v17 =	vnsel vm4, $0x0, v17;
	v8 =	vand.u32 $0xFFFFFF80, v15;
	[tilespmem:$0x1FF40] =	vst v6;
	v6 =	vld [tilespmem:s18+$0xFFFFFFB0]  }
0x251: {  	v15 =	vor.u32 v22, v8;
	v8 =	vnsel vm13, $0x0, v19;
	v25 =	vld.idx.msk [tilespmem:v11+s11+$0x0], vm15;
	v11 =	vsub.s32 v16, v0  }
0x252: {  	vm4 =	vge.s32 v16, v0;
	vm3 =	vge.s32 v18, v0;
	[tilespmem:s14+$0x10] =	vst v8;
	v8 =	vld [tilespmem:$0x1FF40];
	v16 =	vand.u32 $0xFFFFFF80, v11  }
0x253: {  	s16 =	sadd.s32 $0x8, s16;
	v14 =	vld.idx.msk [tilespmem:v4+s11+$0x0], vm1;
	v4 =	vor.u32 v26, v16;
	v16 =	vsub.s32 v18, v0;
	v18 =	vnsel vm14, $0x0, v24  }
0x254: {  	p2 =	slt.u32 s16, $0x1F8;
	vm7 =	vlt.s32 v10, v1;
	v20 =	vand.u32 $0x7F, v10;
	[tilespmem:s14+$0xFFFFFFD0] =	vst v18;
	v18 =	vld [tilespmem:$0x1FF50]  }
.Ltmp12:
0x255: {  	vm11 =	vge.s32 v5, v0;
	v10 =	vand.u32 $0x7F, v5;
	vm6 =	vmand vm8, vm6;
	(pc) =	sbr.rel @p2 .LBB2_42-.Ltmp12, $4  }
0x256: {  	vm8 =	vmand vm4, vm5;
	vm4 =	vmand vm3, vm2;
	vm12 =	vge.s32 v3, v0  }
0x257: {  	vm10 =	vlt.s32 v3, v1;
	v9 =	vand.u32 $0x7F, v6;
	vm13 =	vge.s32 v6, v0  }
0x258: {  	s17 =	sadd.s32 $0x80, s17;
	v11 =	vnsel vm9, $0x0, v23;
	vm14 =	vnez.u8 v8;
	v8 =	vor.u32 v20, v21  }
0x259: {  	s15 =	smov.u32 s17;
	[tilespmem:s14+$0x20] =	vst v17;
	s18 =	sadd.s32 $0x80, s18;
	v17 =	vand.u32 $0xFFFFFF80, v16;
	v16 =	vnsel vm15, $0x0, v25;
	vm15 =	vnez.u8 v18  }
.Ltmp13:
0x25a: {  	_ = 	snop;
	(pc) =	sbr.rel .LBB2_43-.Ltmp13, $1  }
0x25b: {  	_ =	sdelay $0x3  }
.LBB2_2:
0x25c: {  	s14 =	rddreg [dreg:$0x0];
	s15 =	simm.s32 $0x0  }
0x25d: {  	[tilespmem:s15], [sflag:$0x1] =	stream.linear.gather [hbm4b:s14+s15], $0x4000, $0x38;
	[tilespmem:$0x1E700] =	vst v63  }
0x25e: {  	_ =	swait.ge [sflag:s8], $0x4000  }
0x25f: {  	[sflag:s8] =	ssyncset.done $0x0  }
0x260: {  	s17 =	rddreg [dreg:$0xa];
	[sflag:s8] =	ssyncadd.s32 $0xFFFFC000  }
0x261: {  	[tilespmem:s11], [sflag:$0x1] =	stream.strided.gather [hbm4b:s17+s9], $0x18700, s10, s9, $0x38;
	[tilespmem:$0x1E700] =	vst v63  }
0x262: {  	_ =	swait.ge [sflag:s8], $0x18700  }
0x263: {  	[sflag:s8] =	ssyncset.done $0x0  }
0x264: {  	s18 =	simm.s32 $0x40;
	[sflag:s8] =	ssyncadd.s32 $0xFFFE7900  }
0x265: {  	v2 =	vld [tilespmem:s18+$0x30]  }
0x266: {  	v3 =	vld [tilespmem:s18+$0xFFFFFFD0]  }
0x267: {  	v4 =	vld [tilespmem:s18+$0xFFFFFFE0]  }
0x268: {  	v5 =	vld [tilespmem:s18+$0xFFFFFFF0]  }
0x269: {  	v6 =	vld [tilespmem:s18+$0x0]  }
0x26a: {  	v8 =	vld [tilespmem:s18+$0x10]  }
0x26b: {  	v9 =	vld [tilespmem:s18+$0x20]  }
0x26c: {  	v10 =	vld [tilespmem:s18+$0xFFFFFFC0]  }
0x26d: {  	v11 =	vld.idx.msk [tilespmem:v2+s11+$0x0], $0xffff  }
0x26e: {  	v12 =	vld.idx.msk [tilespmem:v3+s11+$0x0], $0xffff  }
0x26f: {  	v7 =	vld.idx.msk [tilespmem:v4+s11+$0x0], $0xffff  }
0x270: {  	v5 =	vld.idx.msk [tilespmem:v5+s11+$0x0], $0xffff  }
0x271: {  	v2 =	vld.idx.msk [tilespmem:v6+s11+$0x0], $0xffff  }
0x272: {  	s14 =	simm.s32 $0x1C740;
	v3 =	vld.idx.msk [tilespmem:v8+s11+$0x0], $0xffff  }
0x273: {  	v4 =	vld.idx.msk [tilespmem:v9+s11+$0x0], $0xffff;
	[tilespmem:s14+$0x30] =	vst v11  }
0x274: {  	s16 =	simm.s32 $0xC0;
	s15 =	simm.s32 $0x0;
	v6 =	vld.idx.msk [tilespmem:v10+s11+$0x0], $0xffff;
	[tilespmem:s14+$0xFFFFFFD0] =	vst v12  }
.LBB2_3:
0x275: {  	v8 =	vld [tilespmem:s16+$0x30];
	s15 =	sadd.s32 $0x8, s15;
	[tilespmem:s14+$0xFFFFFFE0] =	vst v7  }
0x276: {  	v7 =	vld [tilespmem:s16+$0xFFFFFFD0];
	p2 =	slt.u32 s15, $0x1F8;
	[tilespmem:s14+$0xFFFFFFF0] =	vst v5  }
0x277: {  	v5 =	vld [tilespmem:s16+$0xFFFFFFE0];
	[tilespmem:s14+$0x0] =	vst v2  }
0x278: {  	v2 =	vld [tilespmem:s16+$0xFFFFFFF0];
	[tilespmem:s14+$0x10] =	vst v3  }
0x279: {  	v3 =	vld [tilespmem:s16+$0x0];
	[tilespmem:s14+$0x20] =	vst v4  }
0x27a: {  	v4 =	vld [tilespmem:s16+$0x10];
	[tilespmem:s14+$0xFFFFFFC0] =	vst v6  }
0x27b: {  	v6 =	vld [tilespmem:s16+$0x20]  }
0x27c: {  	v9 =	vld [tilespmem:s16+$0xFFFFFFC0]  }
0x27d: {  	v8 =	vld.idx.msk [tilespmem:v8+s11+$0x0], $0xffff  }
0x27e: {  	v10 =	vld.idx.msk [tilespmem:v7+s11+$0x0], $0xffff  }
0x27f: {  	v7 =	vld.idx.msk [tilespmem:v5+s11+$0x0], $0xffff  }
.Ltmp14:
0x280: {  	v5 =	vld.idx.msk [tilespmem:v2+s11+$0x0], $0xffff;
	(pc) =	sbr.rel @p2 .LBB2_3-.Ltmp14, $4  }
0x281: {  	v2 =	vld.idx.msk [tilespmem:v3+s11+$0x0], $0xffff  }
0x282: {  	s14 =	sadd.s32 $0x80, s14;
	v3 =	vld.idx.msk [tilespmem:v4+s11+$0x0], $0xffff  }
0x283: {  	v4 =	vld.idx.msk [tilespmem:v6+s11+$0x0], $0xffff;
	[tilespmem:s14+$0x30] =	vst v8  }
0x284: {  	s16 =	sadd.s32 $0x80, s16;
	v6 =	vld.idx.msk [tilespmem:v9+s11+$0x0], $0xffff;
	[tilespmem:s14+$0xFFFFFFD0] =	vst v10  }
0x285: {  	[tilespmem:s14+$0xFFFFFFE0] =	vst v7  }
0x286: {  	[tilespmem:s14+$0xFFFFFFF0] =	vst v5  }
0x287: {  	[tilespmem:s14+$0x0] =	vst v2  }
0x288: {  	[tilespmem:s14+$0x10] =	vst v3  }
0x289: {  	[tilespmem:s14+$0x20] =	vst v4  }
0x28a: {  	[tilespmem:s14+$0xFFFFFFC0] =	vst v6  }
0x28b: {  	s14 =	rddreg [dreg:$0xb]  }
0x28c: {  	[hbm4b:s14+s9] =	stream.strided.scatter [tilespmem:s12], [sflag:$0x1], $0x2000, s10, s9, $0x38;
	[tilespmem:$0x1E700] =	vst v63  }
0x28d: {  	_ =	swait.ge [sflag:s8], $0x2000  }
0x28e: {  	[sflag:s8] =	ssyncset.done $0x0  }
0x28f: {  	s18 =	simm.s32 $0x2070;
	[sflag:s8] =	ssyncadd.s32 $0xFFFFE000  }
0x290: {  	v2 =	vld [tilespmem:s18+$0x0]  }
0x291: {  	v3 =	vld [tilespmem:s18+$0xFFFFFFA0]  }
0x292: {  	v4 =	vld [tilespmem:s18+$0xFFFFFFB0]  }
0x293: {  	v5 =	vld [tilespmem:s18+$0xFFFFFFC0]  }
0x294: {  	v6 =	vld [tilespmem:s18+$0xFFFFFFD0]  }
0x295: {  	v8 =	vld [tilespmem:s18+$0xFFFFFFE0]  }
0x296: {  	v9 =	vld [tilespmem:s18+$0xFFFFFFF0]  }
0x297: {  	v10 =	vld [tilespmem:s18+$0xFFFFFF90]  }
0x298: {  	v11 =	vld.idx.msk [tilespmem:v2+s11+$0x0], $0xffff  }
0x299: {  	v12 =	vld.idx.msk [tilespmem:v3+s11+$0x0], $0xffff  }
0x29a: {  	v7 =	vld.idx.msk [tilespmem:v4+s11+$0x0], $0xffff  }
0x29b: {  	v5 =	vld.idx.msk [tilespmem:v5+s11+$0x0], $0xffff  }
0x29c: {  	v2 =	vld.idx.msk [tilespmem:v6+s11+$0x0], $0xffff  }
0x29d: {  	s14 =	simm.s32 $0x1C740;
	v3 =	vld.idx.msk [tilespmem:v8+s11+$0x0], $0xffff  }
0x29e: {  	v4 =	vld.idx.msk [tilespmem:v9+s11+$0x0], $0xffff;
	[tilespmem:s14+$0x30] =	vst v11  }
0x29f: {  	s15 =	simm.s32 $0x0;
	s16 =	simm.s32 $0x20F0;
	v6 =	vld.idx.msk [tilespmem:v10+s11+$0x0], $0xffff;
	[tilespmem:s14+$0xFFFFFFD0] =	vst v12  }
.LBB2_5:
0x2a0: {  	v8 =	vld [tilespmem:s16+$0x0];
	s15 =	sadd.s32 $0x8, s15;
	[tilespmem:s14+$0xFFFFFFE0] =	vst v7  }
0x2a1: {  	v7 =	vld [tilespmem:s16+$0xFFFFFFA0];
	p2 =	slt.u32 s15, $0x1F8;
	[tilespmem:s14+$0xFFFFFFF0] =	vst v5  }
0x2a2: {  	v5 =	vld [tilespmem:s16+$0xFFFFFFB0];
	[tilespmem:s14+$0x0] =	vst v2  }
0x2a3: {  	v2 =	vld [tilespmem:s16+$0xFFFFFFC0];
	[tilespmem:s14+$0x10] =	vst v3  }
0x2a4: {  	v3 =	vld [tilespmem:s16+$0xFFFFFFD0];
	[tilespmem:s14+$0x20] =	vst v4  }
0x2a5: {  	v4 =	vld [tilespmem:s16+$0xFFFFFFE0];
	[tilespmem:s14+$0xFFFFFFC0] =	vst v6  }
0x2a6: {  	v6 =	vld [tilespmem:s16+$0xFFFFFFF0]  }
0x2a7: {  	v9 =	vld [tilespmem:s16+$0xFFFFFF90]  }
0x2a8: {  	v8 =	vld.idx.msk [tilespmem:v8+s11+$0x0], $0xffff  }
0x2a9: {  	v10 =	vld.idx.msk [tilespmem:v7+s11+$0x0], $0xffff  }
0x2aa: {  	v7 =	vld.idx.msk [tilespmem:v5+s11+$0x0], $0xffff  }
.Ltmp15:
0x2ab: {  	v5 =	vld.idx.msk [tilespmem:v2+s11+$0x0], $0xffff;
	(pc) =	sbr.rel @p2 .LBB2_5-.Ltmp15, $4  }
0x2ac: {  	v2 =	vld.idx.msk [tilespmem:v3+s11+$0x0], $0xffff  }
0x2ad: {  	s14 =	sadd.s32 $0x80, s14;
	v3 =	vld.idx.msk [tilespmem:v4+s11+$0x0], $0xffff  }
0x2ae: {  	v4 =	vld.idx.msk [tilespmem:v6+s11+$0x0], $0xffff;
	[tilespmem:s14+$0x30] =	vst v8  }
0x2af: {  	s16 =	sadd.s32 $0x80, s16;
	v6 =	vld.idx.msk [tilespmem:v9+s11+$0x0], $0xffff;
	[tilespmem:s14+$0xFFFFFFD0] =	vst v10  }
0x2b0: {  	[tilespmem:s14+$0xFFFFFFE0] =	vst v7  }
0x2b1: {  	[tilespmem:s14+$0xFFFFFFF0] =	vst v5  }
0x2b2: {  	[tilespmem:s14+$0x0] =	vst v2  }
0x2b3: {  	[tilespmem:s14+$0x10] =	vst v3  }
0x2b4: {  	[tilespmem:s14+$0x20] =	vst v4  }
0x2b5: {  	[tilespmem:s14+$0xFFFFFFC0] =	vst v6  }
0x2b6: {  	s14 =	rddreg [dreg:$0xc]  }
0x2b7: {  	[hbm4b:s14+s9] =	stream.strided.scatter [tilespmem:s12], [sflag:$0x1], $0x2000, s10, s9, $0x38;
	[tilespmem:$0x1E700] =	vst v63  }
0x2b8: {  	_ =	swait.ge [sflag:s8], $0x2000  }
0x2b9: {  	[sflag:s8] =	ssyncset.done $0x0  }
0x2ba: {  	s17 =	rddreg [dreg:$0xd];
	[sflag:s8] =	ssyncadd.s32 $0xFFFFE000  }
0x2bb: {  	[tilespmem:s11], [sflag:$0x1] =	stream.strided.gather [hbm4b:s17+s9], $0x18700, s10, s9, $0x38;
	[tilespmem:$0x1E700] =	vst v63  }
0x2bc: {  	_ =	swait.ge [sflag:s8], $0x18700  }
0x2bd: {  	[sflag:s8] =	ssyncset.done $0x0  }
0x2be: {  	s18 =	simm.s32 $0x40;
	[sflag:s8] =	ssyncadd.s32 $0xFFFE7900  }
0x2bf: {  	v2 =	vld [tilespmem:s18+$0x30]  }
0x2c0: {  	v3 =	vld [tilespmem:s18+$0xFFFFFFD0]  }
0x2c1: {  	v4 =	vld [tilespmem:s18+$0xFFFFFFE0]  }
0x2c2: {  	v5 =	vld [tilespmem:s18+$0xFFFFFFF0]  }
0x2c3: {  	v6 =	vld [tilespmem:s18+$0x0]  }
0x2c4: {  	v8 =	vld [tilespmem:s18+$0x10]  }
0x2c5: {  	v9 =	vld [tilespmem:s18+$0x20]  }
0x2c6: {  	v10 =	vld [tilespmem:s18+$0xFFFFFFC0]  }
0x2c7: {  	v11 =	vld.idx.msk [tilespmem:v2+s11+$0x0], $0xffff  }
0x2c8: {  	v12 =	vld.idx.msk [tilespmem:v3+s11+$0x0], $0xffff  }
0x2c9: {  	v7 =	vld.idx.msk [tilespmem:v4+s11+$0x0], $0xffff  }
0x2ca: {  	v5 =	vld.idx.msk [tilespmem:v5+s11+$0x0], $0xffff  }
0x2cb: {  	v2 =	vld.idx.msk [tilespmem:v6+s11+$0x0], $0xffff  }
0x2cc: {  	s14 =	simm.s32 $0x1C740;
	v3 =	vld.idx.msk [tilespmem:v8+s11+$0x0], $0xffff  }
0x2cd: {  	v4 =	vld.idx.msk [tilespmem:v9+s11+$0x0], $0xffff;
	[tilespmem:s14+$0x30] =	vst v11  }
0x2ce: {  	s15 =	simm.s32 $0x0;
	s16 =	simm.s32 $0xC0;
	v6 =	vld.idx.msk [tilespmem:v10+s11+$0x0], $0xffff;
	[tilespmem:s14+$0xFFFFFFD0] =	vst v12  }
.LBB2_7:
0x2cf: {  	v8 =	vld [tilespmem:s16+$0x30];
	s15 =	sadd.s32 $0x8, s15;
	[tilespmem:s14+$0xFFFFFFE0] =	vst v7  }
0x2d0: {  	v7 =	vld [tilespmem:s16+$0xFFFFFFD0];
	p2 =	slt.u32 s15, $0x1F8;
	[tilespmem:s14+$0xFFFFFFF0] =	vst v5  }
0x2d1: {  	v5 =	vld [tilespmem:s16+$0xFFFFFFE0];
	[tilespmem:s14+$0x0] =	vst v2  }
0x2d2: {  	v2 =	vld [tilespmem:s16+$0xFFFFFFF0];
	[tilespmem:s14+$0x10] =	vst v3  }
0x2d3: {  	v3 =	vld [tilespmem:s16+$0x0];
	[tilespmem:s14+$0x20] =	vst v4  }
0x2d4: {  	v4 =	vld [tilespmem:s16+$0x10];
	[tilespmem:s14+$0xFFFFFFC0] =	vst v6  }
0x2d5: {  	v6 =	vld [tilespmem:s16+$0x20]  }
0x2d6: {  	v9 =	vld [tilespmem:s16+$0xFFFFFFC0]  }
0x2d7: {  	v8 =	vld.idx.msk [tilespmem:v8+s11+$0x0], $0xffff  }
0x2d8: {  	v10 =	vld.idx.msk [tilespmem:v7+s11+$0x0], $0xffff  }
0x2d9: {  	v7 =	vld.idx.msk [tilespmem:v5+s11+$0x0], $0xffff  }
.Ltmp16:
0x2da: {  	v5 =	vld.idx.msk [tilespmem:v2+s11+$0x0], $0xffff;
	(pc) =	sbr.rel @p2 .LBB2_7-.Ltmp16, $4  }
0x2db: {  	v2 =	vld.idx.msk [tilespmem:v3+s11+$0x0], $0xffff  }
0x2dc: {  	s14 =	sadd.s32 $0x80, s14;
	v3 =	vld.idx.msk [tilespmem:v4+s11+$0x0], $0xffff  }
0x2dd: {  	v4 =	vld.idx.msk [tilespmem:v6+s11+$0x0], $0xffff;
	[tilespmem:s14+$0x30] =	vst v8  }
0x2de: {  	s16 =	sadd.s32 $0x80, s16;
	v6 =	vld.idx.msk [tilespmem:v9+s11+$0x0], $0xffff;
	[tilespmem:s14+$0xFFFFFFD0] =	vst v10  }
0x2df: {  	[tilespmem:s14+$0xFFFFFFE0] =	vst v7  }
0x2e0: {  	[tilespmem:s14+$0xFFFFFFF0] =	vst v5  }
0x2e1: {  	[tilespmem:s14+$0x0] =	vst v2  }
0x2e2: {  	[tilespmem:s14+$0x10] =	vst v3  }
0x2e3: {  	[tilespmem:s14+$0x20] =	vst v4  }
0x2e4: {  	[tilespmem:s14+$0xFFFFFFC0] =	vst v6  }
0x2e5: {  	s14 =	rddreg [dreg:$0xe]  }
0x2e6: {  	[hbm4b:s14+s9] =	stream.strided.scatter [tilespmem:s12], [sflag:$0x1], $0x2000, s10, s9, $0x38;
	[tilespmem:$0x1E700] =	vst v63  }
0x2e7: {  	_ =	swait.ge [sflag:s8], $0x2000  }
0x2e8: {  	[sflag:s8] =	ssyncset.done $0x0  }
0x2e9: {  	s18 =	simm.s32 $0x2070;
	[sflag:s8] =	ssyncadd.s32 $0xFFFFE000  }
0x2ea: {  	v2 =	vld [tilespmem:s18+$0x0]  }
0x2eb: {  	v3 =	vld [tilespmem:s18+$0xFFFFFFA0]  }
0x2ec: {  	v4 =	vld [tilespmem:s18+$0xFFFFFFB0]  }
0x2ed: {  	v5 =	vld [tilespmem:s18+$0xFFFFFFC0]  }
0x2ee: {  	v6 =	vld [tilespmem:s18+$0xFFFFFFD0]  }
0x2ef: {  	v8 =	vld [tilespmem:s18+$0xFFFFFFE0]  }
0x2f0: {  	v9 =	vld [tilespmem:s18+$0xFFFFFFF0]  }
0x2f1: {  	v10 =	vld [tilespmem:s18+$0xFFFFFF90]  }
0x2f2: {  	v11 =	vld.idx.msk [tilespmem:v2+s11+$0x0], $0xffff  }
0x2f3: {  	v12 =	vld.idx.msk [tilespmem:v3+s11+$0x0], $0xffff  }
0x2f4: {  	v7 =	vld.idx.msk [tilespmem:v4+s11+$0x0], $0xffff  }
0x2f5: {  	v5 =	vld.idx.msk [tilespmem:v5+s11+$0x0], $0xffff  }
0x2f6: {  	v2 =	vld.idx.msk [tilespmem:v6+s11+$0x0], $0xffff  }
0x2f7: {  	s14 =	simm.s32 $0x1C740;
	v3 =	vld.idx.msk [tilespmem:v8+s11+$0x0], $0xffff  }
0x2f8: {  	v4 =	vld.idx.msk [tilespmem:v9+s11+$0x0], $0xffff;
	[tilespmem:s14+$0x30] =	vst v11  }
0x2f9: {  	s15 =	simm.s32 $0x0;
	s16 =	simm.s32 $0x20F0;
	v6 =	vld.idx.msk [tilespmem:v10+s11+$0x0], $0xffff;
	[tilespmem:s14+$0xFFFFFFD0] =	vst v12  }
.LBB2_9:
0x2fa: {  	v8 =	vld [tilespmem:s16+$0x0];
	s15 =	sadd.s32 $0x8, s15;
	[tilespmem:s14+$0xFFFFFFE0] =	vst v7  }
0x2fb: {  	v7 =	vld [tilespmem:s16+$0xFFFFFFA0];
	p2 =	slt.u32 s15, $0x1F8;
	[tilespmem:s14+$0xFFFFFFF0] =	vst v5  }
0x2fc: {  	v5 =	vld [tilespmem:s16+$0xFFFFFFB0];
	[tilespmem:s14+$0x0] =	vst v2  }
0x2fd: {  	v2 =	vld [tilespmem:s16+$0xFFFFFFC0];
	[tilespmem:s14+$0x10] =	vst v3  }
0x2fe: {  	v3 =	vld [tilespmem:s16+$0xFFFFFFD0];
	[tilespmem:s14+$0x20] =	vst v4  }
0x2ff: {  	v4 =	vld [tilespmem:s16+$0xFFFFFFE0];
	[tilespmem:s14+$0xFFFFFFC0] =	vst v6  }
0x300: {  	v6 =	vld [tilespmem:s16+$0xFFFFFFF0]  }
0x301: {  	v9 =	vld [tilespmem:s16+$0xFFFFFF90]  }
0x302: {  	v8 =	vld.idx.msk [tilespmem:v8+s11+$0x0], $0xffff  }
0x303: {  	v10 =	vld.idx.msk [tilespmem:v7+s11+$0x0], $0xffff  }
0x304: {  	v7 =	vld.idx.msk [tilespmem:v5+s11+$0x0], $0xffff  }
.Ltmp17:
0x305: {  	v5 =	vld.idx.msk [tilespmem:v2+s11+$0x0], $0xffff;
	(pc) =	sbr.rel @p2 .LBB2_9-.Ltmp17, $4  }
0x306: {  	v2 =	vld.idx.msk [tilespmem:v3+s11+$0x0], $0xffff  }
0x307: {  	s14 =	sadd.s32 $0x80, s14;
	v3 =	vld.idx.msk [tilespmem:v4+s11+$0x0], $0xffff  }
0x308: {  	v4 =	vld.idx.msk [tilespmem:v6+s11+$0x0], $0xffff;
	[tilespmem:s14+$0x30] =	vst v8  }
0x309: {  	s16 =	sadd.s32 $0x80, s16;
	v6 =	vld.idx.msk [tilespmem:v9+s11+$0x0], $0xffff;
	[tilespmem:s14+$0xFFFFFFD0] =	vst v10  }
0x30a: {  	[tilespmem:s14+$0xFFFFFFE0] =	vst v7  }
0x30b: {  	[tilespmem:s14+$0xFFFFFFF0] =	vst v5  }
0x30c: {  	[tilespmem:s14+$0x0] =	vst v2  }
0x30d: {  	[tilespmem:s14+$0x10] =	vst v3  }
0x30e: {  	[tilespmem:s14+$0x20] =	vst v4  }
0x30f: {  	[tilespmem:s14+$0xFFFFFFC0] =	vst v6  }
0x310: {  	s14 =	rddreg [dreg:$0xf]  }
0x311: {  	[hbm4b:s14+s9] =	stream.strided.scatter [tilespmem:s12], [sflag:$0x1], $0x2000, s10, s9, $0x38;
	[tilespmem:$0x1E700] =	vst v63  }
0x312: {  	_ =	swait.ge [sflag:s8], $0x2000  }
0x313: {  	[sflag:s8] =	ssyncset.done $0x0  }
0x314: {  	s17 =	rddreg [dreg:$0x10];
	[sflag:s8] =	ssyncadd.s32 $0xFFFFE000  }
0x315: {  	[tilespmem:s11], [sflag:$0x1] =	stream.strided.gather [hbm4b:s17+s9], $0x18700, s10, s9, $0x38;
	[tilespmem:$0x1E700] =	vst v63  }
0x316: {  	_ =	swait.ge [sflag:s8], $0x18700  }
0x317: {  	[sflag:s8] =	ssyncset.done $0x0  }
0x318: {  	s18 =	simm.s32 $0x40;
	[sflag:s8] =	ssyncadd.s32 $0xFFFE7900  }
0x319: {  	v2 =	vld [tilespmem:s18+$0x30]  }
0x31a: {  	v3 =	vld [tilespmem:s18+$0xFFFFFFD0]  }
0x31b: {  	v4 =	vld [tilespmem:s18+$0xFFFFFFE0]  }
0x31c: {  	v5 =	vld [tilespmem:s18+$0xFFFFFFF0]  }
0x31d: {  	v6 =	vld [tilespmem:s18+$0x0]  }
0x31e: {  	v8 =	vld [tilespmem:s18+$0x10]  }
0x31f: {  	v9 =	vld [tilespmem:s18+$0x20]  }
0x320: {  	v10 =	vld [tilespmem:s18+$0xFFFFFFC0]  }
0x321: {  	v11 =	vld.idx.msk [tilespmem:v2+s11+$0x0], $0xffff  }
0x322: {  	v12 =	vld.idx.msk [tilespmem:v3+s11+$0x0], $0xffff  }
0x323: {  	v7 =	vld.idx.msk [tilespmem:v4+s11+$0x0], $0xffff  }
0x324: {  	v5 =	vld.idx.msk [tilespmem:v5+s11+$0x0], $0xffff  }
0x325: {  	v2 =	vld.idx.msk [tilespmem:v6+s11+$0x0], $0xffff  }
0x326: {  	s14 =	simm.s32 $0x1C740;
	v3 =	vld.idx.msk [tilespmem:v8+s11+$0x0], $0xffff  }
0x327: {  	v4 =	vld.idx.msk [tilespmem:v9+s11+$0x0], $0xffff;
	[tilespmem:s14+$0x30] =	vst v11  }
0x328: {  	s15 =	simm.s32 $0x0;
	s16 =	simm.s32 $0xC0;
	v6 =	vld.idx.msk [tilespmem:v10+s11+$0x0], $0xffff;
	[tilespmem:s14+$0xFFFFFFD0] =	vst v12  }
.LBB2_11:
0x329: {  	v8 =	vld [tilespmem:s16+$0x30];
	s15 =	sadd.s32 $0x8, s15;
	[tilespmem:s14+$0xFFFFFFE0] =	vst v7  }
0x32a: {  	v7 =	vld [tilespmem:s16+$0xFFFFFFD0];
	p2 =	slt.u32 s15, $0x1F8;
	[tilespmem:s14+$0xFFFFFFF0] =	vst v5  }
0x32b: {  	v5 =	vld [tilespmem:s16+$0xFFFFFFE0];
	[tilespmem:s14+$0x0] =	vst v2  }
0x32c: {  	v2 =	vld [tilespmem:s16+$0xFFFFFFF0];
	[tilespmem:s14+$0x10] =	vst v3  }
0x32d: {  	v3 =	vld [tilespmem:s16+$0x0];
	[tilespmem:s14+$0x20] =	vst v4  }
0x32e: {  	v4 =	vld [tilespmem:s16+$0x10];
	[tilespmem:s14+$0xFFFFFFC0] =	vst v6  }
0x32f: {  	v6 =	vld [tilespmem:s16+$0x20]  }
0x330: {  	v9 =	vld [tilespmem:s16+$0xFFFFFFC0]  }
0x331: {  	v8 =	vld.idx.msk [tilespmem:v8+s11+$0x0], $0xffff  }
0x332: {  	v10 =	vld.idx.msk [tilespmem:v7+s11+$0x0], $0xffff  }
0x333: {  	v7 =	vld.idx.msk [tilespmem:v5+s11+$0x0], $0xffff  }
.Ltmp18:
0x334: {  	v5 =	vld.idx.msk [tilespmem:v2+s11+$0x0], $0xffff;
	(pc) =	sbr.rel @p2 .LBB2_11-.Ltmp18, $4  }
0x335: {  	v2 =	vld.idx.msk [tilespmem:v3+s11+$0x0], $0xffff  }
0x336: {  	s14 =	sadd.s32 $0x80, s14;
	v3 =	vld.idx.msk [tilespmem:v4+s11+$0x0], $0xffff  }
0x337: {  	v4 =	vld.idx.msk [tilespmem:v6+s11+$0x0], $0xffff;
	[tilespmem:s14+$0x30] =	vst v8  }
0x338: {  	s16 =	sadd.s32 $0x80, s16;
	v6 =	vld.idx.msk [tilespmem:v9+s11+$0x0], $0xffff;
	[tilespmem:s14+$0xFFFFFFD0] =	vst v10  }
0x339: {  	[tilespmem:s14+$0xFFFFFFE0] =	vst v7  }
0x33a: {  	[tilespmem:s14+$0xFFFFFFF0] =	vst v5  }
0x33b: {  	[tilespmem:s14+$0x0] =	vst v2  }
0x33c: {  	[tilespmem:s14+$0x10] =	vst v3  }
0x33d: {  	[tilespmem:s14+$0x20] =	vst v4  }
0x33e: {  	[tilespmem:s14+$0xFFFFFFC0] =	vst v6  }
0x33f: {  	s14 =	rddreg [dreg:$0x11]  }
0x340: {  	[hbm4b:s14+s9] =	stream.strided.scatter [tilespmem:s12], [sflag:$0x1], $0x2000, s10, s9, $0x38;
	[tilespmem:$0x1E700] =	vst v63  }
0x341: {  	_ =	swait.ge [sflag:s8], $0x2000  }
0x342: {  	[sflag:s8] =	ssyncset.done $0x0  }
0x343: {  	s18 =	simm.s32 $0x2070;
	[sflag:s8] =	ssyncadd.s32 $0xFFFFE000  }
0x344: {  	v2 =	vld [tilespmem:s18+$0x0]  }
0x345: {  	v3 =	vld [tilespmem:s18+$0xFFFFFFA0]  }
0x346: {  	v4 =	vld [tilespmem:s18+$0xFFFFFFB0]  }
0x347: {  	v5 =	vld [tilespmem:s18+$0xFFFFFFC0]  }
0x348: {  	v6 =	vld [tilespmem:s18+$0xFFFFFFD0]  }
0x349: {  	v8 =	vld [tilespmem:s18+$0xFFFFFFE0]  }
0x34a: {  	v9 =	vld [tilespmem:s18+$0xFFFFFFF0]  }
0x34b: {  	v10 =	vld [tilespmem:s18+$0xFFFFFF90]  }
0x34c: {  	v11 =	vld.idx.msk [tilespmem:v2+s11+$0x0], $0xffff  }
0x34d: {  	v12 =	vld.idx.msk [tilespmem:v3+s11+$0x0], $0xffff  }
0x34e: {  	v7 =	vld.idx.msk [tilespmem:v4+s11+$0x0], $0xffff  }
0x34f: {  	v5 =	vld.idx.msk [tilespmem:v5+s11+$0x0], $0xffff  }
0x350: {  	v2 =	vld.idx.msk [tilespmem:v6+s11+$0x0], $0xffff  }
0x351: {  	s14 =	simm.s32 $0x1C740;
	v3 =	vld.idx.msk [tilespmem:v8+s11+$0x0], $0xffff  }
0x352: {  	v4 =	vld.idx.msk [tilespmem:v9+s11+$0x0], $0xffff;
	[tilespmem:s14+$0x30] =	vst v11  }
0x353: {  	s15 =	simm.s32 $0x0;
	s16 =	simm.s32 $0x20F0;
	v6 =	vld.idx.msk [tilespmem:v10+s11+$0x0], $0xffff;
	[tilespmem:s14+$0xFFFFFFD0] =	vst v12  }
.LBB2_13:
0x354: {  	v8 =	vld [tilespmem:s16+$0x0];
	s15 =	sadd.s32 $0x8, s15;
	[tilespmem:s14+$0xFFFFFFE0] =	vst v7  }
0x355: {  	v7 =	vld [tilespmem:s16+$0xFFFFFFA0];
	p2 =	slt.u32 s15, $0x1F8;
	[tilespmem:s14+$0xFFFFFFF0] =	vst v5  }
0x356: {  	v5 =	vld [tilespmem:s16+$0xFFFFFFB0];
	[tilespmem:s14+$0x0] =	vst v2  }
0x357: {  	v2 =	vld [tilespmem:s16+$0xFFFFFFC0];
	[tilespmem:s14+$0x10] =	vst v3  }
0x358: {  	v3 =	vld [tilespmem:s16+$0xFFFFFFD0];
	[tilespmem:s14+$0x20] =	vst v4  }
0x359: {  	v4 =	vld [tilespmem:s16+$0xFFFFFFE0];
	[tilespmem:s14+$0xFFFFFFC0] =	vst v6  }
0x35a: {  	v6 =	vld [tilespmem:s16+$0xFFFFFFF0]  }
0x35b: {  	v9 =	vld [tilespmem:s16+$0xFFFFFF90]  }
0x35c: {  	v8 =	vld.idx.msk [tilespmem:v8+s11+$0x0], $0xffff  }
0x35d: {  	v10 =	vld.idx.msk [tilespmem:v7+s11+$0x0], $0xffff  }
0x35e: {  	v7 =	vld.idx.msk [tilespmem:v5+s11+$0x0], $0xffff  }
.Ltmp19:
0x35f: {  	v5 =	vld.idx.msk [tilespmem:v2+s11+$0x0], $0xffff;
	(pc) =	sbr.rel @p2 .LBB2_13-.Ltmp19, $4  }
0x360: {  	v2 =	vld.idx.msk [tilespmem:v3+s11+$0x0], $0xffff  }
0x361: {  	s14 =	sadd.s32 $0x80, s14;
	v3 =	vld.idx.msk [tilespmem:v4+s11+$0x0], $0xffff  }
0x362: {  	v4 =	vld.idx.msk [tilespmem:v6+s11+$0x0], $0xffff;
	[tilespmem:s14+$0x30] =	vst v8  }
0x363: {  	s16 =	sadd.s32 $0x80, s16;
	v6 =	vld.idx.msk [tilespmem:v9+s11+$0x0], $0xffff;
	[tilespmem:s14+$0xFFFFFFD0] =	vst v10  }
0x364: {  	[tilespmem:s14+$0xFFFFFFE0] =	vst v7  }
0x365: {  	[tilespmem:s14+$0xFFFFFFF0] =	vst v5  }
0x366: {  	[tilespmem:s14+$0x0] =	vst v2  }
0x367: {  	[tilespmem:s14+$0x10] =	vst v3  }
0x368: {  	[tilespmem:s14+$0x20] =	vst v4  }
0x369: {  	[tilespmem:s14+$0xFFFFFFC0] =	vst v6  }
0x36a: {  	s14 =	rddreg [dreg:$0x17]  }
0x36b: {  	[hbm4b:s14+s9] =	stream.strided.scatter [tilespmem:s12], [sflag:$0x1], $0x2000, s10, s9, $0x38;
	[tilespmem:$0x1E700] =	vst v63  }
0x36c: {  	_ =	swait.ge [sflag:s8], $0x2000  }
0x36d: {  	[sflag:s8] =	ssyncset.done $0x0  }
0x36e: {  	s17 =	rddreg [dreg:$0x12];
	[sflag:s8] =	ssyncadd.s32 $0xFFFFE000  }
0x36f: {  	[tilespmem:s11], [sflag:$0x1] =	stream.strided.gather [hbm4b:s17+s9], $0x18700, s10, s9, $0x38;
	[tilespmem:$0x1E700] =	vst v63  }
0x370: {  	_ =	swait.ge [sflag:s8], $0x18700  }
0x371: {  	[sflag:s8] =	ssyncset.done $0x0  }
0x372: {  	s18 =	simm.s32 $0x40;
	[sflag:s8] =	ssyncadd.s32 $0xFFFE7900  }
0x373: {  	v2 =	vld [tilespmem:s18+$0x30]  }
0x374: {  	v3 =	vld [tilespmem:s18+$0xFFFFFFD0]  }
0x375: {  	v4 =	vld [tilespmem:s18+$0xFFFFFFE0]  }
0x376: {  	v5 =	vld [tilespmem:s18+$0xFFFFFFF0]  }
0x377: {  	v6 =	vld [tilespmem:s18+$0x0]  }
0x378: {  	v8 =	vld [tilespmem:s18+$0x10]  }
0x379: {  	v9 =	vld [tilespmem:s18+$0x20]  }
0x37a: {  	v10 =	vld [tilespmem:s18+$0xFFFFFFC0]  }
0x37b: {  	v11 =	vld.idx.msk [tilespmem:v2+s11+$0x0], $0xffff  }
0x37c: {  	v12 =	vld.idx.msk [tilespmem:v3+s11+$0x0], $0xffff  }
0x37d: {  	v7 =	vld.idx.msk [tilespmem:v4+s11+$0x0], $0xffff  }
0x37e: {  	v5 =	vld.idx.msk [tilespmem:v5+s11+$0x0], $0xffff  }
0x37f: {  	v2 =	vld.idx.msk [tilespmem:v6+s11+$0x0], $0xffff  }
0x380: {  	s14 =	simm.s32 $0x1C740;
	v3 =	vld.idx.msk [tilespmem:v8+s11+$0x0], $0xffff  }
0x381: {  	v4 =	vld.idx.msk [tilespmem:v9+s11+$0x0], $0xffff;
	[tilespmem:s14+$0x30] =	vst v11  }
0x382: {  	s15 =	simm.s32 $0x0;
	s16 =	simm.s32 $0xC0;
	v6 =	vld.idx.msk [tilespmem:v10+s11+$0x0], $0xffff;
	[tilespmem:s14+$0xFFFFFFD0] =	vst v12  }
.LBB2_15:
0x383: {  	v8 =	vld [tilespmem:s16+$0x30];
	s15 =	sadd.s32 $0x8, s15;
	[tilespmem:s14+$0xFFFFFFE0] =	vst v7  }
0x384: {  	v7 =	vld [tilespmem:s16+$0xFFFFFFD0];
	p2 =	slt.u32 s15, $0x1F8;
	[tilespmem:s14+$0xFFFFFFF0] =	vst v5  }
0x385: {  	v5 =	vld [tilespmem:s16+$0xFFFFFFE0];
	[tilespmem:s14+$0x0] =	vst v2  }
0x386: {  	v2 =	vld [tilespmem:s16+$0xFFFFFFF0];
	[tilespmem:s14+$0x10] =	vst v3  }
0x387: {  	v3 =	vld [tilespmem:s16+$0x0];
	[tilespmem:s14+$0x20] =	vst v4  }
0x388: {  	v4 =	vld [tilespmem:s16+$0x10];
	[tilespmem:s14+$0xFFFFFFC0] =	vst v6  }
0x389: {  	v6 =	vld [tilespmem:s16+$0x20]  }
0x38a: {  	v9 =	vld [tilespmem:s16+$0xFFFFFFC0]  }
0x38b: {  	v8 =	vld.idx.msk [tilespmem:v8+s11+$0x0], $0xffff  }
0x38c: {  	v10 =	vld.idx.msk [tilespmem:v7+s11+$0x0], $0xffff  }
0x38d: {  	v7 =	vld.idx.msk [tilespmem:v5+s11+$0x0], $0xffff  }
.Ltmp20:
0x38e: {  	v5 =	vld.idx.msk [tilespmem:v2+s11+$0x0], $0xffff;
	(pc) =	sbr.rel @p2 .LBB2_15-.Ltmp20, $4  }
0x38f: {  	v2 =	vld.idx.msk [tilespmem:v3+s11+$0x0], $0xffff  }
0x390: {  	s14 =	sadd.s32 $0x80, s14;
	v3 =	vld.idx.msk [tilespmem:v4+s11+$0x0], $0xffff  }
0x391: {  	v4 =	vld.idx.msk [tilespmem:v6+s11+$0x0], $0xffff;
	[tilespmem:s14+$0x30] =	vst v8  }
0x392: {  	s16 =	sadd.s32 $0x80, s16;
	v6 =	vld.idx.msk [tilespmem:v9+s11+$0x0], $0xffff;
	[tilespmem:s14+$0xFFFFFFD0] =	vst v10  }
0x393: {  	[tilespmem:s14+$0xFFFFFFE0] =	vst v7  }
0x394: {  	[tilespmem:s14+$0xFFFFFFF0] =	vst v5  }
0x395: {  	[tilespmem:s14+$0x0] =	vst v2  }
0x396: {  	[tilespmem:s14+$0x10] =	vst v3  }
0x397: {  	[tilespmem:s14+$0x20] =	vst v4  }
0x398: {  	[tilespmem:s14+$0xFFFFFFC0] =	vst v6  }
0x399: {  	s14 =	rddreg [dreg:$0x18]  }
0x39a: {  	[hbm4b:s14+s9] =	stream.strided.scatter [tilespmem:s12], [sflag:$0x1], $0x2000, s10, s9, $0x38;
	[tilespmem:$0x1E700] =	vst v63  }
0x39b: {  	_ =	swait.ge [sflag:s8], $0x2000  }
0x39c: {  	[sflag:s8] =	ssyncset.done $0x0  }
0x39d: {  	s18 =	simm.s32 $0x2070;
	[sflag:s8] =	ssyncadd.s32 $0xFFFFE000  }
0x39e: {  	v2 =	vld [tilespmem:s18+$0x0]  }
0x39f: {  	v3 =	vld [tilespmem:s18+$0xFFFFFFA0]  }
0x3a0: {  	v4 =	vld [tilespmem:s18+$0xFFFFFFB0]  }
0x3a1: {  	v5 =	vld [tilespmem:s18+$0xFFFFFFC0]  }
0x3a2: {  	v6 =	vld [tilespmem:s18+$0xFFFFFFD0]  }
0x3a3: {  	v8 =	vld [tilespmem:s18+$0xFFFFFFE0]  }
0x3a4: {  	v9 =	vld [tilespmem:s18+$0xFFFFFFF0]  }
0x3a5: {  	v10 =	vld [tilespmem:s18+$0xFFFFFF90]  }
0x3a6: {  	v11 =	vld.idx.msk [tilespmem:v2+s11+$0x0], $0xffff  }
0x3a7: {  	v12 =	vld.idx.msk [tilespmem:v3+s11+$0x0], $0xffff  }
0x3a8: {  	v7 =	vld.idx.msk [tilespmem:v4+s11+$0x0], $0xffff  }
0x3a9: {  	v5 =	vld.idx.msk [tilespmem:v5+s11+$0x0], $0xffff  }
0x3aa: {  	v2 =	vld.idx.msk [tilespmem:v6+s11+$0x0], $0xffff  }
0x3ab: {  	s14 =	simm.s32 $0x1C740;
	v3 =	vld.idx.msk [tilespmem:v8+s11+$0x0], $0xffff  }
0x3ac: {  	v4 =	vld.idx.msk [tilespmem:v9+s11+$0x0], $0xffff;
	[tilespmem:s14+$0x30] =	vst v11  }
0x3ad: {  	s15 =	simm.s32 $0x0;
	s16 =	simm.s32 $0x20F0;
	v6 =	vld.idx.msk [tilespmem:v10+s11+$0x0], $0xffff;
	[tilespmem:s14+$0xFFFFFFD0] =	vst v12  }
.LBB2_17:
0x3ae: {  	v8 =	vld [tilespmem:s16+$0x0];
	s15 =	sadd.s32 $0x8, s15;
	[tilespmem:s14+$0xFFFFFFE0] =	vst v7  }
0x3af: {  	v7 =	vld [tilespmem:s16+$0xFFFFFFA0];
	p2 =	slt.u32 s15, $0x1F8;
	[tilespmem:s14+$0xFFFFFFF0] =	vst v5  }
0x3b0: {  	v5 =	vld [tilespmem:s16+$0xFFFFFFB0];
	[tilespmem:s14+$0x0] =	vst v2  }
0x3b1: {  	v2 =	vld [tilespmem:s16+$0xFFFFFFC0];
	[tilespmem:s14+$0x10] =	vst v3  }
0x3b2: {  	v3 =	vld [tilespmem:s16+$0xFFFFFFD0];
	[tilespmem:s14+$0x20] =	vst v4  }
0x3b3: {  	v4 =	vld [tilespmem:s16+$0xFFFFFFE0];
	[tilespmem:s14+$0xFFFFFFC0] =	vst v6  }
0x3b4: {  	v6 =	vld [tilespmem:s16+$0xFFFFFFF0]  }
0x3b5: {  	v9 =	vld [tilespmem:s16+$0xFFFFFF90]  }
0x3b6: {  	v8 =	vld.idx.msk [tilespmem:v8+s11+$0x0], $0xffff  }
0x3b7: {  	v10 =	vld.idx.msk [tilespmem:v7+s11+$0x0], $0xffff  }
0x3b8: {  	v7 =	vld.idx.msk [tilespmem:v5+s11+$0x0], $0xffff  }
.Ltmp21:
0x3b9: {  	v5 =	vld.idx.msk [tilespmem:v2+s11+$0x0], $0xffff;
	(pc) =	sbr.rel @p2 .LBB2_17-.Ltmp21, $4  }
0x3ba: {  	v2 =	vld.idx.msk [tilespmem:v3+s11+$0x0], $0xffff  }
0x3bb: {  	s14 =	sadd.s32 $0x80, s14;
	v3 =	vld.idx.msk [tilespmem:v4+s11+$0x0], $0xffff  }
0x3bc: {  	v4 =	vld.idx.msk [tilespmem:v6+s11+$0x0], $0xffff;
	[tilespmem:s14+$0x30] =	vst v8  }
0x3bd: {  	s16 =	sadd.s32 $0x80, s16;
	v6 =	vld.idx.msk [tilespmem:v9+s11+$0x0], $0xffff;
	[tilespmem:s14+$0xFFFFFFD0] =	vst v10  }
0x3be: {  	[tilespmem:s14+$0xFFFFFFE0] =	vst v7  }
0x3bf: {  	[tilespmem:s14+$0xFFFFFFF0] =	vst v5  }
0x3c0: {  	[tilespmem:s14+$0x0] =	vst v2  }
0x3c1: {  	[tilespmem:s14+$0x10] =	vst v3  }
0x3c2: {  	[tilespmem:s14+$0x20] =	vst v4  }
0x3c3: {  	[tilespmem:s14+$0xFFFFFFC0] =	vst v6  }
0x3c4: {  	s14 =	rddreg [dreg:$0x19]  }
0x3c5: {  	[hbm4b:s14+s9] =	stream.strided.scatter [tilespmem:s12], [sflag:$0x1], $0x2000, s10, s9, $0x38;
	[tilespmem:$0x1E700] =	vst v63  }
0x3c6: {  	_ =	swait.ge [sflag:s8], $0x2000  }
0x3c7: {  	[sflag:s8] =	ssyncset.done $0x0  }
0x3c8: {  	s15 =	simm.s32 @p1 $0x4000;
	s14 =	simm.s32 @p1 $0x0;
	[sflag:s8] =	ssyncadd.s32 $0xFFFFE000  }
0x3c9: {  	[tilespmem:s15], [sflag:$0x1] =	stream.linear.gather @p1 [hbm4b:s1+s14], $0xF80, $0x38;
	[tilespmem:$0x1E700] =	vst v63  }
0x3ca: {  	s15 =	simm.s32 @p1 $0x1  }
0x3cb: {  	_ =	swait.ge @p1 [sflag:s15], $0xF80  }
0x3cc: {  	[sflag:s15] =	ssyncset.done @p1 $0x0  }
0x3cd: {  	s16 =	simm.s32 @p1 $0x4F80;
	[sflag:s15] =	ssyncadd.s32 @p1 $0xFFFFF080  }
0x3ce: {  	[tilespmem:s16], [sflag:$0x1] =	stream.linear.gather @p1 [hbm4b:s0+s14], $0x80, $0x38;
	[tilespmem:$0x1E700] =	vst v63  }
0x3cf: {  	_ =	swait.ge @p1 [sflag:s15], $0x80  }
0x3d0: {  	[sflag:s15] =	ssyncset.done @p1 $0x0  }
0x3d1: {  	s14 =	simm.s32 @!p1 $0x0;
	[sflag:s15] =	ssyncadd.s32 @p1 $0xFFFFFF80;
	s15 =	simm.s32 @!p1 $0x4000  }
0x3d2: {  	[tilespmem:s15], [sflag:$0x1] =	stream.linear.gather @!p1 [hbm4b:s24+s14], $0x1900, $0x38;
	[tilespmem:$0x1E700] =	vst v63  }
0x3d3: {  	s14 =	simm.s32 @!p1 $0x1  }
0x3d4: {  	_ =	swait.ge @!p1 [sflag:s14], $0x1900  }
0x3d5: {  	[sflag:s14] =	ssyncset.done @!p1 $0x0  }
0x3d6: {  	s17 =	simm.s32 $0x40;
	[sflag:s14] =	ssyncadd.s32 @!p1 $0xFFFFE700  }
0x3d7: {  	v2 =	vld [tilespmem:s17+$0x20]  }
0x3d8: {  	v4 =	vld [tilespmem:s17+$0x0]  }
0x3d9: {  	v5 =	vld [tilespmem:s17+$0xFFFFFFF0]  }
0x3da: {  	v3 =	vld [tilespmem:s17+$0x30]  }
0x3db: {  	v6 =	vld [tilespmem:s17+$0xFFFFFFC0]  }
0x3dc: {  	v7 =	vld [tilespmem:s17+$0x10]  }
0x3dd: {  	v9 =	vld [tilespmem:s17+$0xFFFFFFD0];
	vm1 =	vge.s32 v4, v0;
	vm2 =	vlt.s32 v4, v1  }
0x3de: {  	v8 =	vsub.s32 v4, v0;
	v10 =	vsub.s32 v5, v0;
	vm4 =	vlt.s32 v2, v1  }
0x3df: {  	v11 =	vld [tilespmem:s17+$0xFFFFFFE0];
	vm5 =	vlt.s32 v3, v1;
	vm0 =	vge.s32 v5, v0;
	vm3 =	vlt.s32 v5, v1  }
0x3e0: {  	v5 =	vand.u32 $0x7F, v5;
	vm8 =	vge.s32 v2, v0;
	vm7 =	vge.s32 v3, v0  }
0x3e1: {  	v12 =	vsub.s32 v3, v0;
	v3 =	vand.u32 $0x7F, v3;
	vm9 =	vlt.s32 v6, v1  }
0x3e2: {  	vm11 =	vge.s32 v7, v0;
	v13 =	vand.u32 $0x7F, v2;
	vm6 =	vge.s32 v9, v0  }
0x3e3: {  	v14 =	vand.u32 $0x7F, v7;
	vm10 =	vlt.s32 v9, v1;
	v15 =	vand.u32 $0x7F, v6  }
0x3e4: {  	v16 =	vand.u32 $0x7F, v11;
	vm12 =	vge.s32 v11, v0;
	v2 =	vsub.s32 v2, v0  }
0x3e5: {  	v4 =	vand.u32 $0x7F, v4;
	v12 =	vand.u32 $0xFFFFFF80, v12;
	vm5 =	vmand vm7, vm5  }
0x3e6: {  	v8 =	vand.u32 $0xFFFFFF80, v8;
	v10 =	vand.u32 $0xFFFFFF80, v10;
	v3 =	vor.u32 v3, v12  }
0x3e7: {  	vm7 =	vge.s32 v6, v0;
	vm4 =	vmand vm8, vm4;
	v2 =	vand.u32 $0xFFFFFF80, v2  }
0x3e8: {  	s18 =	simm.s32 $0xC0;
	vm8 =	vlt.s32 v7, v1;
	v7 =	vsub.s32 v7, v0;
	v12 =	vsub.s32 v6, v0  }
0x3e9: {  	v6 =	vand.u32 $0xFFFFFF80, v12;
	v12 =	vor.u32 v13, v2;
	v2 =	vand.u32 $0xFFFFFF80, v7;
	v13 =	vld [tilespmem:s18+$0x30]  }
0x3ea: {  	vm0 =	vmand vm0, vm3;
	v18 =	vor.u32 v15, v6;
	v6 =	vor.u32 v14, v2;
	v2 =	vld [tilespmem:s18+$0x0]  }
0x3eb: {  	vm10 =	vmand vm6, vm10;
	vm13 =	vmand vm1, vm2;
	vm7 =	vmand vm7, vm9;
	v3 =	vld.idx.msk [tilespmem:v3+s11+$0x0], vm5  }
0x3ec: {  	vm8 =	vmand vm11, vm8;
	vm9 =	vlt.s32 v11, v1;
	v4 =	vor.u32 v4, v8;
	v7 =	vld [tilespmem:s18+$0xFFFFFFF0]  }
0x3ed: {  	v8 =	vsub.s32 v11, v0;
	v14 =	vor.u32 v5, v10;
	v5 =	vsub.s32 v9, v0  }
0x3ee: {  	v8 =	vand.u32 $0xFFFFFF80, v8;
	v9 =	vand.u32 $0x7F, v9;
	v5 =	vand.u32 $0xFFFFFF80, v5  }
0x3ef: {  	v17 =	vld [tilespmem:s18+$0x20];
	vm9 =	vmand vm12, vm9;
	v8 =	vor.u32 v16, v8;
	v9 =	vor.u32 v9, v5  }
0x3f0: {  	v15 =	vld [tilespmem:s18+$0xFFFFFFC0];
	vm2 =	vlt.s32 v2, v1;
	v16 =	vnsel vm5, $0x0, v3;
	v3 =	vimm.s32 $0x0  }
0x3f1: {  	v10 =	vld.idx.msk [tilespmem:v12+s11+$0x0], vm4;
	v12 =	vsub.s32 v7, v0;
	vm3 =	vlt.s32 v13, v1;
	v3 =	vsel vm2, $0xFFFFFFFF, v3  }
0x3f2: {  	vm1 =	vmmov vm7;
	vm14 =	vge.s32 v7, v0;
	vm6 =	vge.s32 v13, v0;
	v6 =	vld.idx.msk [tilespmem:v6+s11+$0x0], vm8;
	[tilespmem:$0x1FFF0] =	vst v3  }
0x3f3: {  	vm7 =	vlt.s32 v7, v1;
	v21 =	vand.u32 $0x7F, v7;
	v23 =	vsub.s32 v13, v0;
	v5 =	vld [tilespmem:s18+$0x10]  }
0x3f4: {  	v13 =	vand.u32 $0x7F, v13;
	vm15 =	vge.s32 v2, v0;
	v11 =	vsub.s32 v2, v0;
	v3 =	vld [tilespmem:s18+$0xFFFFFFD0]  }
0x3f5: {  	vm6 =	vmand vm6, vm3;
	vm3 =	vlt.s32 v15, v1;
	v22 =	vand.u32 $0xFFFFFF80, v12;
	v8 =	vld.idx.msk [tilespmem:v8+s11+$0x0], vm9  }
0x3f6: {  	v12 =	vand.u32 $0x7F, v17;
	v24 =	vand.u32 $0x7F, v15;
	v7 =	vand.u32 $0xFFFFFF80, v11;
	v9 =	vld.idx.msk [tilespmem:v9+s11+$0x0], vm10  }
0x3f7: {  	v19 =	vnsel vm4, $0x0, v10;
	vm4 =	vge.s32 v15, v0;
	v20 =	vnsel vm8, $0x0, v6;
	v6 =	vld [tilespmem:s18+$0xFFFFFFE0]  }
0x3f8: {  	s14 =	simm.s32 $0x1C740;
	vm2 =	vlt.s32 v17, v1;
	vm8 =	vmand vm4, vm3;
	vm3 =	vge.s32 v17, v0;
	v4 =	vld.idx.msk [tilespmem:v4+s11+$0x0], vm13  }
0x3f9: {  	v17 =	vsub.s32 v17, v0;
	vm4 =	vmand vm3, vm2;
	[tilespmem:s14+$0x30] =	vst v16;
	v16 =	vsub.s32 v15, v0  }
0x3fa: {  	v17 =	vand.u32 $0xFFFFFF80, v17;
	v11 =	vnsel vm9, $0x0, v8;
	v8 =	vand.u32 $0xFFFFFF80, v23  }
0x3fb: {  	vm11 =	vge.s32 v5, v0;
	vm12 =	vge.s32 v3, v0;
	v15 =	vor.u32 v13, v8;
	v13 =	vld.idx.msk [tilespmem:v14+s11+$0x0], vm0  }
0x3fc: {  	[tilespmem:s14+$0x10] =	vst v20;
	v10 =	vand.u32 $0x7F, v5;
	v63 =	vnsel vm10, $0x0, v9;
	vm10 =	vlt.s32 v3, v1  }
0x3fd: {  	s16 =	simm.s32 $0x8;
	[tilespmem:s14+$0x20] =	vst v19;
	v8 =	vand.u32 $0xFFFFFF80, v16;
	v16 =	vnsel vm13, $0x0, v4;
	vm13 =	vge.s32 v6, v0  }
0x3fe: {  	s15 =	simm.s32 $0x1C7C0;
	s17 =	simm.s32 $0x1C7C0;
	s18 =	simm.s32 $0x140;
	v9 =	vand.u32 $0x7F, v6;
	v14 =	vld.idx.msk [tilespmem:v18+s11+$0x0], vm1;
	[tilespmem:s14+$0xFFFFFFD0] =	vst v63;
	v4 =	vor.u32 v24, v8;
	v8 =	vor.u32 v21, v22  }
.LBB2_19:
0x3ff: {  	vm2 =	vlt.s32 v6, v1  }
0x400: {  	v12 =	vor.u32 v12, v17;
	v13 =	vnsel vm0, $0x0, v13;
	[tilespmem:s14+$0x0] =	vst v16;
	vm0 =	vlt.s32 v5, v1  }
0x401: {  	v5 =	vsub.s32 v5, v0;
	v16 =	vand.u32 $0x7F, v2;
	[tilespmem:s14+$0xFFFFFFE0] =	vst v11;
	v6 =	vsub.s32 v6, v0  }
0x402: {  	vm9 =	vmand vm13, vm2;
	[tilespmem:s14+$0xFFFFFFF0] =	vst v13;
	v13 =	vld [tilespmem:s18+$0x30];
	v5 =	vand.u32 $0xFFFFFF80, v5;
	v11 =	vor.u32 v16, v7  }
0x403: {  	v2 =	vld [tilespmem:s18+$0x0];
	v7 =	vor.u32 v10, v5;
	v5 =	vnsel vm1, $0x0, v14;
	v14 =	vsub.s32 v3, v0  }
0x404: {  	vm13 =	vmand vm11, vm0;
	v10 =	vld [tilespmem:s18+$0xFFFFFFF0];
	v3 =	vand.u32 $0x7F, v3;
	v14 =	vand.u32 $0xFFFFFF80, v14  }
0x405: {  	v14 =	vor.u32 v3, v14;
	v3 =	vand.u32 $0xFFFFFF80, v6;
	v6 =	vld [tilespmem:$0x1FFF0]  }
0x406: {  	v18 =	vld [tilespmem:s18+$0x20];
	vm0 =	vmand vm14, vm7;
	vm14 =	vmand vm12, vm10  }
0x407: {  	v15 =	vld.idx.msk [tilespmem:v15+s11+$0x0], vm6;
	v9 =	vor.u32 v9, v3  }
0x408: {  	[tilespmem:s14+$0xFFFFFFC0] =	vst v5;
	v17 =	vld.idx.msk [tilespmem:v12+s11+$0x0], vm4;
	v3 =	vimm.s32 $0x0;
	vm2 =	vge.s32 v2, v0;
	v12 =	vsub.s32 v2, v0  }
0x409: {  	v16 =	vld [tilespmem:s18+$0xFFFFFFC0];
	v22 =	vand.u32 $0x7F, v13;
	v3 =	vsel vm2, $0xFFFFFFFF, v3;
	vm2 =	vlt.s32 v2, v1  }
0x40a: {  	v19 =	vld.idx.msk [tilespmem:v7+s11+$0x0], vm13;
	vm3 =	vge.s32 v10, v0;
	v7 =	vand.u32 $0xFFFFFF80, v12;
	vm1 =	vnez.u8 v6  }
0x40b: {  	v5 =	vld [tilespmem:s18+$0x10];
	v12 =	vand.u32 $0x7F, v18;
	[tilespmem:$0x1FFE0] =	vst v3;
	v3 =	vimm.s32 $0x0;
	vm15 =	vmand vm15, vm1  }
0x40c: {  	v6 =	vnsel vm6, $0x0, v15;
	v3 =	vsel vm2, $0xFFFFFFFF, v3;
	v15 =	vsub.s32 v10, v0;
	v24 =	vld.idx.msk [tilespmem:v14+s11+$0x0], vm14  }
0x40d: {  	s14 =	smov.u32 s15;
	vm2 =	vlt.s32 v18, v1;
	vm6 =	vlt.s32 v13, v1;
	vm1 =	vmmov vm8;
	[tilespmem:$0x1FFF0] =	vst v3;
	v3 =	vld [tilespmem:s18+$0xFFFFFFD0]  }
0x40e: {  	vm5 =	vlt.s32 v16, v1;
	[tilespmem:s14+$0x30] =	vst v6;
	v6 =	vimm.s32 $0x0;
	vm8 =	vge.s32 v13, v0;
	v23 =	vld.idx.msk [tilespmem:v9+s11+$0x0], vm9  }
0x40f: {  	v21 =	vand.u32 $0xFFFFFF80, v15;
	v15 =	vsub.s32 v13, v0;
	v13 =	vld.idx.msk [tilespmem:v8+s11+$0x0], vm0;
	v6 =	vsel vm3, $0xFFFFFFFF, v6  }
0x410: {  	v26 =	vand.u32 $0x7F, v16;
	v17 =	vnsel vm4, $0x0, v17;
	v8 =	vand.u32 $0xFFFFFF80, v15;
	[tilespmem:$0x1FFD0] =	vst v6;
	v6 =	vld [tilespmem:s18+$0xFFFFFFE0]  }
0x411: {  	v15 =	vor.u32 v22, v8;
	v8 =	vnsel vm13, $0x0, v19;
	v25 =	vld.idx.msk [tilespmem:v11+s11+$0x0], vm15;
	v11 =	vsub.s32 v16, v0  }
0x412: {  	vm4 =	vge.s32 v16, v0;
	vm3 =	vge.s32 v18, v0;
	[tilespmem:s14+$0x10] =	vst v8;
	v8 =	vld [tilespmem:$0x1FFD0];
	v16 =	vand.u32 $0xFFFFFF80, v11  }
0x413: {  	s16 =	sadd.s32 $0x8, s16;
	v14 =	vld.idx.msk [tilespmem:v4+s11+$0x0], vm1;
	v4 =	vor.u32 v26, v16;
	v16 =	vsub.s32 v18, v0;
	v18 =	vnsel vm14, $0x0, v24  }
0x414: {  	p2 =	slt.u32 s16, $0x1F8;
	vm7 =	vlt.s32 v10, v1;
	v20 =	vand.u32 $0x7F, v10;
	[tilespmem:s14+$0xFFFFFFD0] =	vst v18;
	v18 =	vld [tilespmem:$0x1FFE0]  }
.Ltmp22:
0x415: {  	vm11 =	vge.s32 v5, v0;
	v10 =	vand.u32 $0x7F, v5;
	vm6 =	vmand vm8, vm6;
	(pc) =	sbr.rel @p2 .LBB2_19-.Ltmp22, $4  }
0x416: {  	vm8 =	vmand vm4, vm5;
	vm4 =	vmand vm3, vm2;
	vm12 =	vge.s32 v3, v0  }
0x417: {  	vm10 =	vlt.s32 v3, v1;
	v9 =	vand.u32 $0x7F, v6;
	vm13 =	vge.s32 v6, v0  }
0x418: {  	s17 =	sadd.s32 $0x80, s17;
	v11 =	vnsel vm9, $0x0, v23;
	vm14 =	vnez.u8 v8;
	v8 =	vor.u32 v20, v21  }
0x419: {  	s15 =	smov.u32 s17;
	[tilespmem:s14+$0x20] =	vst v17;
	s18 =	sadd.s32 $0x80, s18;
	v17 =	vand.u32 $0xFFFFFF80, v16;
	v16 =	vnsel vm15, $0x0, v25;
	vm15 =	vnez.u8 v18  }
0x41a: {  	vm2 =	vlt.s32 v5, v1;
	v5 =	vsub.s32 v5, v0  }
0x41b: {  	v5 =	vand.u32 $0xFFFFFF80, v5  }
0x41c: {  	v5 =	vor.u32 v10, v5;
	v10 =	vsub.s32 v3, v0  }
0x41d: {  	v3 =	vand.u32 $0x7F, v3;
	v10 =	vand.u32 $0xFFFFFF80, v10  }
0x41e: {  	v3 =	vor.u32 v3, v10;
	v10 =	vld [tilespmem:$0x1FFF0];
	_ =	sdelay $0x1  }
0x41f: {  	vm3 =	vmand vm11, vm2;
	_ =	sdelay $0x1  }
0x420: {  	v12 =	vor.u32 v12, v17;
	vm2 =	vmand vm12, vm10  }
0x421: {  	vm5 =	vlt.s32 v6, v1;
	vm7 =	vmand vm14, vm7;
	vm9 =	vnez.u8 v10  }
0x422: {  	v2 =	vand.u32 $0x7F, v2;
	v6 =	vsub.s32 v6, v0;
	vm9 =	vmand vm15, vm9  }
0x423: {  	v2 =	vor.u32 v2, v7;
	vm5 =	vmand vm13, vm5;
	v7 =	vld.idx.msk [tilespmem:v15+s11+$0x0], vm6;
	v6 =	vand.u32 $0xFFFFFF80, v6  }
0x424: {  	vm8 =	vmmov vm8;
	v6 =	vor.u32 v9, v6;
	v5 =	vld.idx.msk [tilespmem:v5+s11+$0x0], vm3  }
0x425: {  	v9 =	vnsel vm0, $0x0, v13;
	[tilespmem:s14+$0x0] =	vst v16;
	v10 =	vld.idx.msk [tilespmem:v12+s11+$0x0], vm4  }
0x426: {  	[tilespmem:s14+$0xFFFFFFF0] =	vst v9;
	v3 =	vld.idx.msk [tilespmem:v3+s11+$0x0], vm2  }
0x427: {  	[tilespmem:s14+$0xFFFFFFE0] =	vst v11;
	v9 =	vnsel vm1, $0x0, v14;
	v8 =	vld.idx.msk [tilespmem:v8+s11+$0x0], vm7  }
0x428: {  	[tilespmem:s14+$0xFFFFFFC0] =	vst v9;
	v7 =	vnsel vm6, $0x0, v7;
	v2 =	vld.idx.msk [tilespmem:v2+s11+$0x0], vm9  }
0x429: {  	[tilespmem:s15+$0x30] =	vst v7;
	v6 =	vld.idx.msk [tilespmem:v6+s11+$0x0], vm5;
	v5 =	vnsel vm3, $0x0, v5  }
0x42a: {  	v4 =	vld.idx.msk [tilespmem:v4+s11+$0x0], vm8;
	[tilespmem:s15+$0x10] =	vst v5;
	v7 =	vnsel vm4, $0x0, v10  }
0x42b: {  	v3 =	vnsel vm2, $0x0, v3;
	[tilespmem:s15+$0x20] =	vst v7  }
0x42c: {  	[tilespmem:s15+$0xFFFFFFD0] =	vst v3;
	v3 =	vnsel vm7, $0x0, v8  }
0x42d: {  	[tilespmem:s15+$0xFFFFFFF0] =	vst v3;
	v2 =	vnsel vm9, $0x0, v2  }
0x42e: {  	[tilespmem:s15+$0x0] =	vst v2;
	v2 =	vnsel vm5, $0x0, v6  }
0x42f: {  	[tilespmem:s15+$0xFFFFFFE0] =	vst v2;
	v2 =	vnsel vm8, $0x0, v4  }
0x430: {  	[tilespmem:s15+$0xFFFFFFC0] =	vst v2  }
0x431: {  	[hbm4b:s5+s9] =	stream.strided.scatter [tilespmem:s12], [sflag:$0x1], $0x2000, s10, s9, $0x38;
	[tilespmem:$0x1E700] =	vst v63  }
0x432: {  	_ =	swait.ge [sflag:s8], $0x2000  }
0x433: {  	[sflag:s8] =	ssyncset.done $0x0  }
0x434: {  	s17 =	simm.s32 $0x2070;
	[sflag:s8] =	ssyncadd.s32 $0xFFFFE000  }
0x435: {  	v2 =	vld [tilespmem:s17+$0xFFFFFFF0]  }
0x436: {  	v4 =	vld [tilespmem:s17+$0xFFFFFFD0]  }
0x437: {  	v5 =	vld [tilespmem:s17+$0xFFFFFFC0]  }
0x438: {  	v3 =	vld [tilespmem:s17+$0x0]  }
0x439: {  	v6 =	vld [tilespmem:s17+$0xFFFFFF90]  }
0x43a: {  	v7 =	vld [tilespmem:s17+$0xFFFFFFE0]  }
0x43b: {  	v9 =	vld [tilespmem:s17+$0xFFFFFFA0];
	vm1 =	vge.s32 v4, v0;
	vm2 =	vlt.s32 v4, v1  }
0x43c: {  	v8 =	vsub.s32 v4, v0;
	v10 =	vsub.s32 v5, v0;
	vm4 =	vlt.s32 v2, v1  }
0x43d: {  	v11 =	vld [tilespmem:s17+$0xFFFFFFB0];
	vm5 =	vlt.s32 v3, v1;
	vm0 =	vge.s32 v5, v0;
	vm3 =	vlt.s32 v5, v1  }
0x43e: {  	v5 =	vand.u32 $0x7F, v5;
	vm8 =	vge.s32 v2, v0;
	vm7 =	vge.s32 v3, v0  }
0x43f: {  	v12 =	vsub.s32 v3, v0;
	v3 =	vand.u32 $0x7F, v3;
	vm9 =	vlt.s32 v6, v1  }
0x440: {  	vm11 =	vge.s32 v7, v0;
	v13 =	vand.u32 $0x7F, v2;
	vm6 =	vge.s32 v9, v0  }
0x441: {  	v14 =	vand.u32 $0x7F, v7;
	vm10 =	vlt.s32 v9, v1;
	v15 =	vand.u32 $0x7F, v6  }
0x442: {  	v16 =	vand.u32 $0x7F, v11;
	vm12 =	vge.s32 v11, v0;
	v2 =	vsub.s32 v2, v0  }
0x443: {  	v4 =	vand.u32 $0x7F, v4;
	v12 =	vand.u32 $0xFFFFFF80, v12;
	vm5 =	vmand vm7, vm5  }
0x444: {  	v8 =	vand.u32 $0xFFFFFF80, v8;
	v10 =	vand.u32 $0xFFFFFF80, v10;
	v3 =	vor.u32 v3, v12  }
0x445: {  	vm7 =	vge.s32 v6, v0;
	vm4 =	vmand vm8, vm4;
	v2 =	vand.u32 $0xFFFFFF80, v2  }
0x446: {  	s18 =	simm.s32 $0x20F0;
	vm8 =	vlt.s32 v7, v1;
	v7 =	vsub.s32 v7, v0;
	v12 =	vsub.s32 v6, v0  }
0x447: {  	v6 =	vand.u32 $0xFFFFFF80, v12;
	v12 =	vor.u32 v13, v2;
	v2 =	vand.u32 $0xFFFFFF80, v7;
	v13 =	vld [tilespmem:s18+$0x0]  }
0x448: {  	vm0 =	vmand vm0, vm3;
	v18 =	vor.u32 v15, v6;
	v6 =	vor.u32 v14, v2;
	v2 =	vld [tilespmem:s18+$0xFFFFFFD0]  }
0x449: {  	vm10 =	vmand vm6, vm10;
	vm13 =	vmand vm1, vm2;
	vm7 =	vmand vm7, vm9;
	v3 =	vld.idx.msk [tilespmem:v3+s11+$0x0], vm5  }
0x44a: {  	vm8 =	vmand vm11, vm8;
	vm9 =	vlt.s32 v11, v1;
	v4 =	vor.u32 v4, v8;
	v7 =	vld [tilespmem:s18+$0xFFFFFFC0]  }
0x44b: {  	v8 =	vsub.s32 v11, v0;
	v14 =	vor.u32 v5, v10;
	v5 =	vsub.s32 v9, v0  }
0x44c: {  	v8 =	vand.u32 $0xFFFFFF80, v8;
	v9 =	vand.u32 $0x7F, v9;
	v5 =	vand.u32 $0xFFFFFF80, v5  }
0x44d: {  	vm9 =	vmand vm12, vm9;
	v15 =	vld [tilespmem:s18+$0xFFFFFF90];
	v8 =	vor.u32 v16, v8;
	v9 =	vor.u32 v9, v5  }
0x44e: {  	v10 =	vld.idx.msk [tilespmem:v12+s11+$0x0], vm4;
	vm2 =	vlt.s32 v2, v1;
	v12 =	vnsel vm5, $0x0, v3;
	v3 =	vimm.s32 $0x0  }
0x44f: {  	v17 =	vld [tilespmem:s18+$0xFFFFFFF0];
	v16 =	vsub.s32 v7, v0;
	vm3 =	vlt.s32 v13, v1;
	v3 =	vsel vm2, $0xFFFFFFFF, v3  }
0x450: {  	vm1 =	vmmov vm7;
	vm14 =	vge.s32 v7, v0;
	vm6 =	vge.s32 v13, v0;
	v6 =	vld.idx.msk [tilespmem:v6+s11+$0x0], vm8;
	[tilespmem:$0x1FFC0] =	vst v3  }
0x451: {  	vm7 =	vlt.s32 v7, v1;
	v21 =	vand.u32 $0x7F, v7;
	v23 =	vand.u32 $0x7F, v13;
	v5 =	vld [tilespmem:s18+$0xFFFFFFE0]  }
0x452: {  	vm15 =	vge.s32 v2, v0;
	v11 =	vsub.s32 v2, v0;
	vm6 =	vmand vm6, vm3;
	v3 =	vld [tilespmem:s18+$0xFFFFFFA0]  }
0x453: {  	vm3 =	vlt.s32 v15, v1;
	v22 =	vand.u32 $0xFFFFFF80, v16;
	v16 =	vsub.s32 v13, v0;
	v8 =	vld.idx.msk [tilespmem:v8+s11+$0x0], vm9  }
0x454: {  	v13 =	vand.u32 $0x7F, v17;
	v25 =	vand.u32 $0x7F, v15;
	v7 =	vand.u32 $0xFFFFFF80, v11;
	v9 =	vld.idx.msk [tilespmem:v9+s11+$0x0], vm10  }
0x455: {  	v19 =	vnsel vm4, $0x0, v10;
	vm4 =	vge.s32 v15, v0;
	v20 =	vnsel vm8, $0x0, v6;
	v6 =	vld [tilespmem:s18+$0xFFFFFFB0]  }
0x456: {  	s14 =	simm.s32 $0x1C740;
	vm2 =	vlt.s32 v17, v1;
	vm8 =	vmand vm4, vm3;
	vm3 =	vge.s32 v17, v0;
	v4 =	vld.idx.msk [tilespmem:v4+s11+$0x0], vm13  }
0x457: {  	v17 =	vsub.s32 v17, v0;
	vm4 =	vmand vm3, vm2;
	[tilespmem:s14+$0x30] =	vst v12;
	v12 =	vsub.s32 v15, v0  }
0x458: {  	v17 =	vand.u32 $0xFFFFFF80, v17;
	v11 =	vnsel vm9, $0x0, v8;
	v8 =	vand.u32 $0xFFFFFF80, v16  }
0x459: {  	vm11 =	vge.s32 v5, v0;
	v15 =	vor.u32 v23, v8;
	v8 =	vand.u32 $0xFFFFFF80, v12;
	v12 =	vld.idx.msk [tilespmem:v14+s11+$0x0], vm0  }
0x45a: {  	[tilespmem:s14+$0x10] =	vst v20;
	vm12 =	vge.s32 v3, v0;
	v10 =	vand.u32 $0x7F, v5;
	v24 =	vnsel vm10, $0x0, v9  }
0x45b: {  	s16 =	simm.s32 $0x8;
	[tilespmem:s14+$0x20] =	vst v19;
	vm10 =	vlt.s32 v3, v1;
	v16 =	vnsel vm13, $0x0, v4;
	vm13 =	vge.s32 v6, v0  }
0x45c: {  	s15 =	simm.s32 $0x1C7C0;
	s17 =	simm.s32 $0x1C7C0;
	s18 =	simm.s32 $0x2170;
	v9 =	vand.u32 $0x7F, v6;
	v14 =	vld.idx.msk [tilespmem:v18+s11+$0x0], vm1;
	[tilespmem:s14+$0xFFFFFFD0] =	vst v24;
	v4 =	vor.u32 v25, v8;
	v8 =	vor.u32 v21, v22  }
.LBB2_21:
0x45d: {  	vm2 =	vlt.s32 v6, v1  }
0x45e: {  	v13 =	vor.u32 v13, v17;
	v12 =	vnsel vm0, $0x0, v12;
	[tilespmem:s14+$0x0] =	vst v16;
	vm0 =	vlt.s32 v5, v1  }
0x45f: {  	v5 =	vsub.s32 v5, v0;
	v16 =	vand.u32 $0x7F, v2;
	[tilespmem:s14+$0xFFFFFFE0] =	vst v11;
	v6 =	vsub.s32 v6, v0  }
0x460: {  	vm9 =	vmand vm13, vm2;
	[tilespmem:s14+$0xFFFFFFF0] =	vst v12;
	v12 =	vld [tilespmem:s18+$0x0];
	v5 =	vand.u32 $0xFFFFFF80, v5;
	v11 =	vor.u32 v16, v7  }
0x461: {  	v2 =	vld [tilespmem:s18+$0xFFFFFFD0];
	v7 =	vor.u32 v10, v5;
	v5 =	vnsel vm1, $0x0, v14;
	v14 =	vsub.s32 v3, v0  }
0x462: {  	vm13 =	vmand vm11, vm0;
	v10 =	vld [tilespmem:s18+$0xFFFFFFC0];
	v3 =	vand.u32 $0x7F, v3;
	v14 =	vand.u32 $0xFFFFFF80, v14  }
0x463: {  	v14 =	vor.u32 v3, v14;
	v3 =	vand.u32 $0xFFFFFF80, v6;
	v6 =	vld [tilespmem:$0x1FFC0]  }
0x464: {  	v18 =	vld [tilespmem:s18+$0xFFFFFFF0];
	vm0 =	vmand vm14, vm7;
	vm14 =	vmand vm12, vm10  }
0x465: {  	v15 =	vld.idx.msk [tilespmem:v15+s11+$0x0], vm6;
	v9 =	vor.u32 v9, v3  }
0x466: {  	[tilespmem:s14+$0xFFFFFFC0] =	vst v5;
	v17 =	vld.idx.msk [tilespmem:v13+s11+$0x0], vm4;
	v3 =	vimm.s32 $0x0;
	vm2 =	vge.s32 v2, v0;
	v13 =	vsub.s32 v2, v0  }
0x467: {  	v16 =	vld [tilespmem:s18+$0xFFFFFF90];
	v22 =	vand.u32 $0x7F, v12;
	v3 =	vsel vm2, $0xFFFFFFFF, v3;
	vm2 =	vlt.s32 v2, v1  }
0x468: {  	v19 =	vld.idx.msk [tilespmem:v7+s11+$0x0], vm13;
	vm3 =	vge.s32 v10, v0;
	v7 =	vand.u32 $0xFFFFFF80, v13;
	vm1 =	vnez.u8 v6  }
0x469: {  	v5 =	vld [tilespmem:s18+$0xFFFFFFE0];
	v13 =	vand.u32 $0x7F, v18;
	[tilespmem:$0x1FFB0] =	vst v3;
	v3 =	vimm.s32 $0x0;
	vm15 =	vmand vm15, vm1  }
0x46a: {  	v6 =	vnsel vm6, $0x0, v15;
	v3 =	vsel vm2, $0xFFFFFFFF, v3;
	v15 =	vsub.s32 v10, v0;
	v24 =	vld.idx.msk [tilespmem:v14+s11+$0x0], vm14  }
0x46b: {  	s14 =	smov.u32 s15;
	vm2 =	vlt.s32 v18, v1;
	vm6 =	vlt.s32 v12, v1;
	vm1 =	vmmov vm8;
	[tilespmem:$0x1FFC0] =	vst v3;
	v3 =	vld [tilespmem:s18+$0xFFFFFFA0]  }
0x46c: {  	vm5 =	vlt.s32 v16, v1;
	[tilespmem:s14+$0x30] =	vst v6;
	v6 =	vimm.s32 $0x0;
	vm8 =	vge.s32 v12, v0;
	v23 =	vld.idx.msk [tilespmem:v9+s11+$0x0], vm9  }
0x46d: {  	v21 =	vand.u32 $0xFFFFFF80, v15;
	v15 =	vsub.s32 v12, v0;
	v12 =	vld.idx.msk [tilespmem:v8+s11+$0x0], vm0;
	v6 =	vsel vm3, $0xFFFFFFFF, v6  }
0x46e: {  	v26 =	vand.u32 $0x7F, v16;
	v17 =	vnsel vm4, $0x0, v17;
	v8 =	vand.u32 $0xFFFFFF80, v15;
	[tilespmem:$0x1FFA0] =	vst v6;
	v6 =	vld [tilespmem:s18+$0xFFFFFFB0]  }
0x46f: {  	v15 =	vor.u32 v22, v8;
	v8 =	vnsel vm13, $0x0, v19;
	v25 =	vld.idx.msk [tilespmem:v11+s11+$0x0], vm15;
	v11 =	vsub.s32 v16, v0  }
0x470: {  	vm4 =	vge.s32 v16, v0;
	vm3 =	vge.s32 v18, v0;
	[tilespmem:s14+$0x10] =	vst v8;
	v8 =	vld [tilespmem:$0x1FFA0];
	v16 =	vand.u32 $0xFFFFFF80, v11  }
0x471: {  	s16 =	sadd.s32 $0x8, s16;
	v14 =	vld.idx.msk [tilespmem:v4+s11+$0x0], vm1;
	v4 =	vor.u32 v26, v16;
	v16 =	vsub.s32 v18, v0;
	v18 =	vnsel vm14, $0x0, v24  }
0x472: {  	p2 =	slt.u32 s16, $0x1F8;
	vm7 =	vlt.s32 v10, v1;
	v20 =	vand.u32 $0x7F, v10;
	[tilespmem:s14+$0xFFFFFFD0] =	vst v18;
	v18 =	vld [tilespmem:$0x1FFB0]  }
.Ltmp23:
0x473: {  	vm11 =	vge.s32 v5, v0;
	v10 =	vand.u32 $0x7F, v5;
	vm6 =	vmand vm8, vm6;
	(pc) =	sbr.rel @p2 .LBB2_21-.Ltmp23, $4  }
0x474: {  	vm8 =	vmand vm4, vm5;
	vm4 =	vmand vm3, vm2;
	vm12 =	vge.s32 v3, v0  }
0x475: {  	vm10 =	vlt.s32 v3, v1;
	v9 =	vand.u32 $0x7F, v6;
	vm13 =	vge.s32 v6, v0  }
0x476: {  	s17 =	sadd.s32 $0x80, s17;
	v11 =	vnsel vm9, $0x0, v23;
	vm14 =	vnez.u8 v8;
	v8 =	vor.u32 v20, v21  }
0x477: {  	s15 =	smov.u32 s17;
	[tilespmem:s14+$0x20] =	vst v17;
	s18 =	sadd.s32 $0x80, s18;
	v17 =	vand.u32 $0xFFFFFF80, v16;
	v16 =	vnsel vm15, $0x0, v25;
	vm15 =	vnez.u8 v18  }
0x478: {  	v57 =	vld [tilespmem:$0x1FFC0]  }
0x479: {  	vm2 =	vlt.s32 v5, v1;
	v55 =	vsub.s32 v5, v0  }
0x47a: {  	vm3 =	vlt.s32 v6, v1;
	v13 =	vor.u32 v13, v17;
	v56 =	vsub.s32 v3, v0  }
0x47b: {  	vm5 =	vmand vm12, vm10;
	vm2 =	vmand vm11, vm2;
	v5 =	vand.u32 $0xFFFFFF80, v55  }
0x47c: {  	v3 =	vand.u32 $0x7F, v3;
	v5 =	vor.u32 v10, v5;
	v10 =	vand.u32 $0xFFFFFF80, v56  }
0x47d: {  	vm7 =	vmand vm14, vm7;
	v3 =	vor.u32 v3, v10;
	vm9 =	vnez.u8 v57  }
0x47e: {  	v2 =	vand.u32 $0x7F, v2;
	v58 =	vsub.s32 v6, v0;
	vm9 =	vmand vm15, vm9  }
0x47f: {  	v59 =	vld.idx.msk [tilespmem:v15+s11+$0x0], vm6;
	v2 =	vor.u32 v2, v7;
	vm3 =	vmand vm13, vm3;
	v6 =	vand.u32 $0xFFFFFF80, v58  }
0x480: {  	vm8 =	vmmov vm8;
	v6 =	vor.u32 v9, v6;
	v61 =	vld.idx.msk [tilespmem:v13+s11+$0x0], vm4  }
0x481: {  	[tilespmem:s14+$0x0] =	vst v16;
	v5 =	vld.idx.msk [tilespmem:v5+s11+$0x0], vm2  }
0x482: {  	v60 =	vnsel vm0, $0x0, v12;
	[tilespmem:s14+$0xFFFFFFE0] =	vst v11;
	v3 =	vld.idx.msk [tilespmem:v3+s11+$0x0], vm5  }
0x483: {  	v62 =	vnsel vm1, $0x0, v14;
	[tilespmem:s14+$0xFFFFFFF0] =	vst v60;
	v8 =	vld.idx.msk [tilespmem:v8+s11+$0x0], vm7  }
0x484: {  	[tilespmem:s14+$0xFFFFFFC0] =	vst v62;
	v7 =	vnsel vm6, $0x0, v59;
	v2 =	vld.idx.msk [tilespmem:v2+s11+$0x0], vm9  }
0x485: {  	[tilespmem:s15+$0x30] =	vst v7;
	v6 =	vld.idx.msk [tilespmem:v6+s11+$0x0], vm3;
	v63 =	vnsel vm4, $0x0, v61  }
0x486: {  	v4 =	vld.idx.msk [tilespmem:v4+s11+$0x0], vm8;
	[tilespmem:s15+$0x20] =	vst v63;
	v5 =	vnsel vm2, $0x0, v5  }
0x487: {  	[tilespmem:s15+$0x10] =	vst v5;
	v3 =	vnsel vm5, $0x0, v3  }
.Ltmp24:
0x488: {  	[tilespmem:s15+$0xFFFFFFD0] =	vst v3;
	v3 =	vnsel vm7, $0x0, v8;
	(pc) =	sbr.rel .LBB2_44-.Ltmp24, $4  }
0x489: {  	[tilespmem:s15+$0xFFFFFFF0] =	vst v3;
	v2 =	vnsel vm9, $0x0, v2  }
0x48a: {  	[tilespmem:s15+$0x0] =	vst v2;
	v2 =	vnsel vm3, $0x0, v6  }
0x48b: {  	[tilespmem:s15+$0xFFFFFFE0] =	vst v2;
	v2 =	vnsel vm8, $0x0, v4  }
0x48c: {  	s14 =	smov.u32 s30;
	[tilespmem:s15+$0xFFFFFFC0] =	vst v2  }
.LBB2_45:
0x48d: {  	_ =	sfence.sel $0x180000  }
0x48e: {  	[bflag:$0x0] =	sbarrier.arrive $0xFFFF  }
0x48f: {  	_ =	strace $0x90000047  }
0x490: {  	s0 =	stileid.u32;
	[bflag:$0x2] =	sbarrier.arrive $0xFFFF  }
0x491: {  	p0 =	sne.s32 s0, $0x0;
	s0 =	rddreg [dreg:$0x9]  }
0x492: {  	s0 =	sadd.s32 @!p0 $0x100000, s0  }
0x493: {  	[sflag:s0] =	ssyncadd.tile.s32 @!p0 $0x1;
	_ =	shalt  }
.Lfunc_end2:
_tile_overlayer_lowered:
.L_overlay_start_2:
0x494: {  	(tag) =	ssettag $0x2  }
0x495: {  	s0 =	rddreg [dreg:$0x0];
	s2 =	stileid.u32  }
0x496: {  	s1 =	rddreg [dreg:$0x1];
	p0 =	sne.s32 s2, $0x0  }
0x497: {  	s3 =	rddreg [dreg:$0x2];
	[bflag:$0x3] =	sbarrier.arrive $0xFFFF;
	s2 =	simm.s32 @!p0 $0x1C01  }
0x498: {  	[timem:s3], [sflag:s2] =	dma.local @!p0 [hbm:s0], s1  }
0x499: {  	s0 =	simm.s32 @!p0 $0x1  }
0x49a: {  	_ =	swait.ge @!p0 [sflag:s0], s1  }
0x49b: {  	s1 =	ssub.s32 @!p0 $0x0, s1;
	[sflag:s0] =	ssyncset.done @!p0 $0x0  }
0x49c: {  	[sflag:s0] =	ssyncadd.s32 @!p0 s1  }
0x49d: {  	[bflag:$0x3] =	sbarrier.arrive $0xFFFF  }
0x49e: {  	_ =	shalt  }

</sc_bundles>
